<compile_context>
chip_gen: v7x
topology: tpu7x:2x2x1
jax: 0.10.2.dev20260603
libtpu: 0.0.44.dev20260713+nightly
codegen_flags: <defaults>
</compile_context>

<pallas_src>
import functools

import jax
import jax.numpy as jnp
from jax import lax
from jax.experimental import pallas as pl
from jax.experimental.pallas import tpu as pltpu
from jax.experimental.pallas import tpu_sc as plsc

N = 10000
K = 32
C = 128
HID = 256
H2 = 128
DEPTH = 3
E = N * K
R = 128
NW = 32
NCH = E // R
BN = 80
BE = BN * K
GRID = N // BN


NTMAX = NCH // NW + 1
NBUF = 4
EPAD = ((NW - 1) * (NCH // NW) + (NCH - (NCH // NW) * NW) + NTMAX) * R


def _sc_gather(table, idx_p, d):
    mesh = plsc.VectorSubcoreMesh(core_axis_name="c", subcore_axis_name="s")

    @functools.partial(
        pl.kernel,
        mesh=mesh,
        out_type=jax.ShapeDtypeStruct((E, d), jnp.float32),
        scratch_types=[
            pltpu.VMEM((NTMAX * R,), jnp.int32),
        ] + [pltpu.VMEM((R, d), jnp.float32) for _ in range(NBUF)]
        + [pltpu.SemaphoreType.DMA for _ in range(2 * NBUF)],
    )
    def gk(table_hbm, idx_hbm, out_hbm, idx_v, *bufs_and_sems):
        rbufs = bufs_and_sems[:NBUF]
        gsems = bufs_and_sems[NBUF:2 * NBUF]
        wsems = bufs_and_sems[2 * NBUF:]
        wid = lax.axis_index("s") * 2 + lax.axis_index("c")
        rem = NCH - (NCH // NW) * NW
        nt = NCH // NW + jnp.where(wid < rem, 1, 0)
        s0 = wid * (NCH // NW) + jnp.minimum(wid, rem)
        pltpu.sync_copy(idx_hbm.at[pl.ds(s0 * R, NTMAX * R)], idx_v)

        def body(t, carry):
            for b in range(NBUF):
                c = t * NBUF + b

                @pl.when(c < nt)
                def _(b=b, c=c):
                    pltpu.async_copy(
                        table_hbm.at[idx_v.at[pl.ds(c * R, R)]],
                        rbufs[b], gsems[b])

            for b in range(NBUF):
                c = t * NBUF + b

                @pl.when(c < nt)
                def _(b=b, c=c):
                    pltpu.make_async_copy(
                        table_hbm.at[idx_v.at[pl.ds(c * R, R)]],
                        rbufs[b], gsems[b]).wait()
                    pltpu.async_copy(
                        rbufs[b], out_hbm.at[pl.ds((s0 + c) * R, R)],
                        wsems[b])

            for b in range(NBUF):
                c = t * NBUF + b

                @pl.when(c < nt)
                def _(b=b, c=c):
                    pltpu.make_async_copy(
                        rbufs[b], out_hbm.at[pl.ds((s0 + c) * R, R)],
                        wsems[b]).wait()

            return carry

        lax.fori_loop(0, (NTMAX + NBUF - 1) // NBUF, body, 0)

    return gk(table, idx_p)


GT = BE // C


def _geom_body(bi_ref, bj_ref, out_ref):
    bi8 = jnp.broadcast_to(
        bi_ref[...][:, None, :], (BN, K, 8)).reshape(GT, C, 8)
    bit = jnp.swapaxes(bi8, 1, 2)
    bjt = jnp.swapaxes(bj_ref[...].reshape(GT, C, C), 1, 2)
    dx = bit[:, 0, :] - bjt[:, 0, :]
    dy = bit[:, 1, :] - bjt[:, 1, :]
    dist = jnp.sqrt(dx * dx + dy * dy)
    mi = jnp.minimum(bit[:, 2, :], bit[:, 3, :])
    mj = jnp.minimum(bjt[:, 2, :], bjt[:, 3, :])
    scale = jnp.log(jnp.maximum(mi / mj, 1e-6))
    dth = bit[:, 4, :] - bjt[:, 4, :]
    c = jnp.cos(dth)
    s = jnp.sin(dth)
    sub = lax.broadcasted_iota(jnp.int32, (GT, C, C), 1)
    canvas = jnp.where(
        sub == 0, dist[:, None, :],
        jnp.where(sub == 1, scale[:, None, :],
                  jnp.where(sub == 2, c[:, None, :],
                            jnp.where(sub == 3, s[:, None, :], 0.0))))
    out_ref[...] = jnp.swapaxes(canvas, 1, 2).reshape(BE, C)[:, :8]


def _edge_geom(bi, bj):
    return pl.pallas_call(
        _geom_body,
        grid=(GRID,),
        in_specs=[
            pl.BlockSpec((BN, 8), lambda i: (i, 0)),
            pl.BlockSpec((BE, C), lambda i: (i, 0)),
        ],
        out_specs=pl.BlockSpec((BE, 8), lambda i: (i, 0)),
        out_shape=jax.ShapeDtypeStruct((E, 8), jnp.float32),
    )(bi, bj)


def _layer_body(x_ref, gx_ref, geom_ref, we1t_ref, be1_ref, we2t_ref, be2_ref,
                wm1t_ref, bm1_ref, wa8_ref, ba_ref, wm2t_ref, bm2_ref,
                out_ref):
    gx = gx_ref[...]
    geom = geom_ref[...]
    gxt = jnp.swapaxes(gx.reshape(GT, C, C), 1, 2)
    geomt = jnp.swapaxes(geom.reshape(GT, C, 8), 1, 2)
    cp = geomt[:, 2, :]
    sp = geomt[:, 3, :]
    x0p = gxt[:, 0, :]
    x1p = gxt[:, 1, :]
    al0 = cp * x0p - sp * x1p
    al1 = sp * x0p + cp * x1p
    sub = lax.broadcasted_iota(jnp.int32, (GT, C, C), 1)
    nbr_al_t = jnp.where(sub == 0, al0[:, None, :],
                         jnp.where(sub == 1, al1[:, None, :], gxt))
    nbr_al = jnp.swapaxes(nbr_al_t, 1, 2).reshape(BE, C)

    e1 = jnp.maximum(
        jnp.dot(geom[:, :4], we1t_ref[...],
                preferred_element_type=jnp.float32) + be1_ref[...], 0.0)
    e_emb = jnp.maximum(
        jnp.dot(e1, we2t_ref[...], preferred_element_type=jnp.float32)
        + be2_ref[...], 0.0)

    xq = x_ref[...]
    q = jnp.broadcast_to(xq[:, None, :], (BN, K, C)).reshape(BE, C)
    attn_in = jnp.concatenate([q, nbr_al, e_emb], axis=1)

    h = (jnp.dot(attn_in[:, C:], wm1t_ref[...],
                 preferred_element_type=jnp.float32)
         + bm1_ref[...])
    msg = (jnp.dot(jnp.maximum(h, 0.0), wm2t_ref[...],
                   preferred_element_type=jnp.float32)
           + bm2_ref[...])

    lg = jnp.dot(attn_in, wa8_ref[...],
                 preferred_element_type=jnp.float32)[:, 0:1] + ba_ref[...]
    lgb = jnp.broadcast_to(lg, (BE, C)).reshape(BN, K, C)
    m = jnp.max(lgb, axis=1, keepdims=True)
    ex = jnp.exp(lgb - m)
    alpha = ex / jnp.sum(ex, axis=1, keepdims=True)

    agg = jnp.sum(alpha * msg.reshape(BN, K, C), axis=1)
    out_ref[...] = xq + agg


def _layer(x, gx, geom, w):
    full = lambda shape: pl.BlockSpec(shape, lambda i: tuple(0 for _ in shape))
    return pl.pallas_call(
        _layer_body,
        grid=(GRID,),
        in_specs=[
            pl.BlockSpec((BN, C), lambda i: (i, 0)),
            pl.BlockSpec((BE, C), lambda i: (i, 0)),
            pl.BlockSpec((BE, 8), lambda i: (i, 0)),
            full((4, C)), full((1, C)), full((C, C)), full((1, C)),
            full((HID, HID)), full((1, HID)),
            full((3 * C, 8)), full((1, 1)),
            full((HID, C)), full((1, C)),
        ],
        out_specs=pl.BlockSpec((BN, C), lambda i: (i, 0)),
        out_shape=jax.ShapeDtypeStruct((N, C), jnp.float32),
    )(x, gx, geom, *w)


HB = 400


def _head_body(x_ref, boxes_ref, wdt_ref, bd_ref, ws1t_ref, bs1_ref,
               ws2_ref, bs2_ref, bout_ref, sout_ref):
    x = x_ref[...]
    b = boxes_ref[...]
    delta = jnp.dot(x, wdt_ref[...], preferred_element_type=jnp.float32) \
        + bd_ref[...]
    s1 = jnp.maximum(
        jnp.dot(x, ws1t_ref[...], preferred_element_type=jnp.float32)
        + bs1_ref[...], 0.0)
    sd = jnp.dot(s1, ws2_ref[...],
                 preferred_element_type=jnp.float32)[:, 0:1] + bs2_ref[...]
    sout_ref[...] = sd

    bx = b[:, 0:1]
    by = b[:, 1:2]
    bw = b[:, 2:3]
    bh = b[:, 3:4]
    bth = b[:, 4:5]
    dx = delta[:, 0:1]
    dy = delta[:, 1:2]
    dw = delta[:, 2:3]
    dh = delta[:, 3:4]
    dcos = delta[:, 4:5]
    dsin = delta[:, 5:6]
    w_ = jnp.maximum(bw * (1.0 + jnp.tanh(dw)), 1e-3)
    h_ = jnp.maximum(bh * (1.0 + jnp.tanh(dh)), 1e-3)
    vx = jnp.cos(bth) + dcos
    vy = jnp.sin(bth) + dsin
    th = jnp.arctan2(vy, vx)
    lane = lax.broadcasted_iota(jnp.int32, (HB, 8), 1)
    bout_ref[...] = jnp.where(
        lane == 0, bx + dx,
        jnp.where(lane == 1, by + dy,
                  jnp.where(lane == 2, w_,
                            jnp.where(lane == 3, h_,
                                      jnp.where(lane == 4, th, 0.0)))))


def _head(x, boxes_p, wdt8, bd8, ws1t, bs1r, ws2r, bs2r):
    full = lambda shape: pl.BlockSpec(shape, lambda i: tuple(0 for _ in shape))
    return pl.pallas_call(
        _head_body,
        grid=(N // HB,),
        in_specs=[
            pl.BlockSpec((HB, C), lambda i: (i, 0)),
            pl.BlockSpec((HB, 8), lambda i: (i, 0)),
            full((C, 8)), full((1, 8)), full((C, 128)), full((1, 128)),
            full((128, 8)), full((1, 1)),
        ],
        out_specs=[
            pl.BlockSpec((HB, 8), lambda i: (i, 0)),
            pl.BlockSpec((HB, 1), lambda i: (i, 0)),
        ],
        out_shape=[
            jax.ShapeDtypeStruct((N, 8), jnp.float32),
            jax.ShapeDtypeStruct((N, 1), jnp.float32),
        ],
    )(x, boxes_p, wdt8, bd8, ws1t, bs1r, ws2r, bs2r)


def kernel(roi_feats, boxes, scores, nbr_idx, We1, be1, We2, be2, Wm1, bm1,
           Wm2, bm2, Wa, ba, Wd, bd, Ws1, bs1, Ws2, bs2):
    flat_idx = nbr_idx.reshape(-1).astype(jnp.int32)
    idx_p = jnp.pad(flat_idx, (0, EPAD - E))
    boxes_p = jnp.pad(boxes.astype(jnp.float32), ((0, 0), (0, 3)))
    boxes_p128 = jnp.pad(boxes.astype(jnp.float32), ((0, 0), (0, C - 5)))

    bj = _sc_gather(boxes_p128, idx_p, C)
    geom = _edge_geom(boxes_p, bj)

    x = roi_feats.astype(jnp.float32)
    for l in range(DEPTH):
        wa8 = jnp.zeros((3 * C, 8), jnp.float32).at[:, 0].set(Wa[l, 0, :])
        w = (
            We1[l].T, be1[l][None, :], We2[l].T, be2[l][None, :],
            Wm1[l].T, bm1[l][None, :],
            wa8, ba[l][None, :],
            Wm2[l].T, bm2[l][None, :],
        )
        gx = _sc_gather(x, idx_p, C)
        x = _layer(x, gx, geom, w)

    wdt8 = jnp.zeros((C, 8), jnp.float32).at[:, :6].set(Wd.T)
    bd8 = jnp.zeros((1, 8), jnp.float32).at[:, :6].set(bd)
    ws28 = jnp.zeros((128, 8), jnp.float32).at[:, 0].set(Ws2[0, :])
    bref8, sd = _head(x, boxes_p, wdt8, bd8, Ws1.T, bs1[None, :],
                      ws28, bs2[None, :])
    return bref8[:, :5], sd[:, 0], x

# --- scband reference (transcript-rebuilt; emitter-appended) ---
"""Pipeline reference for scband-se2-asghead-33423435497892 (READ-ONLY COPY).

The authoritative reference and input builder live on the scoring server;
editing this copy changes nothing except your own understanding.
"""

import jax, jax.numpy as jnp
import numpy as np

N = 10000
K = 32
C = 128
HID = 256
H2 = 128
DEPTH = 3


def setup_inputs(seed: int = 0) -> dict:
    key = jax.random.key(seed)
    ks = jax.random.split(key, 12)
    sc = 0.05
    inp = {}
    inp["roi_feats"] = jax.random.normal(ks[0], (N, C), dtype=jnp.float32)
    inp["boxes"] = jax.random.uniform(ks[1], (N, 5), dtype=jnp.float32)
    inp["scores"] = jax.random.uniform(ks[2], (N,), dtype=jnp.float32)
    inp["nbr_idx"] = jax.random.randint(ks[3], (N, K), 0, N)
    inp["We1"] = jax.random.normal(ks[4], (DEPTH, H2, 4), dtype=jnp.float32) * sc
    inp["be1"] = jnp.zeros((DEPTH, H2), dtype=jnp.float32)
    inp["We2"] = jax.random.normal(ks[5], (DEPTH, H2, H2), dtype=jnp.float32) * sc
    inp["be2"] = jnp.zeros((DEPTH, H2), dtype=jnp.float32)
    inp["Wm1"] = jax.random.normal(ks[6], (DEPTH, HID, C + H2), dtype=jnp.float32) * sc
    inp["bm1"] = jnp.zeros((DEPTH, HID), dtype=jnp.float32)
    inp["Wm2"] = jax.random.normal(ks[7], (DEPTH, C, HID), dtype=jnp.float32) * sc
    inp["bm2"] = jnp.zeros((DEPTH, C), dtype=jnp.float32)
    inp["Wa"] = jax.random.normal(ks[8], (DEPTH, 1, 2 * C + H2), dtype=jnp.float32) * sc
    inp["ba"] = jnp.zeros((DEPTH, 1), dtype=jnp.float32)
    inp["Wd"] = jax.random.normal(ks[9], (6, C), dtype=jnp.float32) * sc
    inp["bd"] = jnp.zeros((6,), dtype=jnp.float32)
    inp["Ws1"] = jax.random.normal(ks[10], (128, C), dtype=jnp.float32) * sc
    inp["bs1"] = jnp.zeros((128,), dtype=jnp.float32)
    inp["Ws2"] = jax.random.normal(ks[11], (1, 128), dtype=jnp.float32) * sc
    inp["bs2"] = jnp.zeros((1,), dtype=jnp.float32)
    return inp


def _edge_features(bi, bj):
    dist = jnp.linalg.norm(bi[..., :2] - bj[..., :2], axis=-1, keepdims=True)
    mi = jnp.minimum(bi[..., 2], bi[..., 3])
    mj = jnp.minimum(bj[..., 2], bj[..., 3])
    scale = jnp.log(jnp.maximum(mi / mj, 1e-6))[..., None]
    dth = bi[..., 4] - bj[..., 4]
    return jnp.concatenate([dist, scale, jnp.cos(dth)[..., None], jnp.sin(dth)[..., None]], axis=-1)


def _forward(roi_feats, boxes, scores, We1, be1, We2, be2, Wm1, bm1, Wm2, bm2, Wa, ba, Wd, bd, Ws1, bs1, Ws2, bs2, nbr_idx):
    x = roi_feats
    for l in range(DEPTH):
        nbr = jnp.take(x, nbr_idx, axis=0)
        bj = jnp.take(boxes, nbr_idx, axis=0)
        dtheta = boxes[:, None, 4] - bj[..., 4]
        c = jnp.cos(dtheta)[..., None]
        s = jnp.sin(dtheta)[..., None]
        xh = nbr[..., 0:1]
        yh = nbr[..., 1:2]
        nbr_al = jnp.concatenate([c * xh - s * yh, s * xh + c * yh, nbr[..., 2:]], axis=-1)
        bi = jnp.broadcast_to(boxes[:, None, :], bj.shape)
        e = _edge_features(bi, bj)
        e1 = jax.nn.relu(e @ We1[l].T + be1[l])
        e_emb = jax.nn.relu(e1 @ We2[l].T + be2[l])
        q = jnp.broadcast_to(x[:, None, :], nbr.shape)
        attn_in = jnp.concatenate([q, nbr_al, e_emb], axis=-1)
        logits = (attn_in @ Wa[l].T + ba[l])[..., 0]
        alpha = jax.nn.softmax(logits, axis=1)
        msg_in = jnp.concatenate([nbr_al, e_emb], axis=-1)
        msg = jax.nn.relu(msg_in @ Wm1[l].T + bm1[l]) @ Wm2[l].T + bm2[l]
        x = x + jnp.sum(alpha[..., None] * msg, axis=1)
    delta = x @ Wd.T + bd
    bx, by, bw, bh, bth = (boxes[:, 0], boxes[:, 1], boxes[:, 2], boxes[:, 3], boxes[:, 4])
    dx, dy, dw, dh, dcos, dsin = (delta[:, 0], delta[:, 1], delta[:, 2], delta[:, 3], delta[:, 4], delta[:, 5])
    w_ = jnp.maximum(bw * (1.0 + jnp.tanh(dw)), 1e-3)
    h_ = jnp.maximum(bh * (1.0 + jnp.tanh(dh)), 1e-3)
    vx = jnp.cos(bth) + dcos
    vy = jnp.sin(bth) + dsin
    th_ = jnp.arctan2(vy, vx)
    boxes_ref = jnp.stack([bx + dx, by + dy, w_, h_, th_], axis=-1)
    score_delta = (jax.nn.relu(x @ Ws1.T + bs1) @ Ws2.T + bs2)[..., 0]
    return boxes_ref, score_delta, x


def reference(roi_feats, boxes, scores, nbr_idx, We1, be1, We2, be2, Wm1, bm1, Wm2, bm2, Wa, ba, Wd, bd, Ws1, bs1, Ws2, bs2):
    boxes_ref, score_delta, feat = _forward(roi_feats, boxes, scores, We1, be1, We2, be2, Wm1, bm1, Wm2, bm2, Wa, ba, Wd, bd, Ws1, bs1, Ws2, bs2, nbr_idx)
    return (boxes_ref, score_delta, feat)

if __name__ == "__main__":
    import jax
    _d = setup_inputs()
    print(jax.jit(kernel)(*tuple(_d.values())))

</pallas_src>

<mosaic_0001>
#map = affine_map<(d0, d1) -> (0, 0)>
#map1 = affine_map<(d0, d1) -> (0)>
module attributes {stable_mosaic.version = 14 : i64} {
  func.func @gk(%arg0: i32, %arg1: i32, %arg2: memref<10000x128xf32, #tpu.memory_space<hbm>>, %arg3: memref<320128xi32, #tpu.memory_space<hbm>>, %arg4: memref<320000x128xf32, #tpu.memory_space<hbm>>, %arg5: memref<10112xi32, #tpu.memory_space<vmem>>, %arg6: memref<128x128xf32, #tpu.memory_space<vmem>>, %arg7: memref<128x128xf32, #tpu.memory_space<vmem>>, %arg8: memref<128x128xf32, #tpu.memory_space<vmem>>, %arg9: memref<128x128xf32, #tpu.memory_space<vmem>>, %arg10: memref<!tpu.dma_semaphore, #tpu.memory_space<semaphore_mem>>, %arg11: memref<!tpu.dma_semaphore, #tpu.memory_space<semaphore_mem>>, %arg12: memref<!tpu.dma_semaphore, #tpu.memory_space<semaphore_mem>>, %arg13: memref<!tpu.dma_semaphore, #tpu.memory_space<semaphore_mem>>, %arg14: memref<!tpu.dma_semaphore, #tpu.memory_space<semaphore_mem>>, %arg15: memref<!tpu.dma_semaphore, #tpu.memory_space<semaphore_mem>>, %arg16: memref<!tpu.dma_semaphore, #tpu.memory_space<semaphore_mem>>, %arg17: memref<!tpu.dma_semaphore, #tpu.memory_space<semaphore_mem>>) attributes {dimension_semantics = [#tpu.dimension_semantics<core_parallel>, #tpu.dimension_semantics<subcore_parallel>], iteration_bounds = array<i64: 2, 16>, scalar_prefetch = 0 : i64, scratch_operands = 13 : i64, tpu.core_type = #tpu.core_type<sc_vector_subcore>, window_params = [{transform_indices = #map}, {transform_indices = #map1}, {transform_indices = #map}]} {
    %mul3A = arith.constant 2 : i32
    %mul3A_0 = arith.muli %arg1, %mul3A : i32
    %add3A = arith.addi %mul3A_0, %arg0 : i32
    %lt3A = arith.constant 4 : i32
    %lt3A_1 = arith.cmpi slt, %add3A, %lt3A : i32
    %jit3A = arith.constant 1 : i32
    %jit3A_2 = arith.constant 0 : i32
    %select_n3A = arith.select %lt3A_1, %jit3A, %jit3A_2 : i32
    %add3A_3 = arith.constant 78 : i32
    %add3A_4 = arith.addi %add3A_3, %select_n3A : i32
    %mul3A_5 = arith.constant 78 : i32
    %mul3A_6 = arith.muli %add3A, %mul3A_5 : i32
    %min3A = arith.constant 4 : i32
    %min3A_7 = arith.minsi %add3A, %min3A : i32
    %add3A_8 = arith.addi %mul3A_6, %min3A_7 : i32
    %mul3A_9 = arith.constant 128 : i32
    %mul3A_10 = arith.muli %add3A_8, %mul3A_9 : i32
    "tpu.region"() ({
      %run_scoped3A = tpu.sem_alloc : memref<!tpu.dma_semaphore, #tpu.memory_space<semaphore_mem>>
      %dma_start3A = tpu.memref_slice %arg3[%mul3A_10] : memref<320128xi32, #tpu.memory_space<hbm>> -> memref<10112xi32, #tpu.memory_space<hbm>>
      %dma_start3A_16 = tpu.memref_slice %arg3[%mul3A_10] : memref<320128xi32, #tpu.memory_space<hbm>> -> memref<10112xi32, #tpu.memory_space<hbm>>
      tpu.enqueue_dma source(%dma_start3A_16 : memref<10112xi32, #tpu.memory_space<hbm>>) target(%arg5 : memref<10112xi32, #tpu.memory_space<vmem>>) target_semaphore(%run_scoped3A : memref<!tpu.dma_semaphore, #tpu.memory_space<semaphore_mem>>)
      %dma_wait3A = tpu.memref_slice %arg3[%mul3A_10] : memref<320128xi32, #tpu.memory_space<hbm>> -> memref<10112xi32, #tpu.memory_space<hbm>>
      %dma_wait3A_17 = tpu.memref_slice %arg3[%mul3A_10] : memref<320128xi32, #tpu.memory_space<hbm>> -> memref<10112xi32, #tpu.memory_space<hbm>>
      tpu.wait_dma2 semaphore(%run_scoped3A : memref<!tpu.dma_semaphore, #tpu.memory_space<semaphore_mem>>) src(%dma_wait3A_17 : memref<10112xi32, #tpu.memory_space<hbm>>) dst(%arg5 : memref<10112xi32, #tpu.memory_space<vmem>>)
      tpu.yield
    }) : () -> ()
    %scan3A = arith.constant 0 : i32
    %scan3A_11 = arith.constant 0 : i32
    %scan3A_12 = arith.constant 20 : i32
    %scan3A_13 = arith.addi %scan3A_11, %scan3A_12 : i32
    %scan3A_14 = arith.constant 1 : i32
    scf.for %scan3A_16 = %scan3A_11 to %scan3A_13 step %scan3A_14  : i32 {
      %mul3A_17 = arith.constant 4 : i32
      %mul3A_18 = arith.muli %scan3A_16, %mul3A_17 : i32
      %add3A_19 = arith.constant 0 : i32
      %add3A_20 = arith.addi %mul3A_18, %add3A_19 : i32
      %lt3A_21 = arith.cmpi slt, %add3A_20, %add3A_4 : i32
      %convert_element_type3A = arith.extui %lt3A_21 : i1 to i32
      %cond3A = arith.constant 0 : i32
      %cond3A_22 = arith.cmpi ne, %convert_element_type3A, %cond3A : i32
      scf.if %cond3A_22 {
        %mul3A_111 = arith.constant 128 : i32
        %mul3A_112 = arith.muli %add3A_20, %mul3A_111 : i32
        %dma_start3A = tpu.memref_slice %arg5[%mul3A_112] : memref<10112xi32, #tpu.memory_space<vmem>> -> memref<128xi32, #tpu.memory_space<vmem>>
        %dma_start3A_113 = arith.constant 0 : i32
        %dma_start3A_114 = arith.constant 0 : i32
        %dma_start3A_115 = tpu.memref_slice %arg2[%dma_start3A_113, %dma_start3A_114] : memref<10000x128xf32, #tpu.memory_space<hbm>> -> memref<10000x128xf32, #tpu.memory_space<hbm>>
        tpu.enqueue_indirect_dma source(%dma_start3A_115 : memref<10000x128xf32, #tpu.memory_space<hbm>>) target(%arg6 : memref<128x128xf32, #tpu.memory_space<vmem>>) offsets(%dma_start3A : memref<128xi32, #tpu.memory_space<vmem>>) semaphore(%arg10 : memref<!tpu.dma_semaphore, #tpu.memory_space<semaphore_mem>>)
      } else {
      }
      %mul3A_23 = arith.constant 4 : i32
      %mul3A_24 = arith.muli %scan3A_16, %mul3A_23 : i32
      %add3A_25 = arith.constant 1 : i32
      %add3A_26 = arith.addi %mul3A_24, %add3A_25 : i32
      %lt3A_27 = arith.cmpi slt, %add3A_26, %add3A_4 : i32
      %convert_element_type3A_28 = arith.extui %lt3A_27 : i1 to i32
      %cond3A_29 = arith.constant 0 : i32
      %cond3A_30 = arith.cmpi ne, %convert_element_type3A_28, %cond3A_29 : i32
      scf.if %cond3A_30 {
        %mul3A_111 = arith.constant 128 : i32
        %mul3A_112 = arith.muli %add3A_26, %mul3A_111 : i32
        %dma_start3A = tpu.memref_slice %arg5[%mul3A_112] : memref<10112xi32, #tpu.memory_space<vmem>> -> memref<128xi32, #tpu.memory_space<vmem>>
        %dma_start3A_113 = arith.constant 0 : i32
        %dma_start3A_114 = arith.constant 0 : i32
        %dma_start3A_115 = tpu.memref_slice %arg2[%dma_start3A_113, %dma_start3A_114] : memref<10000x128xf32, #tpu.memory_space<hbm>> -> memref<10000x128xf32, #tpu.memory_space<hbm>>
        tpu.enqueue_indirect_dma source(%dma_start3A_115 : memref<10000x128xf32, #tpu.memory_space<hbm>>) target(%arg7 : memref<128x128xf32, #tpu.memory_space<vmem>>) offsets(%dma_start3A : memref<128xi32, #tpu.memory_space<vmem>>) semaphore(%arg11 : memref<!tpu.dma_semaphore, #tpu.memory_space<semaphore_mem>>)
      } else {
      }
      %mul3A_31 = arith.constant 4 : i32
      %mul3A_32 = arith.muli %scan3A_16, %mul3A_31 : i32
      %add3A_33 = arith.constant 2 : i32
      %add3A_34 = arith.addi %mul3A_32, %add3A_33 : i32
      %lt3A_35 = arith.cmpi slt, %add3A_34, %add3A_4 : i32
      %convert_element_type3A_36 = arith.extui %lt3A_35 : i1 to i32
      %cond3A_37 = arith.constant 0 : i32
      %cond3A_38 = arith.cmpi ne, %convert_element_type3A_36, %cond3A_37 : i32
      scf.if %cond3A_38 {
        %mul3A_111 = arith.constant 128 : i32
        %mul3A_112 = arith.muli %add3A_34, %mul3A_111 : i32
        %dma_start3A = tpu.memref_slice %arg5[%mul3A_112] : memref<10112xi32, #tpu.memory_space<vmem>> -> memref<128xi32, #tpu.memory_space<vmem>>
        %dma_start3A_113 = arith.constant 0 : i32
        %dma_start3A_114 = arith.constant 0 : i32
        %dma_start3A_115 = tpu.memref_slice %arg2[%dma_start3A_113, %dma_start3A_114] : memref<10000x128xf32, #tpu.memory_space<hbm>> -> memref<10000x128xf32, #tpu.memory_space<hbm>>
        tpu.enqueue_indirect_dma source(%dma_start3A_115 : memref<10000x128xf32, #tpu.memory_space<hbm>>) target(%arg8 : memref<128x128xf32, #tpu.memory_space<vmem>>) offsets(%dma_start3A : memref<128xi32, #tpu.memory_space<vmem>>) semaphore(%arg12 : memref<!tpu.dma_semaphore, #tpu.memory_space<semaphore_mem>>)
      } else {
      }
      %mul3A_39 = arith.constant 4 : i32
      %mul3A_40 = arith.muli %scan3A_16, %mul3A_39 : i32
      %add3A_41 = arith.constant 3 : i32
      %add3A_42 = arith.addi %mul3A_40, %add3A_41 : i32
      %lt3A_43 = arith.cmpi slt, %add3A_42, %add3A_4 : i32
      %convert_element_type3A_44 = arith.extui %lt3A_43 : i1 to i32
      %cond3A_45 = arith.constant 0 : i32
      %cond3A_46 = arith.cmpi ne, %convert_element_type3A_44, %cond3A_45 : i32
      scf.if %cond3A_46 {
        %mul3A_111 = arith.constant 128 : i32
        %mul3A_112 = arith.muli %add3A_42, %mul3A_111 : i32
        %dma_start3A = tpu.memref_slice %arg5[%mul3A_112] : memref<10112xi32, #tpu.memory_space<vmem>> -> memref<128xi32, #tpu.memory_space<vmem>>
        %dma_start3A_113 = arith.constant 0 : i32
        %dma_start3A_114 = arith.constant 0 : i32
        %dma_start3A_115 = tpu.memref_slice %arg2[%dma_start3A_113, %dma_start3A_114] : memref<10000x128xf32, #tpu.memory_space<hbm>> -> memref<10000x128xf32, #tpu.memory_space<hbm>>
        tpu.enqueue_indirect_dma source(%dma_start3A_115 : memref<10000x128xf32, #tpu.memory_space<hbm>>) target(%arg9 : memref<128x128xf32, #tpu.memory_space<vmem>>) offsets(%dma_start3A : memref<128xi32, #tpu.memory_space<vmem>>) semaphore(%arg13 : memref<!tpu.dma_semaphore, #tpu.memory_space<semaphore_mem>>)
      } else {
      }
      %mul3A_47 = arith.constant 4 : i32
      %mul3A_48 = arith.muli %scan3A_16, %mul3A_47 : i32
      %add3A_49 = arith.constant 0 : i32
      %add3A_50 = arith.addi %mul3A_48, %add3A_49 : i32
      %lt3A_51 = arith.cmpi slt, %add3A_50, %add3A_4 : i32
      %convert_element_type3A_52 = arith.extui %lt3A_51 : i1 to i32
      %cond3A_53 = arith.constant 0 : i32
      %cond3A_54 = arith.cmpi ne, %convert_element_type3A_52, %cond3A_53 : i32
      scf.if %cond3A_54 {
        %mul3A_111 = arith.constant 128 : i32
        %mul3A_112 = arith.muli %add3A_50, %mul3A_111 : i32
        %dma_wait3A = tpu.memref_slice %arg5[%mul3A_112] : memref<10112xi32, #tpu.memory_space<vmem>> -> memref<128xi32, #tpu.memory_space<vmem>>
        %dma_wait3A_113 = arith.constant 0 : i32
        %dma_wait3A_114 = arith.constant 0 : i32
        %dma_wait3A_115 = tpu.memref_slice %arg2[%dma_wait3A_113, %dma_wait3A_114] : memref<10000x128xf32, #tpu.memory_space<hbm>> -> memref<10000x128xf32, #tpu.memory_space<hbm>>
        tpu.wait_indirect_dma semaphore(%arg10 : memref<!tpu.dma_semaphore, #tpu.memory_space<semaphore_mem>>) src(%dma_wait3A_115 : memref<10000x128xf32, #tpu.memory_space<hbm>>) dst(%arg6 : memref<128x128xf32, #tpu.memory_space<vmem>>)
        %add3A_116 = arith.addi %add3A_8, %add3A_50 : i32
        %mul3A_117 = arith.constant 128 : i32
        %mul3A_118 = arith.muli %add3A_116, %mul3A_117 : i32
        %dma_start3A = arith.constant 0 : i32
        %dma_start3A_119 = tpu.memref_slice %arg4[%mul3A_118, %dma_start3A] : memref<320000x128xf32, #tpu.memory_space<hbm>> -> memref<128x128xf32, #tpu.memory_space<hbm>>
        %dma_start3A_120 = arith.constant 0 : i32
        %dma_start3A_121 = tpu.memref_slice %arg4[%mul3A_118, %dma_start3A_120] : memref<320000x128xf32, #tpu.memory_space<hbm>> -> memref<128x128xf32, #tpu.memory_space<hbm>>
        tpu.enqueue_dma source(%arg6 : memref<128x128xf32, #tpu.memory_space<vmem>>) target(%dma_start3A_121 : memref<128x128xf32, #tpu.memory_space<hbm>>) target_semaphore(%arg14 : memref<!tpu.dma_semaphore, #tpu.memory_space<semaphore_mem>>)
      } else {
      }
      %mul3A_55 = arith.constant 4 : i32
      %mul3A_56 = arith.muli %scan3A_16, %mul3A_55 : i32
      %add3A_57 = arith.constant 1 : i32
      %add3A_58 = arith.addi %mul3A_56, %add3A_57 : i32
      %lt3A_59 = arith.cmpi slt, %add3A_58, %add3A_4 : i32
      %convert_element_type3A_60 = arith.extui %lt3A_59 : i1 to i32
      %cond3A_61 = arith.constant 0 : i32
      %cond3A_62 = arith.cmpi ne, %convert_element_type3A_60, %cond3A_61 : i32
      scf.if %cond3A_62 {
        %mul3A_111 = arith.constant 128 : i32
        %mul3A_112 = arith.muli %add3A_58, %mul3A_111 : i32
        %dma_wait3A = tpu.memref_slice %arg5[%mul3A_112] : memref<10112xi32, #tpu.memory_space<vmem>> -> memref<128xi32, #tpu.memory_space<vmem>>
        %dma_wait3A_113 = arith.constant 0 : i32
        %dma_wait3A_114 = arith.constant 0 : i32
        %dma_wait3A_115 = tpu.memref_slice %arg2[%dma_wait3A_113, %dma_wait3A_114] : memref<10000x128xf32, #tpu.memory_space<hbm>> -> memref<10000x128xf32, #tpu.memory_space<hbm>>
        tpu.wait_indirect_dma semaphore(%arg11 : memref<!tpu.dma_semaphore, #tpu.memory_space<semaphore_mem>>) src(%dma_wait3A_115 : memref<10000x128xf32, #tpu.memory_space<hbm>>) dst(%arg7 : memref<128x128xf32, #tpu.memory_space<vmem>>)
        %add3A_116 = arith.addi %add3A_8, %add3A_58 : i32
        %mul3A_117 = arith.constant 128 : i32
        %mul3A_118 = arith.muli %add3A_116, %mul3A_117 : i32
        %dma_start3A = arith.constant 0 : i32
        %dma_start3A_119 = tpu.memref_slice %arg4[%mul3A_118, %dma_start3A] : memref<320000x128xf32, #tpu.memory_space<hbm>> -> memref<128x128xf32, #tpu.memory_space<hbm>>
        %dma_start3A_120 = arith.constant 0 : i32
        %dma_start3A_121 = tpu.memref_slice %arg4[%mul3A_118, %dma_start3A_120] : memref<320000x128xf32, #tpu.memory_space<hbm>> -> memref<128x128xf32, #tpu.memory_space<hbm>>
        tpu.enqueue_dma source(%arg7 : memref<128x128xf32, #tpu.memory_space<vmem>>) target(%dma_start3A_121 : memref<128x128xf32, #tpu.memory_space<hbm>>) target_semaphore(%arg15 : memref<!tpu.dma_semaphore, #tpu.memory_space<semaphore_mem>>)
      } else {
      }
      %mul3A_63 = arith.constant 4 : i32
      %mul3A_64 = arith.muli %scan3A_16, %mul3A_63 : i32
      %add3A_65 = arith.constant 2 : i32
      %add3A_66 = arith.addi %mul3A_64, %add3A_65 : i32
      %lt3A_67 = arith.cmpi slt, %add3A_66, %add3A_4 : i32
      %convert_element_type3A_68 = arith.extui %lt3A_67 : i1 to i32
      %cond3A_69 = arith.constant 0 : i32
      %cond3A_70 = arith.cmpi ne, %convert_element_type3A_68, %cond3A_69 : i32
      scf.if %cond3A_70 {
        %mul3A_111 = arith.constant 128 : i32
        %mul3A_112 = arith.muli %add3A_66, %mul3A_111 : i32
        %dma_wait3A = tpu.memref_slice %arg5[%mul3A_112] : memref<10112xi32, #tpu.memory_space<vmem>> -> memref<128xi32, #tpu.memory_space<vmem>>
        %dma_wait3A_113 = arith.constant 0 : i32
        %dma_wait3A_114 = arith.constant 0 : i32
        %dma_wait3A_115 = tpu.memref_slice %arg2[%dma_wait3A_113, %dma_wait3A_114] : memref<10000x128xf32, #tpu.memory_space<hbm>> -> memref<10000x128xf32, #tpu.memory_space<hbm>>
        tpu.wait_indirect_dma semaphore(%arg12 : memref<!tpu.dma_semaphore, #tpu.memory_space<semaphore_mem>>) src(%dma_wait3A_115 : memref<10000x128xf32, #tpu.memory_space<hbm>>) dst(%arg8 : memref<128x128xf32, #tpu.memory_space<vmem>>)
        %add3A_116 = arith.addi %add3A_8, %add3A_66 : i32
        %mul3A_117 = arith.constant 128 : i32
        %mul3A_118 = arith.muli %add3A_116, %mul3A_117 : i32
        %dma_start3A = arith.constant 0 : i32
        %dma_start3A_119 = tpu.memref_slice %arg4[%mul3A_118, %dma_start3A] : memref<320000x128xf32, #tpu.memory_space<hbm>> -> memref<128x128xf32, #tpu.memory_space<hbm>>
        %dma_start3A_120 = arith.constant 0 : i32
        %dma_start3A_121 = tpu.memref_slice %arg4[%mul3A_118, %dma_start3A_120] : memref<320000x128xf32, #tpu.memory_space<hbm>> -> memref<128x128xf32, #tpu.memory_space<hbm>>
        tpu.enqueue_dma source(%arg8 : memref<128x128xf32, #tpu.memory_space<vmem>>) target(%dma_start3A_121 : memref<128x128xf32, #tpu.memory_space<hbm>>) target_semaphore(%arg16 : memref<!tpu.dma_semaphore, #tpu.memory_space<semaphore_mem>>)
      } else {
      }
      %mul3A_71 = arith.constant 4 : i32
      %mul3A_72 = arith.muli %scan3A_16, %mul3A_71 : i32
      %add3A_73 = arith.constant 3 : i32
      %add3A_74 = arith.addi %mul3A_72, %add3A_73 : i32
      %lt3A_75 = arith.cmpi slt, %add3A_74, %add3A_4 : i32
      %convert_element_type3A_76 = arith.extui %lt3A_75 : i1 to i32
      %cond3A_77 = arith.constant 0 : i32
      %cond3A_78 = arith.cmpi ne, %convert_element_type3A_76, %cond3A_77 : i32
      scf.if %cond3A_78 {
        %mul3A_111 = arith.constant 128 : i32
        %mul3A_112 = arith.muli %add3A_74, %mul3A_111 : i32
        %dma_wait3A = tpu.memref_slice %arg5[%mul3A_112] : memref<10112xi32, #tpu.memory_space<vmem>> -> memref<128xi32, #tpu.memory_space<vmem>>
        %dma_wait3A_113 = arith.constant 0 : i32
        %dma_wait3A_114 = arith.constant 0 : i32
        %dma_wait3A_115 = tpu.memref_slice %arg2[%dma_wait3A_113, %dma_wait3A_114] : memref<10000x128xf32, #tpu.memory_space<hbm>> -> memref<10000x128xf32, #tpu.memory_space<hbm>>
        tpu.wait_indirect_dma semaphore(%arg13 : memref<!tpu.dma_semaphore, #tpu.memory_space<semaphore_mem>>) src(%dma_wait3A_115 : memref<10000x128xf32, #tpu.memory_space<hbm>>) dst(%arg9 : memref<128x128xf32, #tpu.memory_space<vmem>>)
        %add3A_116 = arith.addi %add3A_8, %add3A_74 : i32
        %mul3A_117 = arith.constant 128 : i32
        %mul3A_118 = arith.muli %add3A_116, %mul3A_117 : i32
        %dma_start3A = arith.constant 0 : i32
        %dma_start3A_119 = tpu.memref_slice %arg4[%mul3A_118, %dma_start3A] : memref<320000x128xf32, #tpu.memory_space<hbm>> -> memref<128x128xf32, #tpu.memory_space<hbm>>
        %dma_start3A_120 = arith.constant 0 : i32
        %dma_start3A_121 = tpu.memref_slice %arg4[%mul3A_118, %dma_start3A_120] : memref<320000x128xf32, #tpu.memory_space<hbm>> -> memref<128x128xf32, #tpu.memory_space<hbm>>
        tpu.enqueue_dma source(%arg9 : memref<128x128xf32, #tpu.memory_space<vmem>>) target(%dma_start3A_121 : memref<128x128xf32, #tpu.memory_space<hbm>>) target_semaphore(%arg17 : memref<!tpu.dma_semaphore, #tpu.memory_space<semaphore_mem>>)
      } else {
      }
      %mul3A_79 = arith.constant 4 : i32
      %mul3A_80 = arith.muli %scan3A_16, %mul3A_79 : i32
      %add3A_81 = arith.constant 0 : i32
      %add3A_82 = arith.addi %mul3A_80, %add3A_81 : i32
      %lt3A_83 = arith.cmpi slt, %add3A_82, %add3A_4 : i32
      %convert_element_type3A_84 = arith.extui %lt3A_83 : i1 to i32
      %cond3A_85 = arith.constant 0 : i32
      %cond3A_86 = arith.cmpi ne, %convert_element_type3A_84, %cond3A_85 : i32
      scf.if %cond3A_86 {
        %add3A_111 = arith.addi %add3A_8, %add3A_82 : i32
        %mul3A_112 = arith.constant 128 : i32
        %mul3A_113 = arith.muli %add3A_111, %mul3A_112 : i32
        %dma_wait3A = arith.constant 0 : i32
        %dma_wait3A_114 = tpu.memref_slice %arg4[%mul3A_113, %dma_wait3A] : memref<320000x128xf32, #tpu.memory_space<hbm>> -> memref<128x128xf32, #tpu.memory_space<hbm>>
        %dma_wait3A_115 = arith.constant 0 : i32
        %dma_wait3A_116 = tpu.memref_slice %arg4[%mul3A_113, %dma_wait3A_115] : memref<320000x128xf32, #tpu.memory_space<hbm>> -> memref<128x128xf32, #tpu.memory_space<hbm>>
        tpu.wait_dma2 semaphore(%arg14 : memref<!tpu.dma_semaphore, #tpu.memory_space<semaphore_mem>>) src(%arg6 : memref<128x128xf32, #tpu.memory_space<vmem>>) dst(%dma_wait3A_116 : memref<128x128xf32, #tpu.memory_space<hbm>>)
      } else {
      }
      %mul3A_87 = arith.constant 4 : i32
      %mul3A_88 = arith.muli %scan3A_16, %mul3A_87 : i32
      %add3A_89 = arith.constant 1 : i32
      %add3A_90 = arith.addi %mul3A_88, %add3A_89 : i32
      %lt3A_91 = arith.cmpi slt, %add3A_90, %add3A_4 : i32
      %convert_element_type3A_92 = arith.extui %lt3A_91 : i1 to i32
      %cond3A_93 = arith.constant 0 : i32
      %cond3A_94 = arith.cmpi ne, %convert_element_type3A_92, %cond3A_93 : i32
      scf.if %cond3A_94 {
        %add3A_111 = arith.addi %add3A_8, %add3A_90 : i32
        %mul3A_112 = arith.constant 128 : i32
        %mul3A_113 = arith.muli %add3A_111, %mul3A_112 : i32
        %dma_wait3A = arith.constant 0 : i32
        %dma_wait3A_114 = tpu.memref_slice %arg4[%mul3A_113, %dma_wait3A] : memref<320000x128xf32, #tpu.memory_space<hbm>> -> memref<128x128xf32, #tpu.memory_space<hbm>>
        %dma_wait3A_115 = arith.constant 0 : i32
        %dma_wait3A_116 = tpu.memref_slice %arg4[%mul3A_113, %dma_wait3A_115] : memref<320000x128xf32, #tpu.memory_space<hbm>> -> memref<128x128xf32, #tpu.memory_space<hbm>>
        tpu.wait_dma2 semaphore(%arg15 : memref<!tpu.dma_semaphore, #tpu.memory_space<semaphore_mem>>) src(%arg7 : memref<128x128xf32, #tpu.memory_space<vmem>>) dst(%dma_wait3A_116 : memref<128x128xf32, #tpu.memory_space<hbm>>)
      } else {
      }
      %mul3A_95 = arith.constant 4 : i32
      %mul3A_96 = arith.muli %scan3A_16, %mul3A_95 : i32
      %add3A_97 = arith.constant 2 : i32
      %add3A_98 = arith.addi %mul3A_96, %add3A_97 : i32
      %lt3A_99 = arith.cmpi slt, %add3A_98, %add3A_4 : i32
      %convert_element_type3A_100 = arith.extui %lt3A_99 : i1 to i32
      %cond3A_101 = arith.constant 0 : i32
      %cond3A_102 = arith.cmpi ne, %convert_element_type3A_100, %cond3A_101 : i32
      scf.if %cond3A_102 {
        %add3A_111 = arith.addi %add3A_8, %add3A_98 : i32
        %mul3A_112 = arith.constant 128 : i32
        %mul3A_113 = arith.muli %add3A_111, %mul3A_112 : i32
        %dma_wait3A = arith.constant 0 : i32
        %dma_wait3A_114 = tpu.memref_slice %arg4[%mul3A_113, %dma_wait3A] : memref<320000x128xf32, #tpu.memory_space<hbm>> -> memref<128x128xf32, #tpu.memory_space<hbm>>
        %dma_wait3A_115 = arith.constant 0 : i32
        %dma_wait3A_116 = tpu.memref_slice %arg4[%mul3A_113, %dma_wait3A_115] : memref<320000x128xf32, #tpu.memory_space<hbm>> -> memref<128x128xf32, #tpu.memory_space<hbm>>
        tpu.wait_dma2 semaphore(%arg16 : memref<!tpu.dma_semaphore, #tpu.memory_space<semaphore_mem>>) src(%arg8 : memref<128x128xf32, #tpu.memory_space<vmem>>) dst(%dma_wait3A_116 : memref<128x128xf32, #tpu.memory_space<hbm>>)
      } else {
      }
      %mul3A_103 = arith.constant 4 : i32
      %mul3A_104 = arith.muli %scan3A_16, %mul3A_103 : i32
      %add3A_105 = arith.constant 3 : i32
      %add3A_106 = arith.addi %mul3A_104, %add3A_105 : i32
      %lt3A_107 = arith.cmpi slt, %add3A_106, %add3A_4 : i32
      %convert_element_type3A_108 = arith.extui %lt3A_107 : i1 to i32
      %cond3A_109 = arith.constant 0 : i32
      %cond3A_110 = arith.cmpi ne, %convert_element_type3A_108, %cond3A_109 : i32
      scf.if %cond3A_110 {
        %add3A_111 = arith.addi %add3A_8, %add3A_106 : i32
        %mul3A_112 = arith.constant 128 : i32
        %mul3A_113 = arith.muli %add3A_111, %mul3A_112 : i32
        %dma_wait3A = arith.constant 0 : i32
        %dma_wait3A_114 = tpu.memref_slice %arg4[%mul3A_113, %dma_wait3A] : memref<320000x128xf32, #tpu.memory_space<hbm>> -> memref<128x128xf32, #tpu.memory_space<hbm>>
        %dma_wait3A_115 = arith.constant 0 : i32
        %dma_wait3A_116 = tpu.memref_slice %arg4[%mul3A_113, %dma_wait3A_115] : memref<320000x128xf32, #tpu.memory_space<hbm>> -> memref<128x128xf32, #tpu.memory_space<hbm>>
        tpu.wait_dma2 semaphore(%arg17 : memref<!tpu.dma_semaphore, #tpu.memory_space<semaphore_mem>>) src(%arg9 : memref<128x128xf32, #tpu.memory_space<vmem>>) dst(%dma_wait3A_116 : memref<128x128xf32, #tpu.memory_space<hbm>>)
      } else {
      }
    }
    %scan3A_15 = arith.constant 20 : i32
    return
  }
}

#map = affine_map<(d0, d1) -> (0, 0)>
#map1 = affine_map<(d0, d1) -> (0)>
module attributes {stable_mosaic.version = 14 : i64} {
  func.func @gk(%arg0: i32, %arg1: i32, %arg2: memref<10000x128xf32, #tpu.memory_space<hbm>>, %arg3: memref<320128xi32, #tpu.memory_space<hbm>>, %arg4: memref<320000x128xf32, #tpu.memory_space<hbm>>, %arg5: memref<10112xi32, #tpu.memory_space<vmem>>, %arg6: memref<128x128xf32, #tpu.memory_space<vmem>>, %arg7: memref<128x128xf32, #tpu.memory_space<vmem>>, %arg8: memref<128x128xf32, #tpu.memory_space<vmem>>, %arg9: memref<128x128xf32, #tpu.memory_space<vmem>>, %arg10: memref<!tpu.dma_semaphore, #tpu.memory_space<semaphore_mem>>, %arg11: memref<!tpu.dma_semaphore, #tpu.memory_space<semaphore_mem>>, %arg12: memref<!tpu.dma_semaphore, #tpu.memory_space<semaphore_mem>>, %arg13: memref<!tpu.dma_semaphore, #tpu.memory_space<semaphore_mem>>, %arg14: memref<!tpu.dma_semaphore, #tpu.memory_space<semaphore_mem>>, %arg15: memref<!tpu.dma_semaphore, #tpu.memory_space<semaphore_mem>>, %arg16: memref<!tpu.dma_semaphore, #tpu.memory_space<semaphore_mem>>, %arg17: memref<!tpu.dma_semaphore, #tpu.memory_space<semaphore_mem>>) attributes {dimension_semantics = [#tpu.dimension_semantics<core_parallel>, #tpu.dimension_semantics<subcore_parallel>], iteration_bounds = array<i64: 2, 16>, scalar_prefetch = 0 : i64, scratch_operands = 13 : i64, tpu.core_type = #tpu.core_type<sc_vector_subcore>, window_params = [{transform_indices = #map}, {transform_indices = #map1}, {transform_indices = #map}]} {
    %mul3A = arith.constant 2 : i32
    %mul3A_0 = arith.muli %arg1, %mul3A : i32
    %add3A = arith.addi %mul3A_0, %arg0 : i32
    %lt3A = arith.constant 4 : i32
    %lt3A_1 = arith.cmpi slt, %add3A, %lt3A : i32
    %jit3A = arith.constant 1 : i32
    %jit3A_2 = arith.constant 0 : i32
    %select_n3A = arith.select %lt3A_1, %jit3A, %jit3A_2 : i32
    %add3A_3 = arith.constant 78 : i32
    %add3A_4 = arith.addi %add3A_3, %select_n3A : i32
    %mul3A_5 = arith.constant 78 : i32
    %mul3A_6 = arith.muli %add3A, %mul3A_5 : i32
    %min3A = arith.constant 4 : i32
    %min3A_7 = arith.minsi %add3A, %min3A : i32
    %add3A_8 = arith.addi %mul3A_6, %min3A_7 : i32
    %mul3A_9 = arith.constant 128 : i32
    %mul3A_10 = arith.muli %add3A_8, %mul3A_9 : i32
    "tpu.region"() ({
      %run_scoped3A = tpu.sem_alloc : memref<!tpu.dma_semaphore, #tpu.memory_space<semaphore_mem>>
      %dma_start3A = tpu.memref_slice %arg3[%mul3A_10] : memref<320128xi32, #tpu.memory_space<hbm>> -> memref<10112xi32, #tpu.memory_space<hbm>>
      %dma_start3A_16 = tpu.memref_slice %arg3[%mul3A_10] : memref<320128xi32, #tpu.memory_space<hbm>> -> memref<10112xi32, #tpu.memory_space<hbm>>
      tpu.enqueue_dma source(%dma_start3A_16 : memref<10112xi32, #tpu.memory_space<hbm>>) target(%arg5 : memref<10112xi32, #tpu.memory_space<vmem>>) target_semaphore(%run_scoped3A : memref<!tpu.dma_semaphore, #tpu.memory_space<semaphore_mem>>)
      %dma_wait3A = tpu.memref_slice %arg3[%mul3A_10] : memref<320128xi32, #tpu.memory_space<hbm>> -> memref<10112xi32, #tpu.memory_space<hbm>>
      %dma_wait3A_17 = tpu.memref_slice %arg3[%mul3A_10] : memref<320128xi32, #tpu.memory_space<hbm>> -> memref<10112xi32, #tpu.memory_space<hbm>>
      tpu.wait_dma2 semaphore(%run_scoped3A : memref<!tpu.dma_semaphore, #tpu.memory_space<semaphore_mem>>) src(%dma_wait3A_17 : memref<10112xi32, #tpu.memory_space<hbm>>) dst(%arg5 : memref<10112xi32, #tpu.memory_space<vmem>>)
      tpu.yield
    }) : () -> ()
    %scan3A = arith.constant 0 : i32
    %scan3A_11 = arith.constant 0 : i32
    %scan3A_12 = arith.constant 20 : i32
    %scan3A_13 = arith.addi %scan3A_11, %scan3A_12 : i32
    %scan3A_14 = arith.constant 1 : i32
    scf.for %scan3A_16 = %scan3A_11 to %scan3A_13 step %scan3A_14  : i32 {
      %mul3A_17 = arith.constant 4 : i32
      %mul3A_18 = arith.muli %scan3A_16, %mul3A_17 : i32
      %add3A_19 = arith.constant 0 : i32
      %add3A_20 = arith.addi %mul3A_18, %add3A_19 : i32
      %lt3A_21 = arith.cmpi slt, %add3A_20, %add3A_4 : i32
      %convert_element_type3A = arith.extui %lt3A_21 : i1 to i32
      %cond3A = arith.constant 0 : i32
      %cond3A_22 = arith.cmpi ne, %convert_element_type3A, %cond3A : i32
      scf.if %cond3A_22 {
        %mul3A_111 = arith.constant 128 : i32
        %mul3A_112 = arith.muli %add3A_20, %mul3A_111 : i32
        %dma_start3A = tpu.memref_slice %arg5[%mul3A_112] : memref<10112xi32, #tpu.memory_space<vmem>> -> memref<128xi32, #tpu.memory_space<vmem>>
        %dma_start3A_113 = arith.constant 0 : i32
        %dma_start3A_114 = arith.constant 0 : i32
        %dma_start3A_115 = tpu.memref_slice %arg2[%dma_start3A_113, %dma_start3A_114] : memref<10000x128xf32, #tpu.memory_space<hbm>> -> memref<10000x128xf32, #tpu.memory_space<hbm>>
        tpu.enqueue_indirect_dma source(%dma_start3A_115 : memref<10000x128xf32, #tpu.memory_space<hbm>>) target(%arg6 : memref<128x128xf32, #tpu.memory_space<vmem>>) offsets(%dma_start3A : memref<128xi32, #tpu.memory_space<vmem>>) semaphore(%arg10 : memref<!tpu.dma_semaphore, #tpu.memory_space<semaphore_mem>>)
      } else {
      }
      %mul3A_23 = arith.constant 4 : i32
      %mul3A_24 = arith.muli %scan3A_16, %mul3A_23 : i32
      %add3A_25 = arith.constant 1 : i32
      %add3A_26 = arith.addi %mul3A_24, %add3A_25 : i32
      %lt3A_27 = arith.cmpi slt, %add3A_26, %add3A_4 : i32
      %convert_element_type3A_28 = arith.extui %lt3A_27 : i1 to i32
      %cond3A_29 = arith.constant 0 : i32
      %cond3A_30 = arith.cmpi ne, %convert_element_type3A_28, %cond3A_29 : i32
      scf.if %cond3A_30 {
        %mul3A_111 = arith.constant 128 : i32
        %mul3A_112 = arith.muli %add3A_26, %mul3A_111 : i32
        %dma_start3A = tpu.memref_slice %arg5[%mul3A_112] : memref<10112xi32, #tpu.memory_space<vmem>> -> memref<128xi32, #tpu.memory_space<vmem>>
        %dma_start3A_113 = arith.constant 0 : i32
        %dma_start3A_114 = arith.constant 0 : i32
        %dma_start3A_115 = tpu.memref_slice %arg2[%dma_start3A_113, %dma_start3A_114] : memref<10000x128xf32, #tpu.memory_space<hbm>> -> memref<10000x128xf32, #tpu.memory_space<hbm>>
        tpu.enqueue_indirect_dma source(%dma_start3A_115 : memref<10000x128xf32, #tpu.memory_space<hbm>>) target(%arg7 : memref<128x128xf32, #tpu.memory_space<vmem>>) offsets(%dma_start3A : memref<128xi32, #tpu.memory_space<vmem>>) semaphore(%arg11 : memref<!tpu.dma_semaphore, #tpu.memory_space<semaphore_mem>>)
      } else {
      }
      %mul3A_31 = arith.constant 4 : i32
      %mul3A_32 = arith.muli %scan3A_16, %mul3A_31 : i32
      %add3A_33 = arith.constant 2 : i32
      %add3A_34 = arith.addi %mul3A_32, %add3A_33 : i32
      %lt3A_35 = arith.cmpi slt, %add3A_34, %add3A_4 : i32
      %convert_element_type3A_36 = arith.extui %lt3A_35 : i1 to i32
      %cond3A_37 = arith.constant 0 : i32
      %cond3A_38 = arith.cmpi ne, %convert_element_type3A_36, %cond3A_37 : i32
      scf.if %cond3A_38 {
        %mul3A_111 = arith.constant 128 : i32
        %mul3A_112 = arith.muli %add3A_34, %mul3A_111 : i32
        %dma_start3A = tpu.memref_slice %arg5[%mul3A_112] : memref<10112xi32, #tpu.memory_space<vmem>> -> memref<128xi32, #tpu.memory_space<vmem>>
        %dma_start3A_113 = arith.constant 0 : i32
        %dma_start3A_114 = arith.constant 0 : i32
        %dma_start3A_115 = tpu.memref_slice %arg2[%dma_start3A_113, %dma_start3A_114] : memref<10000x128xf32, #tpu.memory_space<hbm>> -> memref<10000x128xf32, #tpu.memory_space<hbm>>
        tpu.enqueue_indirect_dma source(%dma_start3A_115 : memref<10000x128xf32, #tpu.memory_space<hbm>>) target(%arg8 : memref<128x128xf32, #tpu.memory_space<vmem>>) offsets(%dma_start3A : memref<128xi32, #tpu.memory_space<vmem>>) semaphore(%arg12 : memref<!tpu.dma_semaphore, #tpu.memory_space<semaphore_mem>>)
      } else {
      }
      %mul3A_39 = arith.constant 4 : i32
      %mul3A_40 = arith.muli %scan3A_16, %mul3A_39 : i32
      %add3A_41 = arith.constant 3 : i32
      %add3A_42 = arith.addi %mul3A_40, %add3A_41 : i32
      %lt3A_43 = arith.cmpi slt, %add3A_42, %add3A_4 : i32
      %convert_element_type3A_44 = arith.extui %lt3A_43 : i1 to i32
      %cond3A_45 = arith.constant 0 : i32
      %cond3A_46 = arith.cmpi ne, %convert_element_type3A_44, %cond3A_45 : i32
      scf.if %cond3A_46 {
        %mul3A_111 = arith.constant 128 : i32
        %mul3A_112 = arith.muli %add3A_42, %mul3A_111 : i32
        %dma_start3A = tpu.memref_slice %arg5[%mul3A_112] : memref<10112xi32, #tpu.memory_space<vmem>> -> memref<128xi32, #tpu.memory_space<vmem>>
        %dma_start3A_113 = arith.constant 0 : i32
        %dma_start3A_114 = arith.constant 0 : i32
        %dma_start3A_115 = tpu.memref_slice %arg2[%dma_start3A_113, %dma_start3A_114] : memref<10000x128xf32, #tpu.memory_space<hbm>> -> memref<10000x128xf32, #tpu.memory_space<hbm>>
        tpu.enqueue_indirect_dma source(%dma_start3A_115 : memref<10000x128xf32, #tpu.memory_space<hbm>>) target(%arg9 : memref<128x128xf32, #tpu.memory_space<vmem>>) offsets(%dma_start3A : memref<128xi32, #tpu.memory_space<vmem>>) semaphore(%arg13 : memref<!tpu.dma_semaphore, #tpu.memory_space<semaphore_mem>>)
      } else {
      }
      %mul3A_47 = arith.constant 4 : i32
      %mul3A_48 = arith.muli %scan3A_16, %mul3A_47 : i32
      %add3A_49 = arith.constant 0 : i32
      %add3A_50 = arith.addi %mul3A_48, %add3A_49 : i32
      %lt3A_51 = arith.cmpi slt, %add3A_50, %add3A_4 : i32
      %convert_element_type3A_52 = arith.extui %lt3A_51 : i1 to i32
      %cond3A_53 = arith.constant 0 : i32
      %cond3A_54 = arith.cmpi ne, %convert_element_type3A_52, %cond3A_53 : i32
      scf.if %cond3A_54 {
        %mul3A_111 = arith.constant 128 : i32
        %mul3A_112 = arith.muli %add3A_50, %mul3A_111 : i32
        %dma_wait3A = tpu.memref_slice %arg5[%mul3A_112] : memref<10112xi32, #tpu.memory_space<vmem>> -> memref<128xi32, #tpu.memory_space<vmem>>
        %dma_wait3A_113 = arith.constant 0 : i32
        %dma_wait3A_114 = arith.constant 0 : i32
        %dma_wait3A_115 = tpu.memref_slice %arg2[%dma_wait3A_113, %dma_wait3A_114] : memref<10000x128xf32, #tpu.memory_space<hbm>> -> memref<10000x128xf32, #tpu.memory_space<hbm>>
        tpu.wait_indirect_dma semaphore(%arg10 : memref<!tpu.dma_semaphore, #tpu.memory_space<semaphore_mem>>) src(%dma_wait3A_115 : memref<10000x128xf32, #tpu.memory_space<hbm>>) dst(%arg6 : memref<128x128xf32, #tpu.memory_space<vmem>>)
        %add3A_116 = arith.addi %add3A_8, %add3A_50 : i32
        %mul3A_117 = arith.constant 128 : i32
        %mul3A_118 = arith.muli %add3A_116, %mul3A_117 : i32
        %dma_start3A = arith.constant 0 : i32
        %dma_start3A_119 = tpu.memref_slice %arg4[%mul3A_118, %dma_start3A] : memref<320000x128xf32, #tpu.memory_space<hbm>> -> memref<128x128xf32, #tpu.memory_space<hbm>>
        %dma_start3A_120 = arith.constant 0 : i32
        %dma_start3A_121 = tpu.memref_slice %arg4[%mul3A_118, %dma_start3A_120] : memref<320000x128xf32, #tpu.memory_space<hbm>> -> memref<128x128xf32, #tpu.memory_space<hbm>>
        tpu.enqueue_dma source(%arg6 : memref<128x128xf32, #tpu.memory_space<vmem>>) target(%dma_start3A_121 : memref<128x128xf32, #tpu.memory_space<hbm>>) target_semaphore(%arg14 : memref<!tpu.dma_semaphore, #tpu.memory_space<semaphore_mem>>)
      } else {
      }
      %mul3A_55 = arith.constant 4 : i32
      %mul3A_56 = arith.muli %scan3A_16, %mul3A_55 : i32
      %add3A_57 = arith.constant 1 : i32
      %add3A_58 = arith.addi %mul3A_56, %add3A_57 : i32
      %lt3A_59 = arith.cmpi slt, %add3A_58, %add3A_4 : i32
      %convert_element_type3A_60 = arith.extui %lt3A_59 : i1 to i32
      %cond3A_61 = arith.constant 0 : i32
      %cond3A_62 = arith.cmpi ne, %convert_element_type3A_60, %cond3A_61 : i32
      scf.if %cond3A_62 {
        %mul3A_111 = arith.constant 128 : i32
        %mul3A_112 = arith.muli %add3A_58, %mul3A_111 : i32
        %dma_wait3A = tpu.memref_slice %arg5[%mul3A_112] : memref<10112xi32, #tpu.memory_space<vmem>> -> memref<128xi32, #tpu.memory_space<vmem>>
        %dma_wait3A_113 = arith.constant 0 : i32
        %dma_wait3A_114 = arith.constant 0 : i32
        %dma_wait3A_115 = tpu.memref_slice %arg2[%dma_wait3A_113, %dma_wait3A_114] : memref<10000x128xf32, #tpu.memory_space<hbm>> -> memref<10000x128xf32, #tpu.memory_space<hbm>>
        tpu.wait_indirect_dma semaphore(%arg11 : memref<!tpu.dma_semaphore, #tpu.memory_space<semaphore_mem>>) src(%dma_wait3A_115 : memref<10000x128xf32, #tpu.memory_space<hbm>>) dst(%arg7 : memref<128x128xf32, #tpu.memory_space<vmem>>)
        %add3A_116 = arith.addi %add3A_8, %add3A_58 : i32
        %mul3A_117 = arith.constant 128 : i32
        %mul3A_118 = arith.muli %add3A_116, %mul3A_117 : i32
        %dma_start3A = arith.constant 0 : i32
        %dma_start3A_119 = tpu.memref_slice %arg4[%mul3A_118, %dma_start3A] : memref<320000x128xf32, #tpu.memory_space<hbm>> -> memref<128x128xf32, #tpu.memory_space<hbm>>
        %dma_start3A_120 = arith.constant 0 : i32
        %dma_start3A_121 = tpu.memref_slice %arg4[%mul3A_118, %dma_start3A_120] : memref<320000x128xf32, #tpu.memory_space<hbm>> -> memref<128x128xf32, #tpu.memory_space<hbm>>
        tpu.enqueue_dma source(%arg7 : memref<128x128xf32, #tpu.memory_space<vmem>>) target(%dma_start3A_121 : memref<128x128xf32, #tpu.memory_space<hbm>>) target_semaphore(%arg15 : memref<!tpu.dma_semaphore, #tpu.memory_space<semaphore_mem>>)
      } else {
      }
      %mul3A_63 = arith.constant 4 : i32
      %mul3A_64 = arith.muli %scan3A_16, %mul3A_63 : i32
      %add3A_65 = arith.constant 2 : i32
      %add3A_66 = arith.addi %mul3A_64, %add3A_65 : i32
      %lt3A_67 = arith.cmpi slt, %add3A_66, %add3A_4 : i32
      %convert_element_type3A_68 = arith.extui %lt3A_67 : i1 to i32
      %cond3A_69 = arith.constant 0 : i32
      %cond3A_70 = arith.cmpi ne, %convert_element_type3A_68, %cond3A_69 : i32
      scf.if %cond3A_70 {
        %mul3A_111 = arith.constant 128 : i32
        %mul3A_112 = arith.muli %add3A_66, %mul3A_111 : i32
        %dma_wait3A = tpu.memref_slice %arg5[%mul3A_112] : memref<10112xi32, #tpu.memory_space<vmem>> -> memref<128xi32, #tpu.memory_space<vmem>>
        %dma_wait3A_113 = arith.constant 0 : i32
        %dma_wait3A_114 = arith.constant 0 : i32
        %dma_wait3A_115 = tpu.memref_slice %arg2[%dma_wait3A_113, %dma_wait3A_114] : memref<10000x128xf32, #tpu.memory_space<hbm>> -> memref<10000x128xf32, #tpu.memory_space<hbm>>
        tpu.wait_indirect_dma semaphore(%arg12 : memref<!tpu.dma_semaphore, #tpu.memory_space<semaphore_mem>>) src(%dma_wait3A_115 : memref<10000x128xf32, #tpu.memory_space<hbm>>) dst(%arg8 : memref<128x128xf32, #tpu.memory_space<vmem>>)
        %add3A_116 = arith.addi %add3A_8, %add3A_66 : i32
        %mul3A_117 = arith.constant 128 : i32
        %mul3A_118 = arith.muli %add3A_116, %mul3A_117 : i32
        %dma_start3A = arith.constant 0 : i32
        %dma_start3A_119 = tpu.memref_slice %arg4[%mul3A_118, %dma_start3A] : memref<320000x128xf32, #tpu.memory_space<hbm>> -> memref<128x128xf32, #tpu.memory_space<hbm>>
        %dma_start3A_120 = arith.constant 0 : i32
        %dma_start3A_121 = tpu.memref_slice %arg4[%mul3A_118, %dma_start3A_120] : memref<320000x128xf32, #tpu.memory_space<hbm>> -> memref<128x128xf32, #tpu.memory_space<hbm>>
        tpu.enqueue_dma source(%arg8 : memref<128x128xf32, #tpu.memory_space<vmem>>) target(%dma_start3A_121 : memref<128x128xf32, #tpu.memory_space<hbm>>) target_semaphore(%arg16 : memref<!tpu.dma_semaphore, #tpu.memory_space<semaphore_mem>>)
      } else {
      }
      %mul3A_71 = arith.constant 4 : i32
      %mul3A_72 = arith.muli %scan3A_16, %mul3A_71 : i32
      %add3A_73 = arith.constant 3 : i32
      %add3A_74 = arith.addi %mul3A_72, %add3A_73 : i32
      %lt3A_75 = arith.cmpi slt, %add3A_74, %add3A_4 : i32
      %convert_element_type3A_76 = arith.extui %lt3A_75 : i1 to i32
      %cond3A_77 = arith.constant 0 : i32
      %cond3A_78 = arith.cmpi ne, %convert_element_type3A_76, %cond3A_77 : i32
      scf.if %cond3A_78 {
        %mul3A_111 = arith.constant 128 : i32
        %mul3A_112 = arith.muli %add3A_74, %mul3A_111 : i32
        %dma_wait3A = tpu.memref_slice %arg5[%mul3A_112] : memref<10112xi32, #tpu.memory_space<vmem>> -> memref<128xi32, #tpu.memory_space<vmem>>
        %dma_wait3A_113 = arith.constant 0 : i32
        %dma_wait3A_114 = arith.constant 0 : i32
        %dma_wait3A_115 = tpu.memref_slice %arg2[%dma_wait3A_113, %dma_wait3A_114] : memref<10000x128xf32, #tpu.memory_space<hbm>> -> memref<10000x128xf32, #tpu.memory_space<hbm>>
        tpu.wait_indirect_dma semaphore(%arg13 : memref<!tpu.dma_semaphore, #tpu.memory_space<semaphore_mem>>) src(%dma_wait3A_115 : memref<10000x128xf32, #tpu.memory_space<hbm>>) dst(%arg9 : memref<128x128xf32, #tpu.memory_space<vmem>>)
        %add3A_116 = arith.addi %add3A_8, %add3A_74 : i32
        %mul3A_117 = arith.constant 128 : i32
        %mul3A_118 = arith.muli %add3A_116, %mul3A_117 : i32
        %dma_start3A = arith.constant 0 : i32
        %dma_start3A_119 = tpu.memref_slice %arg4[%mul3A_118, %dma_start3A] : memref<320000x128xf32, #tpu.memory_space<hbm>> -> memref<128x128xf32, #tpu.memory_space<hbm>>
        %dma_start3A_120 = arith.constant 0 : i32
        %dma_start3A_121 = tpu.memref_slice %arg4[%mul3A_118, %dma_start3A_120] : memref<320000x128xf32, #tpu.memory_space<hbm>> -> memref<128x128xf32, #tpu.memory_space<hbm>>
        tpu.enqueue_dma source(%arg9 : memref<128x128xf32, #tpu.memory_space<vmem>>) target(%dma_start3A_121 : memref<128x128xf32, #tpu.memory_space<hbm>>) target_semaphore(%arg17 : memref<!tpu.dma_semaphore, #tpu.memory_space<semaphore_mem>>)
      } else {
      }
      %mul3A_79 = arith.constant 4 : i32
      %mul3A_80 = arith.muli %scan3A_16, %mul3A_79 : i32
      %add3A_81 = arith.constant 0 : i32
      %add3A_82 = arith.addi %mul3A_80, %add3A_81 : i32
      %lt3A_83 = arith.cmpi slt, %add3A_82, %add3A_4 : i32
      %convert_element_type3A_84 = arith.extui %lt3A_83 : i1 to i32
      %cond3A_85 = arith.constant 0 : i32
      %cond3A_86 = arith.cmpi ne, %convert_element_type3A_84, %cond3A_85 : i32
      scf.if %cond3A_86 {
        %add3A_111 = arith.addi %add3A_8, %add3A_82 : i32
        %mul3A_112 = arith.constant 128 : i32
        %mul3A_113 = arith.muli %add3A_111, %mul3A_112 : i32
        %dma_wait3A = arith.constant 0 : i32
        %dma_wait3A_114 = tpu.memref_slice %arg4[%mul3A_113, %dma_wait3A] : memref<320000x128xf32, #tpu.memory_space<hbm>> -> memref<128x128xf32, #tpu.memory_space<hbm>>
        %dma_wait3A_115 = arith.constant 0 : i32
        %dma_wait3A_116 = tpu.memref_slice %arg4[%mul3A_113, %dma_wait3A_115] : memref<320000x128xf32, #tpu.memory_space<hbm>> -> memref<128x128xf32, #tpu.memory_space<hbm>>
        tpu.wait_dma2 semaphore(%arg14 : memref<!tpu.dma_semaphore, #tpu.memory_space<semaphore_mem>>) src(%arg6 : memref<128x128xf32, #tpu.memory_space<vmem>>) dst(%dma_wait3A_116 : memref<128x128xf32, #tpu.memory_space<hbm>>)
      } else {
      }
      %mul3A_87 = arith.constant 4 : i32
      %mul3A_88 = arith.muli %scan3A_16, %mul3A_87 : i32
      %add3A_89 = arith.constant 1 : i32
      %add3A_90 = arith.addi %mul3A_88, %add3A_89 : i32
      %lt3A_91 = arith.cmpi slt, %add3A_90, %add3A_4 : i32
      %convert_element_type3A_92 = arith.extui %lt3A_91 : i1 to i32
      %cond3A_93 = arith.constant 0 : i32
      %cond3A_94 = arith.cmpi ne, %convert_element_type3A_92, %cond3A_93 : i32
      scf.if %cond3A_94 {
        %add3A_111 = arith.addi %add3A_8, %add3A_90 : i32
        %mul3A_112 = arith.constant 128 : i32
        %mul3A_113 = arith.muli %add3A_111, %mul3A_112 : i32
        %dma_wait3A = arith.constant 0 : i32
        %dma_wait3A_114 = tpu.memref_slice %arg4[%mul3A_113, %dma_wait3A] : memref<320000x128xf32, #tpu.memory_space<hbm>> -> memref<128x128xf32, #tpu.memory_space<hbm>>
        %dma_wait3A_115 = arith.constant 0 : i32
        %dma_wait3A_116 = tpu.memref_slice %arg4[%mul3A_113, %dma_wait3A_115] : memref<320000x128xf32, #tpu.memory_space<hbm>> -> memref<128x128xf32, #tpu.memory_space<hbm>>
        tpu.wait_dma2 semaphore(%arg15 : memref<!tpu.dma_semaphore, #tpu.memory_space<semaphore_mem>>) src(%arg7 : memref<128x128xf32, #tpu.memory_space<vmem>>) dst(%dma_wait3A_116 : memref<128x128xf32, #tpu.memory_space<hbm>>)
      } else {
      }
      %mul3A_95 = arith.constant 4 : i32
      %mul3A_96 = arith.muli %scan3A_16, %mul3A_95 : i32
      %add3A_97 = arith.constant 2 : i32
      %add3A_98 = arith.addi %mul3A_96, %add3A_97 : i32
      %lt3A_99 = arith.cmpi slt, %add3A_98, %add3A_4 : i32
      %convert_element_type3A_100 = arith.extui %lt3A_99 : i1 to i32
      %cond3A_101 = arith.constant 0 : i32
      %cond3A_102 = arith.cmpi ne, %convert_element_type3A_100, %cond3A_101 : i32
      scf.if %cond3A_102 {
        %add3A_111 = arith.addi %add3A_8, %add3A_98 : i32
        %mul3A_112 = arith.constant 128 : i32
        %mul3A_113 = arith.muli %add3A_111, %mul3A_112 : i32
        %dma_wait3A = arith.constant 0 : i32
        %dma_wait3A_114 = tpu.memref_slice %arg4[%mul3A_113, %dma_wait3A] : memref<320000x128xf32, #tpu.memory_space<hbm>> -> memref<128x128xf32, #tpu.memory_space<hbm>>
        %dma_wait3A_115 = arith.constant 0 : i32
        %dma_wait3A_116 = tpu.memref_slice %arg4[%mul3A_113, %dma_wait3A_115] : memref<320000x128xf32, #tpu.memory_space<hbm>> -> memref<128x128xf32, #tpu.memory_space<hbm>>
        tpu.wait_dma2 semaphore(%arg16 : memref<!tpu.dma_semaphore, #tpu.memory_space<semaphore_mem>>) src(%arg8 : memref<128x128xf32, #tpu.memory_space<vmem>>) dst(%dma_wait3A_116 : memref<128x128xf32, #tpu.memory_space<hbm>>)
      } else {
      }
      %mul3A_103 = arith.constant 4 : i32
      %mul3A_104 = arith.muli %scan3A_16, %mul3A_103 : i32
      %add3A_105 = arith.constant 3 : i32
      %add3A_106 = arith.addi %mul3A_104, %add3A_105 : i32
      %lt3A_107 = arith.cmpi slt, %add3A_106, %add3A_4 : i32
      %convert_element_type3A_108 = arith.extui %lt3A_107 : i1 to i32
      %cond3A_109 = arith.constant 0 : i32
      %cond3A_110 = arith.cmpi ne, %convert_element_type3A_108, %cond3A_109 : i32
      scf.if %cond3A_110 {
        %add3A_111 = arith.addi %add3A_8, %add3A_106 : i32
        %mul3A_112 = arith.constant 128 : i32
        %mul3A_113 = arith.muli %add3A_111, %mul3A_112 : i32
        %dma_wait3A = arith.constant 0 : i32
        %dma_wait3A_114 = tpu.memref_slice %arg4[%mul3A_113, %dma_wait3A] : memref<320000x128xf32, #tpu.memory_space<hbm>> -> memref<128x128xf32, #tpu.memory_space<hbm>>
        %dma_wait3A_115 = arith.constant 0 : i32
        %dma_wait3A_116 = tpu.memref_slice %arg4[%mul3A_113, %dma_wait3A_115] : memref<320000x128xf32, #tpu.memory_space<hbm>> -> memref<128x128xf32, #tpu.memory_space<hbm>>
        tpu.wait_dma2 semaphore(%arg17 : memref<!tpu.dma_semaphore, #tpu.memory_space<semaphore_mem>>) src(%arg9 : memref<128x128xf32, #tpu.memory_space<vmem>>) dst(%dma_wait3A_116 : memref<128x128xf32, #tpu.memory_space<hbm>>)
      } else {
      }
    }
    %scan3A_15 = arith.constant 20 : i32
    return
  }
}

#map = affine_map<(d0, d1) -> (0, 0)>
#map1 = affine_map<(d0, d1) -> (0)>
module attributes {stable_mosaic.version = 14 : i64} {
  func.func @gk(%arg0: i32, %arg1: i32, %arg2: memref<10000x128xf32, #tpu.memory_space<hbm>>, %arg3: memref<320128xi32, #tpu.memory_space<hbm>>, %arg4: memref<320000x128xf32, #tpu.memory_space<hbm>>, %arg5: memref<10112xi32, #tpu.memory_space<vmem>>, %arg6: memref<128x128xf32, #tpu.memory_space<vmem>>, %arg7: memref<128x128xf32, #tpu.memory_space<vmem>>, %arg8: memref<128x128xf32, #tpu.memory_space<vmem>>, %arg9: memref<128x128xf32, #tpu.memory_space<vmem>>, %arg10: memref<!tpu.dma_semaphore, #tpu.memory_space<semaphore_mem>>, %arg11: memref<!tpu.dma_semaphore, #tpu.memory_space<semaphore_mem>>, %arg12: memref<!tpu.dma_semaphore, #tpu.memory_space<semaphore_mem>>, %arg13: memref<!tpu.dma_semaphore, #tpu.memory_space<semaphore_mem>>, %arg14: memref<!tpu.dma_semaphore, #tpu.memory_space<semaphore_mem>>, %arg15: memref<!tpu.dma_semaphore, #tpu.memory_space<semaphore_mem>>, %arg16: memref<!tpu.dma_semaphore, #tpu.memory_space<semaphore_mem>>, %arg17: memref<!tpu.dma_semaphore, #tpu.memory_space<semaphore_mem>>) attributes {dimension_semantics = [#tpu.dimension_semantics<core_parallel>, #tpu.dimension_semantics<subcore_parallel>], iteration_bounds = array<i64: 2, 16>, scalar_prefetch = 0 : i64, scratch_operands = 13 : i64, tpu.core_type = #tpu.core_type<sc_vector_subcore>, window_params = [{transform_indices = #map}, {transform_indices = #map1}, {transform_indices = #map}]} {
    %mul3A = arith.constant 2 : i32
    %mul3A_0 = arith.muli %arg1, %mul3A : i32
    %add3A = arith.addi %mul3A_0, %arg0 : i32
    %lt3A = arith.constant 4 : i32
    %lt3A_1 = arith.cmpi slt, %add3A, %lt3A : i32
    %jit3A = arith.constant 1 : i32
    %jit3A_2 = arith.constant 0 : i32
    %select_n3A = arith.select %lt3A_1, %jit3A, %jit3A_2 : i32
    %add3A_3 = arith.constant 78 : i32
    %add3A_4 = arith.addi %add3A_3, %select_n3A : i32
    %mul3A_5 = arith.constant 78 : i32
    %mul3A_6 = arith.muli %add3A, %mul3A_5 : i32
    %min3A = arith.constant 4 : i32
    %min3A_7 = arith.minsi %add3A, %min3A : i32
    %add3A_8 = arith.addi %mul3A_6, %min3A_7 : i32
    %mul3A_9 = arith.constant 128 : i32
    %mul3A_10 = arith.muli %add3A_8, %mul3A_9 : i32
    "tpu.region"() ({
      %run_scoped3A = tpu.sem_alloc : memref<!tpu.dma_semaphore, #tpu.memory_space<semaphore_mem>>
      %dma_start3A = tpu.memref_slice %arg3[%mul3A_10] : memref<320128xi32, #tpu.memory_space<hbm>> -> memref<10112xi32, #tpu.memory_space<hbm>>
      %dma_start3A_16 = tpu.memref_slice %arg3[%mul3A_10] : memref<320128xi32, #tpu.memory_space<hbm>> -> memref<10112xi32, #tpu.memory_space<hbm>>
      tpu.enqueue_dma source(%dma_start3A_16 : memref<10112xi32, #tpu.memory_space<hbm>>) target(%arg5 : memref<10112xi32, #tpu.memory_space<vmem>>) target_semaphore(%run_scoped3A : memref<!tpu.dma_semaphore, #tpu.memory_space<semaphore_mem>>)
      %dma_wait3A = tpu.memref_slice %arg3[%mul3A_10] : memref<320128xi32, #tpu.memory_space<hbm>> -> memref<10112xi32, #tpu.memory_space<hbm>>
      %dma_wait3A_17 = tpu.memref_slice %arg3[%mul3A_10] : memref<320128xi32, #tpu.memory_space<hbm>> -> memref<10112xi32, #tpu.memory_space<hbm>>
      tpu.wait_dma2 semaphore(%run_scoped3A : memref<!tpu.dma_semaphore, #tpu.memory_space<semaphore_mem>>) src(%dma_wait3A_17 : memref<10112xi32, #tpu.memory_space<hbm>>) dst(%arg5 : memref<10112xi32, #tpu.memory_space<vmem>>)
      tpu.yield
    }) : () -> ()
    %scan3A = arith.constant 0 : i32
    %scan3A_11 = arith.constant 0 : i32
    %scan3A_12 = arith.constant 20 : i32
    %scan3A_13 = arith.addi %scan3A_11, %scan3A_12 : i32
    %scan3A_14 = arith.constant 1 : i32
    scf.for %scan3A_16 = %scan3A_11 to %scan3A_13 step %scan3A_14  : i32 {
      %mul3A_17 = arith.constant 4 : i32
      %mul3A_18 = arith.muli %scan3A_16, %mul3A_17 : i32
      %add3A_19 = arith.constant 0 : i32
      %add3A_20 = arith.addi %mul3A_18, %add3A_19 : i32
      %lt3A_21 = arith.cmpi slt, %add3A_20, %add3A_4 : i32
      %convert_element_type3A = arith.extui %lt3A_21 : i1 to i32
      %cond3A = arith.constant 0 : i32
      %cond3A_22 = arith.cmpi ne, %convert_element_type3A, %cond3A : i32
      scf.if %cond3A_22 {
        %mul3A_111 = arith.constant 128 : i32
        %mul3A_112 = arith.muli %add3A_20, %mul3A_111 : i32
        %dma_start3A = tpu.memref_slice %arg5[%mul3A_112] : memref<10112xi32, #tpu.memory_space<vmem>> -> memref<128xi32, #tpu.memory_space<vmem>>
        %dma_start3A_113 = arith.constant 0 : i32
        %dma_start3A_114 = arith.constant 0 : i32
        %dma_start3A_115 = tpu.memref_slice %arg2[%dma_start3A_113, %dma_start3A_114] : memref<10000x128xf32, #tpu.memory_space<hbm>> -> memref<10000x128xf32, #tpu.memory_space<hbm>>
        tpu.enqueue_indirect_dma source(%dma_start3A_115 : memref<10000x128xf32, #tpu.memory_space<hbm>>) target(%arg6 : memref<128x128xf32, #tpu.memory_space<vmem>>) offsets(%dma_start3A : memref<128xi32, #tpu.memory_space<vmem>>) semaphore(%arg10 : memref<!tpu.dma_semaphore, #tpu.memory_space<semaphore_mem>>)
      } else {
      }
      %mul3A_23 = arith.constant 4 : i32
      %mul3A_24 = arith.muli %scan3A_16, %mul3A_23 : i32
      %add3A_25 = arith.constant 1 : i32
      %add3A_26 = arith.addi %mul3A_24, %add3A_25 : i32
      %lt3A_27 = arith.cmpi slt, %add3A_26, %add3A_4 : i32
      %convert_element_type3A_28 = arith.extui %lt3A_27 : i1 to i32
      %cond3A_29 = arith.constant 0 : i32
      %cond3A_30 = arith.cmpi ne, %convert_element_type3A_28, %cond3A_29 : i32
      scf.if %cond3A_30 {
        %mul3A_111 = arith.constant 128 : i32
        %mul3A_112 = arith.muli %add3A_26, %mul3A_111 : i32
        %dma_start3A = tpu.memref_slice %arg5[%mul3A_112] : memref<10112xi32, #tpu.memory_space<vmem>> -> memref<128xi32, #tpu.memory_space<vmem>>
        %dma_start3A_113 = arith.constant 0 : i32
        %dma_start3A_114 = arith.constant 0 : i32
        %dma_start3A_115 = tpu.memref_slice %arg2[%dma_start3A_113, %dma_start3A_114] : memref<10000x128xf32, #tpu.memory_space<hbm>> -> memref<10000x128xf32, #tpu.memory_space<hbm>>
        tpu.enqueue_indirect_dma source(%dma_start3A_115 : memref<10000x128xf32, #tpu.memory_space<hbm>>) target(%arg7 : memref<128x128xf32, #tpu.memory_space<vmem>>) offsets(%dma_start3A : memref<128xi32, #tpu.memory_space<vmem>>) semaphore(%arg11 : memref<!tpu.dma_semaphore, #tpu.memory_space<semaphore_mem>>)
      } else {
      }
      %mul3A_31 = arith.constant 4 : i32
      %mul3A_32 = arith.muli %scan3A_16, %mul3A_31 : i32
      %add3A_33 = arith.constant 2 : i32
      %add3A_34 = arith.addi %mul3A_32, %add3A_33 : i32
      %lt3A_35 = arith.cmpi slt, %add3A_34, %add3A_4 : i32
      %convert_element_type3A_36 = arith.extui %lt3A_35 : i1 to i32
      %cond3A_37 = arith.constant 0 : i32
      %cond3A_38 = arith.cmpi ne, %convert_element_type3A_36, %cond3A_37 : i32
      scf.if %cond3A_38 {
        %mul3A_111 = arith.constant 128 : i32
        %mul3A_112 = arith.muli %add3A_34, %mul3A_111 : i32
        %dma_start3A = tpu.memref_slice %arg5[%mul3A_112] : memref<10112xi32, #tpu.memory_space<vmem>> -> memref<128xi32, #tpu.memory_space<vmem>>
        %dma_start3A_113 = arith.constant 0 : i32
        %dma_start3A_114 = arith.constant 0 : i32
        %dma_start3A_115 = tpu.memref_slice %arg2[%dma_start3A_113, %dma_start3A_114] : memref<10000x128xf32, #tpu.memory_space<hbm>> -> memref<10000x128xf32, #tpu.memory_space<hbm>>
        tpu.enqueue_indirect_dma source(%dma_start3A_115 : memref<10000x128xf32, #tpu.memory_space<hbm>>) target(%arg8 : memref<128x128xf32, #tpu.memory_space<vmem>>) offsets(%dma_start3A : memref<128xi32, #tpu.memory_space<vmem>>) semaphore(%arg12 : memref<!tpu.dma_semaphore, #tpu.memory_space<semaphore_mem>>)
      } else {
      }
      %mul3A_39 = arith.constant 4 : i32
      %mul3A_40 = arith.muli %scan3A_16, %mul3A_39 : i32
      %add3A_41 = arith.constant 3 : i32
      %add3A_42 = arith.addi %mul3A_40, %add3A_41 : i32
      %lt3A_43 = arith.cmpi slt, %add3A_42, %add3A_4 : i32
      %convert_element_type3A_44 = arith.extui %lt3A_43 : i1 to i32
      %cond3A_45 = arith.constant 0 : i32
      %cond3A_46 = arith.cmpi ne, %convert_element_type3A_44, %cond3A_45 : i32
      scf.if %cond3A_46 {
        %mul3A_111 = arith.constant 128 : i32
        %mul3A_112 = arith.muli %add3A_42, %mul3A_111 : i32
        %dma_start3A = tpu.memref_slice %arg5[%mul3A_112] : memref<10112xi32, #tpu.memory_space<vmem>> -> memref<128xi32, #tpu.memory_space<vmem>>
        %dma_start3A_113 = arith.constant 0 : i32
        %dma_start3A_114 = arith.constant 0 : i32
        %dma_start3A_115 = tpu.memref_slice %arg2[%dma_start3A_113, %dma_start3A_114] : memref<10000x128xf32, #tpu.memory_space<hbm>> -> memref<10000x128xf32, #tpu.memory_space<hbm>>
        tpu.enqueue_indirect_dma source(%dma_start3A_115 : memref<10000x128xf32, #tpu.memory_space<hbm>>) target(%arg9 : memref<128x128xf32, #tpu.memory_space<vmem>>) offsets(%dma_start3A : memref<128xi32, #tpu.memory_space<vmem>>) semaphore(%arg13 : memref<!tpu.dma_semaphore, #tpu.memory_space<semaphore_mem>>)
      } else {
      }
      %mul3A_47 = arith.constant 4 : i32
      %mul3A_48 = arith.muli %scan3A_16, %mul3A_47 : i32
      %add3A_49 = arith.constant 0 : i32
      %add3A_50 = arith.addi %mul3A_48, %add3A_49 : i32
      %lt3A_51 = arith.cmpi slt, %add3A_50, %add3A_4 : i32
      %convert_element_type3A_52 = arith.extui %lt3A_51 : i1 to i32
      %cond3A_53 = arith.constant 0 : i32
      %cond3A_54 = arith.cmpi ne, %convert_element_type3A_52, %cond3A_53 : i32
      scf.if %cond3A_54 {
        %mul3A_111 = arith.constant 128 : i32
        %mul3A_112 = arith.muli %add3A_50, %mul3A_111 : i32
        %dma_wait3A = tpu.memref_slice %arg5[%mul3A_112] : memref<10112xi32, #tpu.memory_space<vmem>> -> memref<128xi32, #tpu.memory_space<vmem>>
        %dma_wait3A_113 = arith.constant 0 : i32
        %dma_wait3A_114 = arith.constant 0 : i32
        %dma_wait3A_115 = tpu.memref_slice %arg2[%dma_wait3A_113, %dma_wait3A_114] : memref<10000x128xf32, #tpu.memory_space<hbm>> -> memref<10000x128xf32, #tpu.memory_space<hbm>>
        tpu.wait_indirect_dma semaphore(%arg10 : memref<!tpu.dma_semaphore, #tpu.memory_space<semaphore_mem>>) src(%dma_wait3A_115 : memref<10000x128xf32, #tpu.memory_space<hbm>>) dst(%arg6 : memref<128x128xf32, #tpu.memory_space<vmem>>)
        %add3A_116 = arith.addi %add3A_8, %add3A_50 : i32
        %mul3A_117 = arith.constant 128 : i32
        %mul3A_118 = arith.muli %add3A_116, %mul3A_117 : i32
        %dma_start3A = arith.constant 0 : i32
        %dma_start3A_119 = tpu.memref_slice %arg4[%mul3A_118, %dma_start3A] : memref<320000x128xf32, #tpu.memory_space<hbm>> -> memref<128x128xf32, #tpu.memory_space<hbm>>
        %dma_start3A_120 = arith.constant 0 : i32
        %dma_start3A_121 = tpu.memref_slice %arg4[%mul3A_118, %dma_start3A_120] : memref<320000x128xf32, #tpu.memory_space<hbm>> -> memref<128x128xf32, #tpu.memory_space<hbm>>
        tpu.enqueue_dma source(%arg6 : memref<128x128xf32, #tpu.memory_space<vmem>>) target(%dma_start3A_121 : memref<128x128xf32, #tpu.memory_space<hbm>>) target_semaphore(%arg14 : memref<!tpu.dma_semaphore, #tpu.memory_space<semaphore_mem>>)
      } else {
      }
      %mul3A_55 = arith.constant 4 : i32
      %mul3A_56 = arith.muli %scan3A_16, %mul3A_55 : i32
      %add3A_57 = arith.constant 1 : i32
      %add3A_58 = arith.addi %mul3A_56, %add3A_57 : i32
      %lt3A_59 = arith.cmpi slt, %add3A_58, %add3A_4 : i32
      %convert_element_type3A_60 = arith.extui %lt3A_59 : i1 to i32
      %cond3A_61 = arith.constant 0 : i32
      %cond3A_62 = arith.cmpi ne, %convert_element_type3A_60, %cond3A_61 : i32
      scf.if %cond3A_62 {
        %mul3A_111 = arith.constant 128 : i32
        %mul3A_112 = arith.muli %add3A_58, %mul3A_111 : i32
        %dma_wait3A = tpu.memref_slice %arg5[%mul3A_112] : memref<10112xi32, #tpu.memory_space<vmem>> -> memref<128xi32, #tpu.memory_space<vmem>>
        %dma_wait3A_113 = arith.constant 0 : i32
        %dma_wait3A_114 = arith.constant 0 : i32
        %dma_wait3A_115 = tpu.memref_slice %arg2[%dma_wait3A_113, %dma_wait3A_114] : memref<10000x128xf32, #tpu.memory_space<hbm>> -> memref<10000x128xf32, #tpu.memory_space<hbm>>
        tpu.wait_indirect_dma semaphore(%arg11 : memref<!tpu.dma_semaphore, #tpu.memory_space<semaphore_mem>>) src(%dma_wait3A_115 : memref<10000x128xf32, #tpu.memory_space<hbm>>) dst(%arg7 : memref<128x128xf32, #tpu.memory_space<vmem>>)
        %add3A_116 = arith.addi %add3A_8, %add3A_58 : i32
        %mul3A_117 = arith.constant 128 : i32
        %mul3A_118 = arith.muli %add3A_116, %mul3A_117 : i32
        %dma_start3A = arith.constant 0 : i32
        %dma_start3A_119 = tpu.memref_slice %arg4[%mul3A_118, %dma_start3A] : memref<320000x128xf32, #tpu.memory_space<hbm>> -> memref<128x128xf32, #tpu.memory_space<hbm>>
        %dma_start3A_120 = arith.constant 0 : i32
        %dma_start3A_121 = tpu.memref_slice %arg4[%mul3A_118, %dma_start3A_120] : memref<320000x128xf32, #tpu.memory_space<hbm>> -> memref<128x128xf32, #tpu.memory_space<hbm>>
        tpu.enqueue_dma source(%arg7 : memref<128x128xf32, #tpu.memory_space<vmem>>) target(%dma_start3A_121 : memref<128x128xf32, #tpu.memory_space<hbm>>) target_semaphore(%arg15 : memref<!tpu.dma_semaphore, #tpu.memory_space<semaphore_mem>>)
      } else {
      }
      %mul3A_63 = arith.constant 4 : i32
      %mul3A_64 = arith.muli %scan3A_16, %mul3A_63 : i32
      %add3A_65 = arith.constant 2 : i32
      %add3A_66 = arith.addi %mul3A_64, %add3A_65 : i32
      %lt3A_67 = arith.cmpi slt, %add3A_66, %add3A_4 : i32
      %convert_element_type3A_68 = arith.extui %lt3A_67 : i1 to i32
      %cond3A_69 = arith.constant 0 : i32
      %cond3A_70 = arith.cmpi ne, %convert_element_type3A_68, %cond3A_69 : i32
      scf.if %cond3A_70 {
        %mul3A_111 = arith.constant 128 : i32
        %mul3A_112 = arith.muli %add3A_66, %mul3A_111 : i32
        %dma_wait3A = tpu.memref_slice %arg5[%mul3A_112] : memref<10112xi32, #tpu.memory_space<vmem>> -> memref<128xi32, #tpu.memory_space<vmem>>
        %dma_wait3A_113 = arith.constant 0 : i32
        %dma_wait3A_114 = arith.constant 0 : i32
        %dma_wait3A_115 = tpu.memref_slice %arg2[%dma_wait3A_113, %dma_wait3A_114] : memref<10000x128xf32, #tpu.memory_space<hbm>> -> memref<10000x128xf32, #tpu.memory_space<hbm>>
        tpu.wait_indirect_dma semaphore(%arg12 : memref<!tpu.dma_semaphore, #tpu.memory_space<semaphore_mem>>) src(%dma_wait3A_115 : memref<10000x128xf32, #tpu.memory_space<hbm>>) dst(%arg8 : memref<128x128xf32, #tpu.memory_space<vmem>>)
        %add3A_116 = arith.addi %add3A_8, %add3A_66 : i32
        %mul3A_117 = arith.constant 128 : i32
        %mul3A_118 = arith.muli %add3A_116, %mul3A_117 : i32
        %dma_start3A = arith.constant 0 : i32
        %dma_start3A_119 = tpu.memref_slice %arg4[%mul3A_118, %dma_start3A] : memref<320000x128xf32, #tpu.memory_space<hbm>> -> memref<128x128xf32, #tpu.memory_space<hbm>>
        %dma_start3A_120 = arith.constant 0 : i32
        %dma_start3A_121 = tpu.memref_slice %arg4[%mul3A_118, %dma_start3A_120] : memref<320000x128xf32, #tpu.memory_space<hbm>> -> memref<128x128xf32, #tpu.memory_space<hbm>>
        tpu.enqueue_dma source(%arg8 : memref<128x128xf32, #tpu.memory_space<vmem>>) target(%dma_start3A_121 : memref<128x128xf32, #tpu.memory_space<hbm>>) target_semaphore(%arg16 : memref<!tpu.dma_semaphore, #tpu.memory_space<semaphore_mem>>)
      } else {
      }
      %mul3A_71 = arith.constant 4 : i32
      %mul3A_72 = arith.muli %scan3A_16, %mul3A_71 : i32
      %add3A_73 = arith.constant 3 : i32
      %add3A_74 = arith.addi %mul3A_72, %add3A_73 : i32
      %lt3A_75 = arith.cmpi slt, %add3A_74, %add3A_4 : i32
      %convert_element_type3A_76 = arith.extui %lt3A_75 : i1 to i32
      %cond3A_77 = arith.constant 0 : i32
      %cond3A_78 = arith.cmpi ne, %convert_element_type3A_76, %cond3A_77 : i32
      scf.if %cond3A_78 {
        %mul3A_111 = arith.constant 128 : i32
        %mul3A_112 = arith.muli %add3A_74, %mul3A_111 : i32
        %dma_wait3A = tpu.memref_slice %arg5[%mul3A_112] : memref<10112xi32, #tpu.memory_space<vmem>> -> memref<128xi32, #tpu.memory_space<vmem>>
        %dma_wait3A_113 = arith.constant 0 : i32
        %dma_wait3A_114 = arith.constant 0 : i32
        %dma_wait3A_115 = tpu.memref_slice %arg2[%dma_wait3A_113, %dma_wait3A_114] : memref<10000x128xf32, #tpu.memory_space<hbm>> -> memref<10000x128xf32, #tpu.memory_space<hbm>>
        tpu.wait_indirect_dma semaphore(%arg13 : memref<!tpu.dma_semaphore, #tpu.memory_space<semaphore_mem>>) src(%dma_wait3A_115 : memref<10000x128xf32, #tpu.memory_space<hbm>>) dst(%arg9 : memref<128x128xf32, #tpu.memory_space<vmem>>)
        %add3A_116 = arith.addi %add3A_8, %add3A_74 : i32
        %mul3A_117 = arith.constant 128 : i32
        %mul3A_118 = arith.muli %add3A_116, %mul3A_117 : i32
        %dma_start3A = arith.constant 0 : i32
        %dma_start3A_119 = tpu.memref_slice %arg4[%mul3A_118, %dma_start3A] : memref<320000x128xf32, #tpu.memory_space<hbm>> -> memref<128x128xf32, #tpu.memory_space<hbm>>
        %dma_start3A_120 = arith.constant 0 : i32
        %dma_start3A_121 = tpu.memref_slice %arg4[%mul3A_118, %dma_start3A_120] : memref<320000x128xf32, #tpu.memory_space<hbm>> -> memref<128x128xf32, #tpu.memory_space<hbm>>
        tpu.enqueue_dma source(%arg9 : memref<128x128xf32, #tpu.memory_space<vmem>>) target(%dma_start3A_121 : memref<128x128xf32, #tpu.memory_space<hbm>>) target_semaphore(%arg17 : memref<!tpu.dma_semaphore, #tpu.memory_space<semaphore_mem>>)
      } else {
      }
      %mul3A_79 = arith.constant 4 : i32
      %mul3A_80 = arith.muli %scan3A_16, %mul3A_79 : i32
      %add3A_81 = arith.constant 0 : i32
      %add3A_82 = arith.addi %mul3A_80, %add3A_81 : i32
      %lt3A_83 = arith.cmpi slt, %add3A_82, %add3A_4 : i32
      %convert_element_type3A_84 = arith.extui %lt3A_83 : i1 to i32
      %cond3A_85 = arith.constant 0 : i32
      %cond3A_86 = arith.cmpi ne, %convert_element_type3A_84, %cond3A_85 : i32
      scf.if %cond3A_86 {
        %add3A_111 = arith.addi %add3A_8, %add3A_82 : i32
        %mul3A_112 = arith.constant 128 : i32
        %mul3A_113 = arith.muli %add3A_111, %mul3A_112 : i32
        %dma_wait3A = arith.constant 0 : i32
        %dma_wait3A_114 = tpu.memref_slice %arg4[%mul3A_113, %dma_wait3A] : memref<320000x128xf32, #tpu.memory_space<hbm>> -> memref<128x128xf32, #tpu.memory_space<hbm>>
        %dma_wait3A_115 = arith.constant 0 : i32
        %dma_wait3A_116 = tpu.memref_slice %arg4[%mul3A_113, %dma_wait3A_115] : memref<320000x128xf32, #tpu.memory_space<hbm>> -> memref<128x128xf32, #tpu.memory_space<hbm>>
        tpu.wait_dma2 semaphore(%arg14 : memref<!tpu.dma_semaphore, #tpu.memory_space<semaphore_mem>>) src(%arg6 : memref<128x128xf32, #tpu.memory_space<vmem>>) dst(%dma_wait3A_116 : memref<128x128xf32, #tpu.memory_space<hbm>>)
      } else {
      }
      %mul3A_87 = arith.constant 4 : i32
      %mul3A_88 = arith.muli %scan3A_16, %mul3A_87 : i32
      %add3A_89 = arith.constant 1 : i32
      %add3A_90 = arith.addi %mul3A_88, %add3A_89 : i32
      %lt3A_91 = arith.cmpi slt, %add3A_90, %add3A_4 : i32
      %convert_element_type3A_92 = arith.extui %lt3A_91 : i1 to i32
      %cond3A_93 = arith.constant 0 : i32
      %cond3A_94 = arith.cmpi ne, %convert_element_type3A_92, %cond3A_93 : i32
      scf.if %cond3A_94 {
        %add3A_111 = arith.addi %add3A_8, %add3A_90 : i32
        %mul3A_112 = arith.constant 128 : i32
        %mul3A_113 = arith.muli %add3A_111, %mul3A_112 : i32
        %dma_wait3A = arith.constant 0 : i32
        %dma_wait3A_114 = tpu.memref_slice %arg4[%mul3A_113, %dma_wait3A] : memref<320000x128xf32, #tpu.memory_space<hbm>> -> memref<128x128xf32, #tpu.memory_space<hbm>>
        %dma_wait3A_115 = arith.constant 0 : i32
        %dma_wait3A_116 = tpu.memref_slice %arg4[%mul3A_113, %dma_wait3A_115] : memref<320000x128xf32, #tpu.memory_space<hbm>> -> memref<128x128xf32, #tpu.memory_space<hbm>>
        tpu.wait_dma2 semaphore(%arg15 : memref<!tpu.dma_semaphore, #tpu.memory_space<semaphore_mem>>) src(%arg7 : memref<128x128xf32, #tpu.memory_space<vmem>>) dst(%dma_wait3A_116 : memref<128x128xf32, #tpu.memory_space<hbm>>)
      } else {
      }
      %mul3A_95 = arith.constant 4 : i32
      %mul3A_96 = arith.muli %scan3A_16, %mul3A_95 : i32
      %add3A_97 = arith.constant 2 : i32
      %add3A_98 = arith.addi %mul3A_96, %add3A_97 : i32
      %lt3A_99 = arith.cmpi slt, %add3A_98, %add3A_4 : i32
      %convert_element_type3A_100 = arith.extui %lt3A_99 : i1 to i32
      %cond3A_101 = arith.constant 0 : i32
      %cond3A_102 = arith.cmpi ne, %convert_element_type3A_100, %cond3A_101 : i32
      scf.if %cond3A_102 {
        %add3A_111 = arith.addi %add3A_8, %add3A_98 : i32
        %mul3A_112 = arith.constant 128 : i32
        %mul3A_113 = arith.muli %add3A_111, %mul3A_112 : i32
        %dma_wait3A = arith.constant 0 : i32
        %dma_wait3A_114 = tpu.memref_slice %arg4[%mul3A_113, %dma_wait3A] : memref<320000x128xf32, #tpu.memory_space<hbm>> -> memref<128x128xf32, #tpu.memory_space<hbm>>
        %dma_wait3A_115 = arith.constant 0 : i32
        %dma_wait3A_116 = tpu.memref_slice %arg4[%mul3A_113, %dma_wait3A_115] : memref<320000x128xf32, #tpu.memory_space<hbm>> -> memref<128x128xf32, #tpu.memory_space<hbm>>
        tpu.wait_dma2 semaphore(%arg16 : memref<!tpu.dma_semaphore, #tpu.memory_space<semaphore_mem>>) src(%arg8 : memref<128x128xf32, #tpu.memory_space<vmem>>) dst(%dma_wait3A_116 : memref<128x128xf32, #tpu.memory_space<hbm>>)
      } else {
      }
      %mul3A_103 = arith.constant 4 : i32
      %mul3A_104 = arith.muli %scan3A_16, %mul3A_103 : i32
      %add3A_105 = arith.constant 3 : i32
      %add3A_106 = arith.addi %mul3A_104, %add3A_105 : i32
      %lt3A_107 = arith.cmpi slt, %add3A_106, %add3A_4 : i32
      %convert_element_type3A_108 = arith.extui %lt3A_107 : i1 to i32
      %cond3A_109 = arith.constant 0 : i32
      %cond3A_110 = arith.cmpi ne, %convert_element_type3A_108, %cond3A_109 : i32
      scf.if %cond3A_110 {
        %add3A_111 = arith.addi %add3A_8, %add3A_106 : i32
        %mul3A_112 = arith.constant 128 : i32
        %mul3A_113 = arith.muli %add3A_111, %mul3A_112 : i32
        %dma_wait3A = arith.constant 0 : i32
        %dma_wait3A_114 = tpu.memref_slice %arg4[%mul3A_113, %dma_wait3A] : memref<320000x128xf32, #tpu.memory_space<hbm>> -> memref<128x128xf32, #tpu.memory_space<hbm>>
        %dma_wait3A_115 = arith.constant 0 : i32
        %dma_wait3A_116 = tpu.memref_slice %arg4[%mul3A_113, %dma_wait3A_115] : memref<320000x128xf32, #tpu.memory_space<hbm>> -> memref<128x128xf32, #tpu.memory_space<hbm>>
        tpu.wait_dma2 semaphore(%arg17 : memref<!tpu.dma_semaphore, #tpu.memory_space<semaphore_mem>>) src(%arg9 : memref<128x128xf32, #tpu.memory_space<vmem>>) dst(%dma_wait3A_116 : memref<128x128xf32, #tpu.memory_space<hbm>>)
      } else {
      }
    }
    %scan3A_15 = arith.constant 20 : i32
    return
  }
}

#map = affine_map<(d0, d1) -> (0, 0)>
#map1 = affine_map<(d0, d1) -> (0)>
module attributes {stable_mosaic.version = 14 : i64} {
  func.func @gk(%arg0: i32, %arg1: i32, %arg2: memref<10000x128xf32, #tpu.memory_space<hbm>>, %arg3: memref<320128xi32, #tpu.memory_space<hbm>>, %arg4: memref<320000x128xf32, #tpu.memory_space<hbm>>, %arg5: memref<10112xi32, #tpu.memory_space<vmem>>, %arg6: memref<128x128xf32, #tpu.memory_space<vmem>>, %arg7: memref<128x128xf32, #tpu.memory_space<vmem>>, %arg8: memref<128x128xf32, #tpu.memory_space<vmem>>, %arg9: memref<128x128xf32, #tpu.memory_space<vmem>>, %arg10: memref<!tpu.dma_semaphore, #tpu.memory_space<semaphore_mem>>, %arg11: memref<!tpu.dma_semaphore, #tpu.memory_space<semaphore_mem>>, %arg12: memref<!tpu.dma_semaphore, #tpu.memory_space<semaphore_mem>>, %arg13: memref<!tpu.dma_semaphore, #tpu.memory_space<semaphore_mem>>, %arg14: memref<!tpu.dma_semaphore, #tpu.memory_space<semaphore_mem>>, %arg15: memref<!tpu.dma_semaphore, #tpu.memory_space<semaphore_mem>>, %arg16: memref<!tpu.dma_semaphore, #tpu.memory_space<semaphore_mem>>, %arg17: memref<!tpu.dma_semaphore, #tpu.memory_space<semaphore_mem>>) attributes {dimension_semantics = [#tpu.dimension_semantics<core_parallel>, #tpu.dimension_semantics<subcore_parallel>], iteration_bounds = array<i64: 2, 16>, scalar_prefetch = 0 : i64, scratch_operands = 13 : i64, tpu.core_type = #tpu.core_type<sc_vector_subcore>, window_params = [{transform_indices = #map}, {transform_indices = #map1}, {transform_indices = #map}]} {
    %mul3A = arith.constant 2 : i32
    %mul3A_0 = arith.muli %arg1, %mul3A : i32
    %add3A = arith.addi %mul3A_0, %arg0 : i32
    %lt3A = arith.constant 4 : i32
    %lt3A_1 = arith.cmpi slt, %add3A, %lt3A : i32
    %jit3A = arith.constant 1 : i32
    %jit3A_2 = arith.constant 0 : i32
    %select_n3A = arith.select %lt3A_1, %jit3A, %jit3A_2 : i32
    %add3A_3 = arith.constant 78 : i32
    %add3A_4 = arith.addi %add3A_3, %select_n3A : i32
    %mul3A_5 = arith.constant 78 : i32
    %mul3A_6 = arith.muli %add3A, %mul3A_5 : i32
    %min3A = arith.constant 4 : i32
    %min3A_7 = arith.minsi %add3A, %min3A : i32
    %add3A_8 = arith.addi %mul3A_6, %min3A_7 : i32
    %mul3A_9 = arith.constant 128 : i32
    %mul3A_10 = arith.muli %add3A_8, %mul3A_9 : i32
    "tpu.region"() ({
      %run_scoped3A = tpu.sem_alloc : memref<!tpu.dma_semaphore, #tpu.memory_space<semaphore_mem>>
      %dma_start3A = tpu.memref_slice %arg3[%mul3A_10] : memref<320128xi32, #tpu.memory_space<hbm>> -> memref<10112xi32, #tpu.memory_space<hbm>>
      %dma_start3A_16 = tpu.memref_slice %arg3[%mul3A_10] : memref<320128xi32, #tpu.memory_space<hbm>> -> memref<10112xi32, #tpu.memory_space<hbm>>
      tpu.enqueue_dma source(%dma_start3A_16 : memref<10112xi32, #tpu.memory_space<hbm>>) target(%arg5 : memref<10112xi32, #tpu.memory_space<vmem>>) target_semaphore(%run_scoped3A : memref<!tpu.dma_semaphore, #tpu.memory_space<semaphore_mem>>)
      %dma_wait3A = tpu.memref_slice %arg3[%mul3A_10] : memref<320128xi32, #tpu.memory_space<hbm>> -> memref<10112xi32, #tpu.memory_space<hbm>>
      %dma_wait3A_17 = tpu.memref_slice %arg3[%mul3A_10] : memref<320128xi32, #tpu.memory_space<hbm>> -> memref<10112xi32, #tpu.memory_space<hbm>>
      tpu.wait_dma2 semaphore(%run_scoped3A : memref<!tpu.dma_semaphore, #tpu.memory_space<semaphore_mem>>) src(%dma_wait3A_17 : memref<10112xi32, #tpu.memory_space<hbm>>) dst(%arg5 : memref<10112xi32, #tpu.memory_space<vmem>>)
      tpu.yield
    }) : () -> ()
    %scan3A = arith.constant 0 : i32
    %scan3A_11 = arith.constant 0 : i32
    %scan3A_12 = arith.constant 20 : i32
    %scan3A_13 = arith.addi %scan3A_11, %scan3A_12 : i32
    %scan3A_14 = arith.constant 1 : i32
    scf.for %scan3A_16 = %scan3A_11 to %scan3A_13 step %scan3A_14  : i32 {
      %mul3A_17 = arith.constant 4 : i32
      %mul3A_18 = arith.muli %scan3A_16, %mul3A_17 : i32
      %add3A_19 = arith.constant 0 : i32
      %add3A_20 = arith.addi %mul3A_18, %add3A_19 : i32
      %lt3A_21 = arith.cmpi slt, %add3A_20, %add3A_4 : i32
      %convert_element_type3A = arith.extui %lt3A_21 : i1 to i32
      %cond3A = arith.constant 0 : i32
      %cond3A_22 = arith.cmpi ne, %convert_element_type3A, %cond3A : i32
      scf.if %cond3A_22 {
        %mul3A_111 = arith.constant 128 : i32
        %mul3A_112 = arith.muli %add3A_20, %mul3A_111 : i32
        %dma_start3A = tpu.memref_slice %arg5[%mul3A_112] : memref<10112xi32, #tpu.memory_space<vmem>> -> memref<128xi32, #tpu.memory_space<vmem>>
        %dma_start3A_113 = arith.constant 0 : i32
        %dma_start3A_114 = arith.constant 0 : i32
        %dma_start3A_115 = tpu.memref_slice %arg2[%dma_start3A_113, %dma_start3A_114] : memref<10000x128xf32, #tpu.memory_space<hbm>> -> memref<10000x128xf32, #tpu.memory_space<hbm>>
        tpu.enqueue_indirect_dma source(%dma_start3A_115 : memref<10000x128xf32, #tpu.memory_space<hbm>>) target(%arg6 : memref<128x128xf32, #tpu.memory_space<vmem>>) offsets(%dma_start3A : memref<128xi32, #tpu.memory_space<vmem>>) semaphore(%arg10 : memref<!tpu.dma_semaphore, #tpu.memory_space<semaphore_mem>>)
      } else {
      }
      %mul3A_23 = arith.constant 4 : i32
      %mul3A_24 = arith.muli %scan3A_16, %mul3A_23 : i32
      %add3A_25 = arith.constant 1 : i32
      %add3A_26 = arith.addi %mul3A_24, %add3A_25 : i32
      %lt3A_27 = arith.cmpi slt, %add3A_26, %add3A_4 : i32
      %convert_element_type3A_28 = arith.extui %lt3A_27 : i1 to i32
      %cond3A_29 = arith.constant 0 : i32
      %cond3A_30 = arith.cmpi ne, %convert_element_type3A_28, %cond3A_29 : i32
      scf.if %cond3A_30 {
        %mul3A_111 = arith.constant 128 : i32
        %mul3A_112 = arith.muli %add3A_26, %mul3A_111 : i32
        %dma_start3A = tpu.memref_slice %arg5[%mul3A_112] : memref<10112xi32, #tpu.memory_space<vmem>> -> memref<128xi32, #tpu.memory_space<vmem>>
        %dma_start3A_113 = arith.constant 0 : i32
        %dma_start3A_114 = arith.constant 0 : i32
        %dma_start3A_115 = tpu.memref_slice %arg2[%dma_start3A_113, %dma_start3A_114] : memref<10000x128xf32, #tpu.memory_space<hbm>> -> memref<10000x128xf32, #tpu.memory_space<hbm>>
        tpu.enqueue_indirect_dma source(%dma_start3A_115 : memref<10000x128xf32, #tpu.memory_space<hbm>>) target(%arg7 : memref<128x128xf32, #tpu.memory_space<vmem>>) offsets(%dma_start3A : memref<128xi32, #tpu.memory_space<vmem>>) semaphore(%arg11 : memref<!tpu.dma_semaphore, #tpu.memory_space<semaphore_mem>>)
      } else {
      }
      %mul3A_31 = arith.constant 4 : i32
      %mul3A_32 = arith.muli %scan3A_16, %mul3A_31 : i32
      %add3A_33 = arith.constant 2 : i32
      %add3A_34 = arith.addi %mul3A_32, %add3A_33 : i32
      %lt3A_35 = arith.cmpi slt, %add3A_34, %add3A_4 : i32
      %convert_element_type3A_36 = arith.extui %lt3A_35 : i1 to i32
      %cond3A_37 = arith.constant 0 : i32
      %cond3A_38 = arith.cmpi ne, %convert_element_type3A_36, %cond3A_37 : i32
      scf.if %cond3A_38 {
        %mul3A_111 = arith.constant 128 : i32
        %mul3A_112 = arith.muli %add3A_34, %mul3A_111 : i32
        %dma_start3A = tpu.memref_slice %arg5[%mul3A_112] : memref<10112xi32, #tpu.memory_space<vmem>> -> memref<128xi32, #tpu.memory_space<vmem>>
        %dma_start3A_113 = arith.constant 0 : i32
        %dma_start3A_114 = arith.constant 0 : i32
        %dma_start3A_115 = tpu.memref_slice %arg2[%dma_start3A_113, %dma_start3A_114] : memref<10000x128xf32, #tpu.memory_space<hbm>> -> memref<10000x128xf32, #tpu.memory_space<hbm>>
        tpu.enqueue_indirect_dma source(%dma_start3A_115 : memref<10000x128xf32, #tpu.memory_space<hbm>>) target(%arg8 : memref<128x128xf32, #tpu.memory_space<vmem>>) offsets(%dma_start3A : memref<128xi32, #tpu.memory_space<vmem>>) semaphore(%arg12 : memref<!tpu.dma_semaphore, #tpu.memory_space<semaphore_mem>>)
      } else {
      }
      %mul3A_39 = arith.constant 4 : i32
      %mul3A_40 = arith.muli %scan3A_16, %mul3A_39 : i32
      %add3A_41 = arith.constant 3 : i32
      %add3A_42 = arith.addi %mul3A_40, %add3A_41 : i32
      %lt3A_43 = arith.cmpi slt, %add3A_42, %add3A_4 : i32
      %convert_element_type3A_44 = arith.extui %lt3A_43 : i1 to i32
      %cond3A_45 = arith.constant 0 : i32
      %cond3A_46 = arith.cmpi ne, %convert_element_type3A_44, %cond3A_45 : i32
      scf.if %cond3A_46 {
        %mul3A_111 = arith.constant 128 : i32
        %mul3A_112 = arith.muli %add3A_42, %mul3A_111 : i32
        %dma_start3A = tpu.memref_slice %arg5[%mul3A_112] : memref<10112xi32, #tpu.memory_space<vmem>> -> memref<128xi32, #tpu.memory_space<vmem>>
        %dma_start3A_113 = arith.constant 0 : i32
        %dma_start3A_114 = arith.constant 0 : i32
        %dma_start3A_115 = tpu.memref_slice %arg2[%dma_start3A_113, %dma_start3A_114] : memref<10000x128xf32, #tpu.memory_space<hbm>> -> memref<10000x128xf32, #tpu.memory_space<hbm>>
        tpu.enqueue_indirect_dma source(%dma_start3A_115 : memref<10000x128xf32, #tpu.memory_space<hbm>>) target(%arg9 : memref<128x128xf32, #tpu.memory_space<vmem>>) offsets(%dma_start3A : memref<128xi32, #tpu.memory_space<vmem>>) semaphore(%arg13 : memref<!tpu.dma_semaphore, #tpu.memory_space<semaphore_mem>>)
      } else {
      }
      %mul3A_47 = arith.constant 4 : i32
      %mul3A_48 = arith.muli %scan3A_16, %mul3A_47 : i32
      %add3A_49 = arith.constant 0 : i32
      %add3A_50 = arith.addi %mul3A_48, %add3A_49 : i32
      %lt3A_51 = arith.cmpi slt, %add3A_50, %add3A_4 : i32
      %convert_element_type3A_52 = arith.extui %lt3A_51 : i1 to i32
      %cond3A_53 = arith.constant 0 : i32
      %cond3A_54 = arith.cmpi ne, %convert_element_type3A_52, %cond3A_53 : i32
      scf.if %cond3A_54 {
        %mul3A_111 = arith.constant 128 : i32
        %mul3A_112 = arith.muli %add3A_50, %mul3A_111 : i32
        %dma_wait3A = tpu.memref_slice %arg5[%mul3A_112] : memref<10112xi32, #tpu.memory_space<vmem>> -> memref<128xi32, #tpu.memory_space<vmem>>
        %dma_wait3A_113 = arith.constant 0 : i32
        %dma_wait3A_114 = arith.constant 0 : i32
        %dma_wait3A_115 = tpu.memref_slice %arg2[%dma_wait3A_113, %dma_wait3A_114] : memref<10000x128xf32, #tpu.memory_space<hbm>> -> memref<10000x128xf32, #tpu.memory_space<hbm>>
        tpu.wait_indirect_dma semaphore(%arg10 : memref<!tpu.dma_semaphore, #tpu.memory_space<semaphore_mem>>) src(%dma_wait3A_115 : memref<10000x128xf32, #tpu.memory_space<hbm>>) dst(%arg6 : memref<128x128xf32, #tpu.memory_space<vmem>>)
        %add3A_116 = arith.addi %add3A_8, %add3A_50 : i32
        %mul3A_117 = arith.constant 128 : i32
        %mul3A_118 = arith.muli %add3A_116, %mul3A_117 : i32
        %dma_start3A = arith.constant 0 : i32
        %dma_start3A_119 = tpu.memref_slice %arg4[%mul3A_118, %dma_start3A] : memref<320000x128xf32, #tpu.memory_space<hbm>> -> memref<128x128xf32, #tpu.memory_space<hbm>>
        %dma_start3A_120 = arith.constant 0 : i32
        %dma_start3A_121 = tpu.memref_slice %arg4[%mul3A_118, %dma_start3A_120] : memref<320000x128xf32, #tpu.memory_space<hbm>> -> memref<128x128xf32, #tpu.memory_space<hbm>>
        tpu.enqueue_dma source(%arg6 : memref<128x128xf32, #tpu.memory_space<vmem>>) target(%dma_start3A_121 : memref<128x128xf32, #tpu.memory_space<hbm>>) target_semaphore(%arg14 : memref<!tpu.dma_semaphore, #tpu.memory_space<semaphore_mem>>)
      } else {
      }
      %mul3A_55 = arith.constant 4 : i32
      %mul3A_56 = arith.muli %scan3A_16, %mul3A_55 : i32
      %add3A_57 = arith.constant 1 : i32
      %add3A_58 = arith.addi %mul3A_56, %add3A_57 : i32
      %lt3A_59 = arith.cmpi slt, %add3A_58, %add3A_4 : i32
      %convert_element_type3A_60 = arith.extui %lt3A_59 : i1 to i32
      %cond3A_61 = arith.constant 0 : i32
      %cond3A_62 = arith.cmpi ne, %convert_element_type3A_60, %cond3A_61 : i32
      scf.if %cond3A_62 {
        %mul3A_111 = arith.constant 128 : i32
        %mul3A_112 = arith.muli %add3A_58, %mul3A_111 : i32
        %dma_wait3A = tpu.memref_slice %arg5[%mul3A_112] : memref<10112xi32, #tpu.memory_space<vmem>> -> memref<128xi32, #tpu.memory_space<vmem>>
        %dma_wait3A_113 = arith.constant 0 : i32
        %dma_wait3A_114 = arith.constant 0 : i32
        %dma_wait3A_115 = tpu.memref_slice %arg2[%dma_wait3A_113, %dma_wait3A_114] : memref<10000x128xf32, #tpu.memory_space<hbm>> -> memref<10000x128xf32, #tpu.memory_space<hbm>>
        tpu.wait_indirect_dma semaphore(%arg11 : memref<!tpu.dma_semaphore, #tpu.memory_space<semaphore_mem>>) src(%dma_wait3A_115 : memref<10000x128xf32, #tpu.memory_space<hbm>>) dst(%arg7 : memref<128x128xf32, #tpu.memory_space<vmem>>)
        %add3A_116 = arith.addi %add3A_8, %add3A_58 : i32
        %mul3A_117 = arith.constant 128 : i32
        %mul3A_118 = arith.muli %add3A_116, %mul3A_117 : i32
        %dma_start3A = arith.constant 0 : i32
        %dma_start3A_119 = tpu.memref_slice %arg4[%mul3A_118, %dma_start3A] : memref<320000x128xf32, #tpu.memory_space<hbm>> -> memref<128x128xf32, #tpu.memory_space<hbm>>
        %dma_start3A_120 = arith.constant 0 : i32
        %dma_start3A_121 = tpu.memref_slice %arg4[%mul3A_118, %dma_start3A_120] : memref<320000x128xf32, #tpu.memory_space<hbm>> -> memref<128x128xf32, #tpu.memory_space<hbm>>
        tpu.enqueue_dma source(%arg7 : memref<128x128xf32, #tpu.memory_space<vmem>>) target(%dma_start3A_121 : memref<128x128xf32, #tpu.memory_space<hbm>>) target_semaphore(%arg15 : memref<!tpu.dma_semaphore, #tpu.memory_space<semaphore_mem>>)
      } else {
      }
      %mul3A_63 = arith.constant 4 : i32
      %mul3A_64 = arith.muli %scan3A_16, %mul3A_63 : i32
      %add3A_65 = arith.constant 2 : i32
      %add3A_66 = arith.addi %mul3A_64, %add3A_65 : i32
      %lt3A_67 = arith.cmpi slt, %add3A_66, %add3A_4 : i32
      %convert_element_type3A_68 = arith.extui %lt3A_67 : i1 to i32
      %cond3A_69 = arith.constant 0 : i32
      %cond3A_70 = arith.cmpi ne, %convert_element_type3A_68, %cond3A_69 : i32
      scf.if %cond3A_70 {
        %mul3A_111 = arith.constant 128 : i32
        %mul3A_112 = arith.muli %add3A_66, %mul3A_111 : i32
        %dma_wait3A = tpu.memref_slice %arg5[%mul3A_112] : memref<10112xi32, #tpu.memory_space<vmem>> -> memref<128xi32, #tpu.memory_space<vmem>>
        %dma_wait3A_113 = arith.constant 0 : i32
        %dma_wait3A_114 = arith.constant 0 : i32
        %dma_wait3A_115 = tpu.memref_slice %arg2[%dma_wait3A_113, %dma_wait3A_114] : memref<10000x128xf32, #tpu.memory_space<hbm>> -> memref<10000x128xf32, #tpu.memory_space<hbm>>
        tpu.wait_indirect_dma semaphore(%arg12 : memref<!tpu.dma_semaphore, #tpu.memory_space<semaphore_mem>>) src(%dma_wait3A_115 : memref<10000x128xf32, #tpu.memory_space<hbm>>) dst(%arg8 : memref<128x128xf32, #tpu.memory_space<vmem>>)
        %add3A_116 = arith.addi %add3A_8, %add3A_66 : i32
        %mul3A_117 = arith.constant 128 : i32
        %mul3A_118 = arith.muli %add3A_116, %mul3A_117 : i32
        %dma_start3A = arith.constant 0 : i32
        %dma_start3A_119 = tpu.memref_slice %arg4[%mul3A_118, %dma_start3A] : memref<320000x128xf32, #tpu.memory_space<hbm>> -> memref<128x128xf32, #tpu.memory_space<hbm>>
        %dma_start3A_120 = arith.constant 0 : i32
        %dma_start3A_121 = tpu.memref_slice %arg4[%mul3A_118, %dma_start3A_120] : memref<320000x128xf32, #tpu.memory_space<hbm>> -> memref<128x128xf32, #tpu.memory_space<hbm>>
        tpu.enqueue_dma source(%arg8 : memref<128x128xf32, #tpu.memory_space<vmem>>) target(%dma_start3A_121 : memref<128x128xf32, #tpu.memory_space<hbm>>) target_semaphore(%arg16 : memref<!tpu.dma_semaphore, #tpu.memory_space<semaphore_mem>>)
      } else {
      }
      %mul3A_71 = arith.constant 4 : i32
      %mul3A_72 = arith.muli %scan3A_16, %mul3A_71 : i32
      %add3A_73 = arith.constant 3 : i32
      %add3A_74 = arith.addi %mul3A_72, %add3A_73 : i32
      %lt3A_75 = arith.cmpi slt, %add3A_74, %add3A_4 : i32
      %convert_element_type3A_76 = arith.extui %lt3A_75 : i1 to i32
      %cond3A_77 = arith.constant 0 : i32
      %cond3A_78 = arith.cmpi ne, %convert_element_type3A_76, %cond3A_77 : i32
      scf.if %cond3A_78 {
        %mul3A_111 = arith.constant 128 : i32
        %mul3A_112 = arith.muli %add3A_74, %mul3A_111 : i32
        %dma_wait3A = tpu.memref_slice %arg5[%mul3A_112] : memref<10112xi32, #tpu.memory_space<vmem>> -> memref<128xi32, #tpu.memory_space<vmem>>
        %dma_wait3A_113 = arith.constant 0 : i32
        %dma_wait3A_114 = arith.constant 0 : i32
        %dma_wait3A_115 = tpu.memref_slice %arg2[%dma_wait3A_113, %dma_wait3A_114] : memref<10000x128xf32, #tpu.memory_space<hbm>> -> memref<10000x128xf32, #tpu.memory_space<hbm>>
        tpu.wait_indirect_dma semaphore(%arg13 : memref<!tpu.dma_semaphore, #tpu.memory_space<semaphore_mem>>) src(%dma_wait3A_115 : memref<10000x128xf32, #tpu.memory_space<hbm>>) dst(%arg9 : memref<128x128xf32, #tpu.memory_space<vmem>>)
        %add3A_116 = arith.addi %add3A_8, %add3A_74 : i32
        %mul3A_117 = arith.constant 128 : i32
        %mul3A_118 = arith.muli %add3A_116, %mul3A_117 : i32
        %dma_start3A = arith.constant 0 : i32
        %dma_start3A_119 = tpu.memref_slice %arg4[%mul3A_118, %dma_start3A] : memref<320000x128xf32, #tpu.memory_space<hbm>> -> memref<128x128xf32, #tpu.memory_space<hbm>>
        %dma_start3A_120 = arith.constant 0 : i32
        %dma_start3A_121 = tpu.memref_slice %arg4[%mul3A_118, %dma_start3A_120] : memref<320000x128xf32, #tpu.memory_space<hbm>> -> memref<128x128xf32, #tpu.memory_space<hbm>>
        tpu.enqueue_dma source(%arg9 : memref<128x128xf32, #tpu.memory_space<vmem>>) target(%dma_start3A_121 : memref<128x128xf32, #tpu.memory_space<hbm>>) target_semaphore(%arg17 : memref<!tpu.dma_semaphore, #tpu.memory_space<semaphore_mem>>)
      } else {
      }
      %mul3A_79 = arith.constant 4 : i32
      %mul3A_80 = arith.muli %scan3A_16, %mul3A_79 : i32
      %add3A_81 = arith.constant 0 : i32
      %add3A_82 = arith.addi %mul3A_80, %add3A_81 : i32
      %lt3A_83 = arith.cmpi slt, %add3A_82, %add3A_4 : i32
      %convert_element_type3A_84 = arith.extui %lt3A_83 : i1 to i32
      %cond3A_85 = arith.constant 0 : i32
      %cond3A_86 = arith.cmpi ne, %convert_element_type3A_84, %cond3A_85 : i32
      scf.if %cond3A_86 {
        %add3A_111 = arith.addi %add3A_8, %add3A_82 : i32
        %mul3A_112 = arith.constant 128 : i32
        %mul3A_113 = arith.muli %add3A_111, %mul3A_112 : i32
        %dma_wait3A = arith.constant 0 : i32
        %dma_wait3A_114 = tpu.memref_slice %arg4[%mul3A_113, %dma_wait3A] : memref<320000x128xf32, #tpu.memory_space<hbm>> -> memref<128x128xf32, #tpu.memory_space<hbm>>
        %dma_wait3A_115 = arith.constant 0 : i32
        %dma_wait3A_116 = tpu.memref_slice %arg4[%mul3A_113, %dma_wait3A_115] : memref<320000x128xf32, #tpu.memory_space<hbm>> -> memref<128x128xf32, #tpu.memory_space<hbm>>
        tpu.wait_dma2 semaphore(%arg14 : memref<!tpu.dma_semaphore, #tpu.memory_space<semaphore_mem>>) src(%arg6 : memref<128x128xf32, #tpu.memory_space<vmem>>) dst(%dma_wait3A_116 : memref<128x128xf32, #tpu.memory_space<hbm>>)
      } else {
      }
      %mul3A_87 = arith.constant 4 : i32
      %mul3A_88 = arith.muli %scan3A_16, %mul3A_87 : i32
      %add3A_89 = arith.constant 1 : i32
      %add3A_90 = arith.addi %mul3A_88, %add3A_89 : i32
      %lt3A_91 = arith.cmpi slt, %add3A_90, %add3A_4 : i32
      %convert_element_type3A_92 = arith.extui %lt3A_91 : i1 to i32
      %cond3A_93 = arith.constant 0 : i32
      %cond3A_94 = arith.cmpi ne, %convert_element_type3A_92, %cond3A_93 : i32
      scf.if %cond3A_94 {
        %add3A_111 = arith.addi %add3A_8, %add3A_90 : i32
        %mul3A_112 = arith.constant 128 : i32
        %mul3A_113 = arith.muli %add3A_111, %mul3A_112 : i32
        %dma_wait3A = arith.constant 0 : i32
        %dma_wait3A_114 = tpu.memref_slice %arg4[%mul3A_113, %dma_wait3A] : memref<320000x128xf32, #tpu.memory_space<hbm>> -> memref<128x128xf32, #tpu.memory_space<hbm>>
        %dma_wait3A_115 = arith.constant 0 : i32
        %dma_wait3A_116 = tpu.memref_slice %arg4[%mul3A_113, %dma_wait3A_115] : memref<320000x128xf32, #tpu.memory_space<hbm>> -> memref<128x128xf32, #tpu.memory_space<hbm>>
        tpu.wait_dma2 semaphore(%arg15 : memref<!tpu.dma_semaphore, #tpu.memory_space<semaphore_mem>>) src(%arg7 : memref<128x128xf32, #tpu.memory_space<vmem>>) dst(%dma_wait3A_116 : memref<128x128xf32, #tpu.memory_space<hbm>>)
      } else {
      }
      %mul3A_95 = arith.constant 4 : i32
      %mul3A_96 = arith.muli %scan3A_16, %mul3A_95 : i32
      %add3A_97 = arith.constant 2 : i32
      %add3A_98 = arith.addi %mul3A_96, %add3A_97 : i32
      %lt3A_99 = arith.cmpi slt, %add3A_98, %add3A_4 : i32
      %convert_element_type3A_100 = arith.extui %lt3A_99 : i1 to i32
      %cond3A_101 = arith.constant 0 : i32
      %cond3A_102 = arith.cmpi ne, %convert_element_type3A_100, %cond3A_101 : i32
      scf.if %cond3A_102 {
        %add3A_111 = arith.addi %add3A_8, %add3A_98 : i32
        %mul3A_112 = arith.constant 128 : i32
        %mul3A_113 = arith.muli %add3A_111, %mul3A_112 : i32
        %dma_wait3A = arith.constant 0 : i32
        %dma_wait3A_114 = tpu.memref_slice %arg4[%mul3A_113, %dma_wait3A] : memref<320000x128xf32, #tpu.memory_space<hbm>> -> memref<128x128xf32, #tpu.memory_space<hbm>>
        %dma_wait3A_115 = arith.constant 0 : i32
        %dma_wait3A_116 = tpu.memref_slice %arg4[%mul3A_113, %dma_wait3A_115] : memref<320000x128xf32, #tpu.memory_space<hbm>> -> memref<128x128xf32, #tpu.memory_space<hbm>>
        tpu.wait_dma2 semaphore(%arg16 : memref<!tpu.dma_semaphore, #tpu.memory_space<semaphore_mem>>) src(%arg8 : memref<128x128xf32, #tpu.memory_space<vmem>>) dst(%dma_wait3A_116 : memref<128x128xf32, #tpu.memory_space<hbm>>)
      } else {
      }
      %mul3A_103 = arith.constant 4 : i32
      %mul3A_104 = arith.muli %scan3A_16, %mul3A_103 : i32
      %add3A_105 = arith.constant 3 : i32
      %add3A_106 = arith.addi %mul3A_104, %add3A_105 : i32
      %lt3A_107 = arith.cmpi slt, %add3A_106, %add3A_4 : i32
      %convert_element_type3A_108 = arith.extui %lt3A_107 : i1 to i32
      %cond3A_109 = arith.constant 0 : i32
      %cond3A_110 = arith.cmpi ne, %convert_element_type3A_108, %cond3A_109 : i32
      scf.if %cond3A_110 {
        %add3A_111 = arith.addi %add3A_8, %add3A_106 : i32
        %mul3A_112 = arith.constant 128 : i32
        %mul3A_113 = arith.muli %add3A_111, %mul3A_112 : i32
        %dma_wait3A = arith.constant 0 : i32
        %dma_wait3A_114 = tpu.memref_slice %arg4[%mul3A_113, %dma_wait3A] : memref<320000x128xf32, #tpu.memory_space<hbm>> -> memref<128x128xf32, #tpu.memory_space<hbm>>
        %dma_wait3A_115 = arith.constant 0 : i32
        %dma_wait3A_116 = tpu.memref_slice %arg4[%mul3A_113, %dma_wait3A_115] : memref<320000x128xf32, #tpu.memory_space<hbm>> -> memref<128x128xf32, #tpu.memory_space<hbm>>
        tpu.wait_dma2 semaphore(%arg17 : memref<!tpu.dma_semaphore, #tpu.memory_space<semaphore_mem>>) src(%arg9 : memref<128x128xf32, #tpu.memory_space<vmem>>) dst(%dma_wait3A_116 : memref<128x128xf32, #tpu.memory_space<hbm>>)
      } else {
      }
    }
    %scan3A_15 = arith.constant 20 : i32
    return
  }
}

module attributes {stable_mosaic.version = 14 : i64} {
  func.func @_geom_body(%arg0: i32, %arg1: memref<80x8xf32, #tpu.memory_space<vmem>>, %arg2: memref<2560x128xf32, #tpu.memory_space<vmem>>, %arg3: memref<2560x8xf32, #tpu.memory_space<vmem>>) attributes {dimension_semantics = [#tpu.dimension_semantics<arbitrary>], iteration_bounds = array<i64: 125>, scalar_prefetch = 0 : i64, scratch_operands = 0 : i64, tpu.core_type = #tpu.core_type<tc>, window_params = [{transform_indices = @transform_0, window_bounds = array<i64: 80, 8>}, {transform_indices = @transform_1, window_bounds = array<i64: 2560, 128>}, {transform_indices = @transform_2, window_bounds = array<i64: 2560, 8>}]} {
    %get3A = arith.constant 0 : index
    %get3A_0 = arith.constant 0 : index
    %get3A_1 = vector.load %arg1[%get3A, %get3A_0] : memref<80x8xf32, #tpu.memory_space<vmem>>, vector<80x8xf32>
    %broadcast_in_dim3A = vector.shape_cast %get3A_1 : vector<80x8xf32> to vector<80x1x8xf32>
    %broadcast_in_dim3A_2 = vector.shape_cast %broadcast_in_dim3A : vector<80x1x8xf32> to vector<80x1x8xf32>
    %broadcast_in_dim3A_3 = vector.broadcast %broadcast_in_dim3A_2 : vector<80x1x8xf32> to vector<80x32x8xf32>
    %reshape3A = vector.shape_cast %broadcast_in_dim3A_3 : vector<80x32x8xf32> to vector<20x128x8xf32>
    %transpose3A = tpu.transpose %reshape3A, [0, 2, 1] : vector<20x128x8xf32> -> vector<20x8x128xf32>
    %get3A_4 = arith.constant 0 : index
    %get3A_5 = arith.constant 0 : index
    %get3A_6 = vector.load %arg2[%get3A_4, %get3A_5] : memref<2560x128xf32, #tpu.memory_space<vmem>>, vector<2560x128xf32>
    %reshape3A_7 = vector.shape_cast %get3A_6 : vector<2560x128xf32> to vector<20x128x128xf32>
    %transpose3A_8 = tpu.transpose %reshape3A_7, [0, 2, 1] : vector<20x128x128xf32> -> vector<20x128x128xf32>
    %slice3A = vector.extract_strided_slice %transpose3A {offsets = [0, 0, 0], sizes = [20, 1, 128], strides = [1, 1, 1]} : vector<20x8x128xf32> to vector<20x1x128xf32>
    %squeeze3A = vector.shape_cast %slice3A : vector<20x1x128xf32> to vector<20x128xf32>
    %slice3A_9 = vector.extract_strided_slice %transpose3A_8 {offsets = [0, 0, 0], sizes = [20, 1, 128], strides = [1, 1, 1]} : vector<20x128x128xf32> to vector<20x1x128xf32>
    %squeeze3A_10 = vector.shape_cast %slice3A_9 : vector<20x1x128xf32> to vector<20x128xf32>
    %sub3A = arith.subf %squeeze3A, %squeeze3A_10 : vector<20x128xf32>
    %slice3A_11 = vector.extract_strided_slice %transpose3A {offsets = [0, 1, 0], sizes = [20, 1, 128], strides = [1, 1, 1]} : vector<20x8x128xf32> to vector<20x1x128xf32>
    %squeeze3A_12 = vector.shape_cast %slice3A_11 : vector<20x1x128xf32> to vector<20x128xf32>
    %slice3A_13 = vector.extract_strided_slice %transpose3A_8 {offsets = [0, 1, 0], sizes = [20, 1, 128], strides = [1, 1, 1]} : vector<20x128x128xf32> to vector<20x1x128xf32>
    %squeeze3A_14 = vector.shape_cast %slice3A_13 : vector<20x1x128xf32> to vector<20x128xf32>
    %sub3A_15 = arith.subf %squeeze3A_12, %squeeze3A_14 : vector<20x128xf32>
    %mul3A = arith.mulf %sub3A, %sub3A : vector<20x128xf32>
    %mul3A_16 = arith.mulf %sub3A_15, %sub3A_15 : vector<20x128xf32>
    %add3A = arith.addf %mul3A, %mul3A_16 : vector<20x128xf32>
    %sqrt3A = math.sqrt %add3A : vector<20x128xf32>
    %slice3A_17 = vector.extract_strided_slice %transpose3A {offsets = [0, 2, 0], sizes = [20, 1, 128], strides = [1, 1, 1]} : vector<20x8x128xf32> to vector<20x1x128xf32>
    %squeeze3A_18 = vector.shape_cast %slice3A_17 : vector<20x1x128xf32> to vector<20x128xf32>
    %slice3A_19 = vector.extract_strided_slice %transpose3A {offsets = [0, 3, 0], sizes = [20, 1, 128], strides = [1, 1, 1]} : vector<20x8x128xf32> to vector<20x1x128xf32>
    %squeeze3A_20 = vector.shape_cast %slice3A_19 : vector<20x1x128xf32> to vector<20x128xf32>
    %min3A = arith.minimumf %squeeze3A_18, %squeeze3A_20 : vector<20x128xf32>
    %slice3A_21 = vector.extract_strided_slice %transpose3A_8 {offsets = [0, 2, 0], sizes = [20, 1, 128], strides = [1, 1, 1]} : vector<20x128x128xf32> to vector<20x1x128xf32>
    %squeeze3A_22 = vector.shape_cast %slice3A_21 : vector<20x1x128xf32> to vector<20x128xf32>
    %slice3A_23 = vector.extract_strided_slice %transpose3A_8 {offsets = [0, 3, 0], sizes = [20, 1, 128], strides = [1, 1, 1]} : vector<20x128x128xf32> to vector<20x1x128xf32>
    %squeeze3A_24 = vector.shape_cast %slice3A_23 : vector<20x1x128xf32> to vector<20x128xf32>
    %min3A_25 = arith.minimumf %squeeze3A_22, %squeeze3A_24 : vector<20x128xf32>
    %div3A = arith.divf %min3A, %min3A_25 : vector<20x128xf32>
    %max3A = arith.constant 9.99999997E-7 : f32
    %max3A_26 = vector.broadcast %max3A : f32 to vector<20x128xf32>
    %max3A_27 = arith.maximumf %div3A, %max3A_26 : vector<20x128xf32>
    %log3A = math.log %max3A_27 : vector<20x128xf32>
    %slice3A_28 = vector.extract_strided_slice %transpose3A {offsets = [0, 4, 0], sizes = [20, 1, 128], strides = [1, 1, 1]} : vector<20x8x128xf32> to vector<20x1x128xf32>
    %squeeze3A_29 = vector.shape_cast %slice3A_28 : vector<20x1x128xf32> to vector<20x128xf32>
    %slice3A_30 = vector.extract_strided_slice %transpose3A_8 {offsets = [0, 4, 0], sizes = [20, 1, 128], strides = [1, 1, 1]} : vector<20x128x128xf32> to vector<20x1x128xf32>
    %squeeze3A_31 = vector.shape_cast %slice3A_30 : vector<20x1x128xf32> to vector<20x128xf32>
    %sub3A_32 = arith.subf %squeeze3A_29, %squeeze3A_31 : vector<20x128xf32>
    %cos3A = math.cos %sub3A_32 : vector<20x128xf32>
    %sin3A = math.sin %sub3A_32 : vector<20x128xf32>
    %iota3A = tpu.iota {dimensions = array<i32: 1>} : vector<20x128x128xi32>
    %eq3A = arith.constant 0 : i32
    %eq3A_33 = vector.broadcast %eq3A : i32 to vector<20x128x128xi32>
    %eq3A_34 = arith.cmpi eq, %iota3A, %eq3A_33 : vector<20x128x128xi32>
    %broadcast_in_dim3A_35 = vector.shape_cast %sqrt3A : vector<20x128xf32> to vector<20x1x128xf32>
    %eq3A_36 = arith.constant 1 : i32
    %eq3A_37 = vector.broadcast %eq3A_36 : i32 to vector<20x128x128xi32>
    %eq3A_38 = arith.cmpi eq, %iota3A, %eq3A_37 : vector<20x128x128xi32>
    %broadcast_in_dim3A_39 = vector.shape_cast %log3A : vector<20x128xf32> to vector<20x1x128xf32>
    %eq3A_40 = arith.constant 2 : i32
    %eq3A_41 = vector.broadcast %eq3A_40 : i32 to vector<20x128x128xi32>
    %eq3A_42 = arith.cmpi eq, %iota3A, %eq3A_41 : vector<20x128x128xi32>
    %broadcast_in_dim3A_43 = vector.shape_cast %cos3A : vector<20x128xf32> to vector<20x1x128xf32>
    %eq3A_44 = arith.constant 3 : i32
    %eq3A_45 = vector.broadcast %eq3A_44 : i32 to vector<20x128x128xi32>
    %eq3A_46 = arith.cmpi eq, %iota3A, %eq3A_45 : vector<20x128x128xi32>
    %broadcast_in_dim3A_47 = vector.shape_cast %sin3A : vector<20x128xf32> to vector<20x1x128xf32>
    %jit3A = arith.constant 0.000000e+00 : f32
    %broadcast_in_dim3A_48 = vector.shape_cast %broadcast_in_dim3A_47 : vector<20x1x128xf32> to vector<20x1x128xf32>
    %broadcast_in_dim3A_49 = vector.broadcast %broadcast_in_dim3A_48 : vector<20x1x128xf32> to vector<20x128x128xf32>
    %broadcast_in_dim3A_50 = vector.broadcast %jit3A : f32 to vector<20x128x128xf32>
    %select_n3A = arith.select %eq3A_46, %broadcast_in_dim3A_49, %broadcast_in_dim3A_50 : vector<20x128x128xi1>, vector<20x128x128xf32>
    %broadcast_in_dim3A_51 = vector.shape_cast %broadcast_in_dim3A_43 : vector<20x1x128xf32> to vector<20x1x128xf32>
    %broadcast_in_dim3A_52 = vector.broadcast %broadcast_in_dim3A_51 : vector<20x1x128xf32> to vector<20x128x128xf32>
    %select_n3A_53 = arith.select %eq3A_42, %broadcast_in_dim3A_52, %select_n3A : vector<20x128x128xi1>, vector<20x128x128xf32>
    %broadcast_in_dim3A_54 = vector.shape_cast %broadcast_in_dim3A_39 : vector<20x1x128xf32> to vector<20x1x128xf32>
    %broadcast_in_dim3A_55 = vector.broadcast %broadcast_in_dim3A_54 : vector<20x1x128xf32> to vector<20x128x128xf32>
    %select_n3A_56 = arith.select %eq3A_38, %broadcast_in_dim3A_55, %select_n3A_53 : vector<20x128x128xi1>, vector<20x128x128xf32>
    %broadcast_in_dim3A_57 = vector.shape_cast %broadcast_in_dim3A_35 : vector<20x1x128xf32> to vector<20x1x128xf32>
    %broadcast_in_dim3A_58 = vector.broadcast %broadcast_in_dim3A_57 : vector<20x1x128xf32> to vector<20x128x128xf32>
    %select_n3A_59 = arith.select %eq3A_34, %broadcast_in_dim3A_58, %select_n3A_56 : vector<20x128x128xi1>, vector<20x128x128xf32>
    %transpose3A_60 = tpu.transpose %select_n3A_59, [0, 2, 1] : vector<20x128x128xf32> -> vector<20x128x128xf32>
    %reshape3A_61 = vector.shape_cast %transpose3A_60 : vector<20x128x128xf32> to vector<2560x128xf32>
    %slice3A_62 = vector.extract_strided_slice %reshape3A_61 {offsets = [0, 0], sizes = [2560, 8], strides = [1, 1]} : vector<2560x128xf32> to vector<2560x8xf32>
    %swap3A = arith.constant 0 : index
    %swap3A_63 = arith.constant 0 : index
    %swap3A_64 = vector.load %arg3[%swap3A, %swap3A_63] : memref<2560x8xf32, #tpu.memory_space<vmem>>, vector<2560x8xf32>
    tpu.vector_store %arg3[%swap3A, %swap3A_63], %slice3A_62 {strides = array<i32>} : memref<2560x8xf32, #tpu.memory_space<vmem>>, vector<2560x8xf32>,
    return
  }
  func.func @transform_0(%arg0: i32) -> (i32, i32) {
    %c0_i32 = arith.constant 0 : i32
    %c0_i32_0 = arith.constant 0 : i32
    return %arg0, %c0_i32 : i32, i32
  }
  func.func @transform_1(%arg0: i32) -> (i32, i32) {
    %c0_i32 = arith.constant 0 : i32
    %c0_i32_0 = arith.constant 0 : i32
    return %arg0, %c0_i32 : i32, i32
  }
  func.func @transform_2(%arg0: i32) -> (i32, i32) {
    %c0_i32 = arith.constant 0 : i32
    %c0_i32_0 = arith.constant 0 : i32
    return %arg0, %c0_i32 : i32, i32
  }
}

module attributes {stable_mosaic.version = 14 : i64} {
  func.func @_layer_body(%arg0: i32, %arg1: memref<80x128xf32, #tpu.memory_space<vmem>>, %arg2: memref<2560x128xf32, #tpu.memory_space<vmem>>, %arg3: memref<2560x8xf32, #tpu.memory_space<vmem>>, %arg4: memref<4x128xf32, #tpu.memory_space<vmem>>, %arg5: memref<1x128xf32, #tpu.memory_space<vmem>>, %arg6: memref<128x128xf32, #tpu.memory_space<vmem>>, %arg7: memref<1x128xf32, #tpu.memory_space<vmem>>, %arg8: memref<256x256xf32, #tpu.memory_space<vmem>>, %arg9: memref<1x256xf32, #tpu.memory_space<vmem>>, %arg10: memref<384x8xf32, #tpu.memory_space<vmem>>, %arg11: memref<1x1xf32, #tpu.memory_space<vmem>>, %arg12: memref<256x128xf32, #tpu.memory_space<vmem>>, %arg13: memref<1x128xf32, #tpu.memory_space<vmem>>, %arg14: memref<80x128xf32, #tpu.memory_space<vmem>>) attributes {dimension_semantics = [#tpu.dimension_semantics<arbitrary>], iteration_bounds = array<i64: 125>, scalar_prefetch = 0 : i64, scratch_operands = 0 : i64, tpu.core_type = #tpu.core_type<tc>, window_params = [{transform_indices = @transform_0, window_bounds = array<i64: 80, 128>}, {transform_indices = @transform_1, window_bounds = array<i64: 2560, 128>}, {transform_indices = @transform_2, window_bounds = array<i64: 2560, 8>}, {pipeline_mode = #tpu.pipeline_mode<synchronous>, transform_indices = @transform_3, window_bounds = array<i64: 4, 128>}, {pipeline_mode = #tpu.pipeline_mode<synchronous>, transform_indices = @transform_4, window_bounds = array<i64: 1, 128>}, {pipeline_mode = #tpu.pipeline_mode<synchronous>, transform_indices = @transform_5, window_bounds = array<i64: 128, 128>}, {pipeline_mode = #tpu.pipeline_mode<synchronous>, transform_indices = @transform_6, window_bounds = array<i64: 1, 128>}, {pipeline_mode = #tpu.pipeline_mode<synchronous>, transform_indices = @transform_7, window_bounds = array<i64: 256, 256>}, {pipeline_mode = #tpu.pipeline_mode<synchronous>, transform_indices = @transform_8, window_bounds = array<i64: 1, 256>}, {pipeline_mode = #tpu.pipeline_mode<synchronous>, transform_indices = @transform_9, window_bounds = array<i64: 384, 8>}, {pipeline_mode = #tpu.pipeline_mode<synchronous>, transform_indices = @transform_10, window_bounds = array<i64: 1, 1>}, {pipeline_mode = #tpu.pipeline_mode<synchronous>, transform_indices = @transform_11, window_bounds = array<i64: 256, 128>}, {pipeline_mode = #tpu.pipeline_mode<synchronous>, transform_indices = @transform_12, window_bounds = array<i64: 1, 128>}, {transform_indices = @transform_13, window_bounds = array<i64: 80, 128>}]} {
    %get3A = arith.constant 0 : index
    %get3A_0 = arith.constant 0 : index
    %get3A_1 = vector.load %arg2[%get3A, %get3A_0] : memref<2560x128xf32, #tpu.memory_space<vmem>>, vector<2560x128xf32>
    %get3A_2 = arith.constant 0 : index
    %get3A_3 = arith.constant 0 : index
    %get3A_4 = vector.load %arg3[%get3A_2, %get3A_3] : memref<2560x8xf32, #tpu.memory_space<vmem>>, vector<2560x8xf32>
    %reshape3A = vector.shape_cast %get3A_1 : vector<2560x128xf32> to vector<20x128x128xf32>
    %transpose3A = tpu.transpose %reshape3A, [0, 2, 1] : vector<20x128x128xf32> -> vector<20x128x128xf32>
    %reshape3A_5 = vector.shape_cast %get3A_4 : vector<2560x8xf32> to vector<20x128x8xf32>
    %transpose3A_6 = tpu.transpose %reshape3A_5, [0, 2, 1] : vector<20x128x8xf32> -> vector<20x8x128xf32>
    %slice3A = vector.extract_strided_slice %transpose3A_6 {offsets = [0, 2, 0], sizes = [20, 1, 128], strides = [1, 1, 1]} : vector<20x8x128xf32> to vector<20x1x128xf32>
    %squeeze3A = vector.shape_cast %slice3A : vector<20x1x128xf32> to vector<20x128xf32>
    %slice3A_7 = vector.extract_strided_slice %transpose3A_6 {offsets = [0, 3, 0], sizes = [20, 1, 128], strides = [1, 1, 1]} : vector<20x8x128xf32> to vector<20x1x128xf32>
    %squeeze3A_8 = vector.shape_cast %slice3A_7 : vector<20x1x128xf32> to vector<20x128xf32>
    %slice3A_9 = vector.extract_strided_slice %transpose3A {offsets = [0, 0, 0], sizes = [20, 1, 128], strides = [1, 1, 1]} : vector<20x128x128xf32> to vector<20x1x128xf32>
    %squeeze3A_10 = vector.shape_cast %slice3A_9 : vector<20x1x128xf32> to vector<20x128xf32>
    %slice3A_11 = vector.extract_strided_slice %transpose3A {offsets = [0, 1, 0], sizes = [20, 1, 128], strides = [1, 1, 1]} : vector<20x128x128xf32> to vector<20x1x128xf32>
    %squeeze3A_12 = vector.shape_cast %slice3A_11 : vector<20x1x128xf32> to vector<20x128xf32>
    %mul3A = arith.mulf %squeeze3A, %squeeze3A_10 : vector<20x128xf32>
    %mul3A_13 = arith.mulf %squeeze3A_8, %squeeze3A_12 : vector<20x128xf32>
    %sub3A = arith.subf %mul3A, %mul3A_13 : vector<20x128xf32>
    %mul3A_14 = arith.mulf %squeeze3A_8, %squeeze3A_10 : vector<20x128xf32>
    %mul3A_15 = arith.mulf %squeeze3A, %squeeze3A_12 : vector<20x128xf32>
    %add3A = arith.addf %mul3A_14, %mul3A_15 : vector<20x128xf32>
    %iota3A = tpu.iota {dimensions = array<i32: 1>} : vector<20x128x128xi32>
    %eq3A = arith.constant 0 : i32
    %eq3A_16 = vector.broadcast %eq3A : i32 to vector<20x128x128xi32>
    %eq3A_17 = arith.cmpi eq, %iota3A, %eq3A_16 : vector<20x128x128xi32>
    %broadcast_in_dim3A = vector.shape_cast %sub3A : vector<20x128xf32> to vector<20x1x128xf32>
    %eq3A_18 = arith.constant 1 : i32
    %eq3A_19 = vector.broadcast %eq3A_18 : i32 to vector<20x128x128xi32>
    %eq3A_20 = arith.cmpi eq, %iota3A, %eq3A_19 : vector<20x128x128xi32>
    %broadcast_in_dim3A_21 = vector.shape_cast %add3A : vector<20x128xf32> to vector<20x1x128xf32>
    %broadcast_in_dim3A_22 = vector.shape_cast %broadcast_in_dim3A_21 : vector<20x1x128xf32> to vector<20x1x128xf32>
    %broadcast_in_dim3A_23 = vector.broadcast %broadcast_in_dim3A_22 : vector<20x1x128xf32> to vector<20x128x128xf32>
    %select_n3A = arith.select %eq3A_20, %broadcast_in_dim3A_23, %transpose3A : vector<20x128x128xi1>, vector<20x128x128xf32>
    %broadcast_in_dim3A_24 = vector.shape_cast %broadcast_in_dim3A : vector<20x1x128xf32> to vector<20x1x128xf32>
    %broadcast_in_dim3A_25 = vector.broadcast %broadcast_in_dim3A_24 : vector<20x1x128xf32> to vector<20x128x128xf32>
    %select_n3A_26 = arith.select %eq3A_17, %broadcast_in_dim3A_25, %select_n3A : vector<20x128x128xi1>, vector<20x128x128xf32>
    %transpose3A_27 = tpu.transpose %select_n3A_26, [0, 2, 1] : vector<20x128x128xf32> -> vector<20x128x128xf32>
    %reshape3A_28 = vector.shape_cast %transpose3A_27 : vector<20x128x128xf32> to vector<2560x128xf32>
    %slice3A_29 = vector.extract_strided_slice %get3A_4 {offsets = [0, 0], sizes = [2560, 4], strides = [1, 1]} : vector<2560x8xf32> to vector<2560x4xf32>
    %get3A_30 = arith.constant 0 : index
    %get3A_31 = arith.constant 0 : index
    %get3A_32 = vector.load %arg4[%get3A_30, %get3A_31] : memref<4x128xf32, #tpu.memory_space<vmem>>, vector<4x128xf32>
    %dot_general3A = arith.constant dense<0.000000e+00> : vector<2560x128xf32>
    %dot_general3A_33 = tpu.matmul %slice3A_29, %get3A_32, %dot_general3A {dimension_numbers = #tpu.dot_dimension_numbers<[1], [0], [0], [1], [0, 0, 1, 1], [], []>, transpose_lhs_hint = false} : vector<2560x4xf32>, vector<4x128xf32>, vector<2560x128xf32> -> vector<2560x128xf32>
    %get3A_34 = arith.constant 0 : index
    %get3A_35 = arith.constant 0 : index
    %get3A_36 = vector.load %arg5[%get3A_34, %get3A_35] : memref<1x128xf32, #tpu.memory_space<vmem>>, vector<1x128xf32>
    %add3A_37 = vector.broadcast %get3A_36 : vector<1x128xf32> to vector<2560x128xf32>
    %add3A_38 = arith.addf %dot_general3A_33, %add3A_37 : vector<2560x128xf32>
    %max3A = arith.constant 0.000000e+00 : f32
    %max3A_39 = vector.broadcast %max3A : f32 to vector<2560x128xf32>
    %max3A_40 = arith.maximumf %add3A_38, %max3A_39 : vector<2560x128xf32>
    %get3A_41 = arith.constant 0 : index
    %get3A_42 = arith.constant 0 : index
    %get3A_43 = vector.load %arg6[%get3A_41, %get3A_42] : memref<128x128xf32, #tpu.memory_space<vmem>>, vector<128x128xf32>
    %dot_general3A_44 = arith.constant dense<0.000000e+00> : vector<2560x128xf32>
    %dot_general3A_45 = tpu.matmul %max3A_40, %get3A_43, %dot_general3A_44 {dimension_numbers = #tpu.dot_dimension_numbers<[1], [0], [0], [1], [0, 0, 1, 1], [], []>, transpose_lhs_hint = false} : vector<2560x128xf32>, vector<128x128xf32>, vector<2560x128xf32> -> vector<2560x128xf32>
    %get3A_46 = arith.constant 0 : index
    %get3A_47 = arith.constant 0 : index
    %get3A_48 = vector.load %arg7[%get3A_46, %get3A_47] : memref<1x128xf32, #tpu.memory_space<vmem>>, vector<1x128xf32>
    %add3A_49 = vector.broadcast %get3A_48 : vector<1x128xf32> to vector<2560x128xf32>
    %add3A_50 = arith.addf %dot_general3A_45, %add3A_49 : vector<2560x128xf32>
    %max3A_51 = arith.constant 0.000000e+00 : f32
    %max3A_52 = vector.broadcast %max3A_51 : f32 to vector<2560x128xf32>
    %max3A_53 = arith.maximumf %add3A_50, %max3A_52 : vector<2560x128xf32>
    %get3A_54 = arith.constant 0 : index
    %get3A_55 = arith.constant 0 : index
    %get3A_56 = vector.load %arg1[%get3A_54, %get3A_55] : memref<80x128xf32, #tpu.memory_space<vmem>>, vector<80x128xf32>
    %broadcast_in_dim3A_57 = vector.shape_cast %get3A_56 : vector<80x128xf32> to vector<80x1x128xf32>
    %broadcast_in_dim3A_58 = vector.shape_cast %broadcast_in_dim3A_57 : vector<80x1x128xf32> to vector<80x1x128xf32>
    %broadcast_in_dim3A_59 = vector.broadcast %broadcast_in_dim3A_58 : vector<80x1x128xf32> to vector<80x32x128xf32>
    %reshape3A_60 = vector.shape_cast %broadcast_in_dim3A_59 : vector<80x32x128xf32> to vector<2560x128xf32>
    %concatenate3A = tpu.concatenate %reshape3A_60, %reshape3A_28, %max3A_53 in 1 : vector<2560x128xf32>, vector<2560x128xf32>, vector<2560x128xf32> -> vector<2560x384xf32>
    %slice3A_61 = vector.extract_strided_slice %concatenate3A {offsets = [0, 128], sizes = [2560, 256], strides = [1, 1]} : vector<2560x384xf32> to vector<2560x256xf32>
    %get3A_62 = arith.constant 0 : index
    %get3A_63 = arith.constant 0 : index
    %get3A_64 = vector.load %arg8[%get3A_62, %get3A_63] : memref<256x256xf32, #tpu.memory_space<vmem>>, vector<256x256xf32>
    %dot_general3A_65 = arith.constant dense<0.000000e+00> : vector<2560x256xf32>
    %dot_general3A_66 = tpu.matmul %slice3A_61, %get3A_64, %dot_general3A_65 {dimension_numbers = #tpu.dot_dimension_numbers<[1], [0], [0], [1], [0, 0, 1, 1], [], []>, transpose_lhs_hint = false} : vector<2560x256xf32>, vector<256x256xf32>, vector<2560x256xf32> -> vector<2560x256xf32>
    %get3A_67 = arith.constant 0 : index
    %get3A_68 = arith.constant 0 : index
    %get3A_69 = vector.load %arg9[%get3A_67, %get3A_68] : memref<1x256xf32, #tpu.memory_space<vmem>>, vector<1x256xf32>
    %add3A_70 = vector.broadcast %get3A_69 : vector<1x256xf32> to vector<2560x256xf32>
    %add3A_71 = arith.addf %dot_general3A_66, %add3A_70 : vector<2560x256xf32>
    %max3A_72 = arith.constant 0.000000e+00 : f32
    %max3A_73 = vector.broadcast %max3A_72 : f32 to vector<2560x256xf32>
    %max3A_74 = arith.maximumf %add3A_71, %max3A_73 : vector<2560x256xf32>
    %get3A_75 = arith.constant 0 : index
    %get3A_76 = arith.constant 0 : index
    %get3A_77 = vector.load %arg12[%get3A_75, %get3A_76] : memref<256x128xf32, #tpu.memory_space<vmem>>, vector<256x128xf32>
    %dot_general3A_78 = arith.constant dense<0.000000e+00> : vector<2560x128xf32>
    %dot_general3A_79 = tpu.matmul %max3A_74, %get3A_77, %dot_general3A_78 {dimension_numbers = #tpu.dot_dimension_numbers<[1], [0], [0], [1], [0, 0, 1, 1], [], []>, transpose_lhs_hint = false} : vector<2560x256xf32>, vector<256x128xf32>, vector<2560x128xf32> -> vector<2560x128xf32>
    %get3A_80 = arith.constant 0 : index
    %get3A_81 = arith.constant 0 : index
    %get3A_82 = vector.load %arg13[%get3A_80, %get3A_81] : memref<1x128xf32, #tpu.memory_space<vmem>>, vector<1x128xf32>
    %add3A_83 = vector.broadcast %get3A_82 : vector<1x128xf32> to vector<2560x128xf32>
    %add3A_84 = arith.addf %dot_general3A_79, %add3A_83 : vector<2560x128xf32>
    %get3A_85 = arith.constant 0 : index
    %get3A_86 = arith.constant 0 : index
    %get3A_87 = vector.load %arg10[%get3A_85, %get3A_86] : memref<384x8xf32, #tpu.memory_space<vmem>>, vector<384x8xf32>
    %dot_general3A_88 = arith.constant dense<0.000000e+00> : vector<2560x8xf32>
    %dot_general3A_89 = tpu.matmul %concatenate3A, %get3A_87, %dot_general3A_88 {dimension_numbers = #tpu.dot_dimension_numbers<[1], [0], [0], [1], [0, 0, 1, 1], [], []>, transpose_lhs_hint = false} : vector<2560x384xf32>, vector<384x8xf32>, vector<2560x8xf32> -> vector<2560x8xf32>
    %slice3A_90 = vector.extract_strided_slice %dot_general3A_89 {offsets = [0, 0], sizes = [2560, 1], strides = [1, 1]} : vector<2560x8xf32> to vector<2560x1xf32>
    %get3A_91 = arith.constant 0 : index
    %get3A_92 = arith.constant 0 : index
    %get3A_93 = vector.load %arg11[%get3A_91, %get3A_92] : memref<1x1xf32, #tpu.memory_space<vmem>>, vector<1x1xf32>
    %add3A_94 = vector.broadcast %get3A_93 : vector<1x1xf32> to vector<2560x1xf32>
    %add3A_95 = arith.addf %slice3A_90, %add3A_94 : vector<2560x1xf32>
    %broadcast_in_dim3A_96 = vector.shape_cast %add3A_95 : vector<2560x1xf32> to vector<2560x1xf32>
    %broadcast_in_dim3A_97 = vector.broadcast %broadcast_in_dim3A_96 : vector<2560x1xf32> to vector<2560x128xf32>
    %reshape3A_98 = vector.shape_cast %broadcast_in_dim3A_97 : vector<2560x128xf32> to vector<80x32x128xf32>
    %reduce_max3A = arith.constant dense<0xFF800000> : vector<80x128xf32>
    %reduce_max3A_99 = vector.multi_reduction <maximumf>, %reshape3A_98, %reduce_max3A [1] : vector<80x32x128xf32> to vector<80x128xf32>
    %broadcast_in_dim3A_100 = vector.shape_cast %reduce_max3A_99 : vector<80x128xf32> to vector<80x1x128xf32>
    %sub3A_101 = vector.broadcast %broadcast_in_dim3A_100 : vector<80x1x128xf32> to vector<80x32x128xf32>
    %sub3A_102 = arith.subf %reshape3A_98, %sub3A_101 : vector<80x32x128xf32>
    %exp3A = math.exp %sub3A_102 : vector<80x32x128xf32>
    %reduce_sum3A = arith.constant dense<0.000000e+00> : vector<80x128xf32>
    %reduce_sum3A_103 = vector.multi_reduction <add>, %exp3A, %reduce_sum3A [1] : vector<80x32x128xf32> to vector<80x128xf32>
    %broadcast_in_dim3A_104 = vector.shape_cast %reduce_sum3A_103 : vector<80x128xf32> to vector<80x1x128xf32>
    %div3A = vector.broadcast %broadcast_in_dim3A_104 : vector<80x1x128xf32> to vector<80x32x128xf32>
    %div3A_105 = arith.divf %exp3A, %div3A : vector<80x32x128xf32>
    %reshape3A_106 = vector.shape_cast %add3A_84 : vector<2560x128xf32> to vector<80x32x128xf32>
    %mul3A_107 = arith.mulf %div3A_105, %reshape3A_106 : vector<80x32x128xf32>
    %reduce_sum3A_108 = arith.constant dense<0.000000e+00> : vector<80x128xf32>
    %reduce_sum3A_109 = vector.multi_reduction <add>, %mul3A_107, %reduce_sum3A_108 [1] : vector<80x32x128xf32> to vector<80x128xf32>
    %add3A_110 = arith.addf %get3A_56, %reduce_sum3A_109 : vector<80x128xf32>
    %swap3A = arith.constant 0 : index
    %swap3A_111 = arith.constant 0 : index
    %swap3A_112 = vector.load %arg14[%swap3A, %swap3A_111] : memref<80x128xf32, #tpu.memory_space<vmem>>, vector<80x128xf32>
    tpu.vector_store %arg14[%swap3A, %swap3A_111], %add3A_110 {strides = array<i32>} : memref<80x128xf32, #tpu.memory_space<vmem>>, vector<80x128xf32>,
    return
  }
  func.func @transform_0(%arg0: i32) -> (i32, i32) {
    %c0_i32 = arith.constant 0 : i32
    %c0_i32_0 = arith.constant 0 : i32
    return %arg0, %c0_i32 : i32, i32
  }
  func.func @transform_1(%arg0: i32) -> (i32, i32) {
    %c0_i32 = arith.constant 0 : i32
    %c0_i32_0 = arith.constant 0 : i32
    return %arg0, %c0_i32 : i32, i32
  }
  func.func @transform_2(%arg0: i32) -> (i32, i32) {
    %c0_i32 = arith.constant 0 : i32
    %c0_i32_0 = arith.constant 0 : i32
    return %arg0, %c0_i32 : i32, i32
  }
  func.func @transform_3(%arg0: i32) -> (i32, i32) {
    %c0_i32 = arith.constant 0 : i32
    %c0_i32_0 = arith.constant 0 : i32
    %c0_i32_1 = arith.constant 0 : i32
    return %c0_i32, %c0_i32_0 : i32, i32
  }
  func.func @transform_4(%arg0: i32) -> (i32, i32) {
    %c0_i32 = arith.constant 0 : i32
    %c0_i32_0 = arith.constant 0 : i32
    %c0_i32_1 = arith.constant 0 : i32
    return %c0_i32, %c0_i32_0 : i32, i32
  }
  func.func @transform_5(%arg0: i32) -> (i32, i32) {
    %c0_i32 = arith.constant 0 : i32
    %c0_i32_0 = arith.constant 0 : i32
    %c0_i32_1 = arith.constant 0 : i32
    return %c0_i32, %c0_i32_0 : i32, i32
  }
  func.func @transform_6(%arg0: i32) -> (i32, i32) {
    %c0_i32 = arith.constant 0 : i32
    %c0_i32_0 = arith.constant 0 : i32
    %c0_i32_1 = arith.constant 0 : i32
    return %c0_i32, %c0_i32_0 : i32, i32
  }
  func.func @transform_7(%arg0: i32) -> (i32, i32) {
    %c0_i32 = arith.constant 0 : i32
    %c0_i32_0 = arith.constant 0 : i32
    %c0_i32_1 = arith.constant 0 : i32
    return %c0_i32, %c0_i32_0 : i32, i32
  }
  func.func @transform_8(%arg0: i32) -> (i32, i32) {
    %c0_i32 = arith.constant 0 : i32
    %c0_i32_0 = arith.constant 0 : i32
    %c0_i32_1 = arith.constant 0 : i32
    return %c0_i32, %c0_i32_0 : i32, i32
  }
  func.func @transform_9(%arg0: i32) -> (i32, i32) {
    %c0_i32 = arith.constant 0 : i32
    %c0_i32_0 = arith.constant 0 : i32
    %c0_i32_1 = arith.constant 0 : i32
    return %c0_i32, %c0_i32_0 : i32, i32
  }
  func.func @transform_10(%arg0: i32) -> (i32, i32) {
    %c0_i32 = arith.constant 0 : i32
    %c0_i32_0 = arith.constant 0 : i32
    %c0_i32_1 = arith.constant 0 : i32
    return %c0_i32, %c0_i32_0 : i32, i32
  }
  func.func @transform_11(%arg0: i32) -> (i32, i32) {
    %c0_i32 = arith.constant 0 : i32
    %c0_i32_0 = arith.constant 0 : i32
    %c0_i32_1 = arith.constant 0 : i32
    return %c0_i32, %c0_i32_0 : i32, i32
  }
  func.func @transform_12(%arg0: i32) -> (i32, i32) {
    %c0_i32 = arith.constant 0 : i32
    %c0_i32_0 = arith.constant 0 : i32
    %c0_i32_1 = arith.constant 0 : i32
    return %c0_i32, %c0_i32_0 : i32, i32
  }
  func.func @transform_13(%arg0: i32) -> (i32, i32) {
    %c0_i32 = arith.constant 0 : i32
    %c0_i32_0 = arith.constant 0 : i32
    return %arg0, %c0_i32 : i32, i32
  }
}

module attributes {stable_mosaic.version = 14 : i64} {
  func.func @_layer_body(%arg0: i32, %arg1: memref<80x128xf32, #tpu.memory_space<vmem>>, %arg2: memref<2560x128xf32, #tpu.memory_space<vmem>>, %arg3: memref<2560x8xf32, #tpu.memory_space<vmem>>, %arg4: memref<4x128xf32, #tpu.memory_space<vmem>>, %arg5: memref<1x128xf32, #tpu.memory_space<vmem>>, %arg6: memref<128x128xf32, #tpu.memory_space<vmem>>, %arg7: memref<1x128xf32, #tpu.memory_space<vmem>>, %arg8: memref<256x256xf32, #tpu.memory_space<vmem>>, %arg9: memref<1x256xf32, #tpu.memory_space<vmem>>, %arg10: memref<384x8xf32, #tpu.memory_space<vmem>>, %arg11: memref<1x1xf32, #tpu.memory_space<vmem>>, %arg12: memref<256x128xf32, #tpu.memory_space<vmem>>, %arg13: memref<1x128xf32, #tpu.memory_space<vmem>>, %arg14: memref<80x128xf32, #tpu.memory_space<vmem>>) attributes {dimension_semantics = [#tpu.dimension_semantics<arbitrary>], iteration_bounds = array<i64: 125>, scalar_prefetch = 0 : i64, scratch_operands = 0 : i64, tpu.core_type = #tpu.core_type<tc>, window_params = [{transform_indices = @transform_0, window_bounds = array<i64: 80, 128>}, {transform_indices = @transform_1, window_bounds = array<i64: 2560, 128>}, {transform_indices = @transform_2, window_bounds = array<i64: 2560, 8>}, {pipeline_mode = #tpu.pipeline_mode<synchronous>, transform_indices = @transform_3, window_bounds = array<i64: 4, 128>}, {pipeline_mode = #tpu.pipeline_mode<synchronous>, transform_indices = @transform_4, window_bounds = array<i64: 1, 128>}, {pipeline_mode = #tpu.pipeline_mode<synchronous>, transform_indices = @transform_5, window_bounds = array<i64: 128, 128>}, {pipeline_mode = #tpu.pipeline_mode<synchronous>, transform_indices = @transform_6, window_bounds = array<i64: 1, 128>}, {pipeline_mode = #tpu.pipeline_mode<synchronous>, transform_indices = @transform_7, window_bounds = array<i64: 256, 256>}, {pipeline_mode = #tpu.pipeline_mode<synchronous>, transform_indices = @transform_8, window_bounds = array<i64: 1, 256>}, {pipeline_mode = #tpu.pipeline_mode<synchronous>, transform_indices = @transform_9, window_bounds = array<i64: 384, 8>}, {pipeline_mode = #tpu.pipeline_mode<synchronous>, transform_indices = @transform_10, window_bounds = array<i64: 1, 1>}, {pipeline_mode = #tpu.pipeline_mode<synchronous>, transform_indices = @transform_11, window_bounds = array<i64: 256, 128>}, {pipeline_mode = #tpu.pipeline_mode<synchronous>, transform_indices = @transform_12, window_bounds = array<i64: 1, 128>}, {transform_indices = @transform_13, window_bounds = array<i64: 80, 128>}]} {
    %get3A = arith.constant 0 : index
    %get3A_0 = arith.constant 0 : index
    %get3A_1 = vector.load %arg2[%get3A, %get3A_0] : memref<2560x128xf32, #tpu.memory_space<vmem>>, vector<2560x128xf32>
    %get3A_2 = arith.constant 0 : index
    %get3A_3 = arith.constant 0 : index
    %get3A_4 = vector.load %arg3[%get3A_2, %get3A_3] : memref<2560x8xf32, #tpu.memory_space<vmem>>, vector<2560x8xf32>
    %reshape3A = vector.shape_cast %get3A_1 : vector<2560x128xf32> to vector<20x128x128xf32>
    %transpose3A = tpu.transpose %reshape3A, [0, 2, 1] : vector<20x128x128xf32> -> vector<20x128x128xf32>
    %reshape3A_5 = vector.shape_cast %get3A_4 : vector<2560x8xf32> to vector<20x128x8xf32>
    %transpose3A_6 = tpu.transpose %reshape3A_5, [0, 2, 1] : vector<20x128x8xf32> -> vector<20x8x128xf32>
    %slice3A = vector.extract_strided_slice %transpose3A_6 {offsets = [0, 2, 0], sizes = [20, 1, 128], strides = [1, 1, 1]} : vector<20x8x128xf32> to vector<20x1x128xf32>
    %squeeze3A = vector.shape_cast %slice3A : vector<20x1x128xf32> to vector<20x128xf32>
    %slice3A_7 = vector.extract_strided_slice %transpose3A_6 {offsets = [0, 3, 0], sizes = [20, 1, 128], strides = [1, 1, 1]} : vector<20x8x128xf32> to vector<20x1x128xf32>
    %squeeze3A_8 = vector.shape_cast %slice3A_7 : vector<20x1x128xf32> to vector<20x128xf32>
    %slice3A_9 = vector.extract_strided_slice %transpose3A {offsets = [0, 0, 0], sizes = [20, 1, 128], strides = [1, 1, 1]} : vector<20x128x128xf32> to vector<20x1x128xf32>
    %squeeze3A_10 = vector.shape_cast %slice3A_9 : vector<20x1x128xf32> to vector<20x128xf32>
    %slice3A_11 = vector.extract_strided_slice %transpose3A {offsets = [0, 1, 0], sizes = [20, 1, 128], strides = [1, 1, 1]} : vector<20x128x128xf32> to vector<20x1x128xf32>
    %squeeze3A_12 = vector.shape_cast %slice3A_11 : vector<20x1x128xf32> to vector<20x128xf32>
    %mul3A = arith.mulf %squeeze3A, %squeeze3A_10 : vector<20x128xf32>
    %mul3A_13 = arith.mulf %squeeze3A_8, %squeeze3A_12 : vector<20x128xf32>
    %sub3A = arith.subf %mul3A, %mul3A_13 : vector<20x128xf32>
    %mul3A_14 = arith.mulf %squeeze3A_8, %squeeze3A_10 : vector<20x128xf32>
    %mul3A_15 = arith.mulf %squeeze3A, %squeeze3A_12 : vector<20x128xf32>
    %add3A = arith.addf %mul3A_14, %mul3A_15 : vector<20x128xf32>
    %iota3A = tpu.iota {dimensions = array<i32: 1>} : vector<20x128x128xi32>
    %eq3A = arith.constant 0 : i32
    %eq3A_16 = vector.broadcast %eq3A : i32 to vector<20x128x128xi32>
    %eq3A_17 = arith.cmpi eq, %iota3A, %eq3A_16 : vector<20x128x128xi32>
    %broadcast_in_dim3A = vector.shape_cast %sub3A : vector<20x128xf32> to vector<20x1x128xf32>
    %eq3A_18 = arith.constant 1 : i32
    %eq3A_19 = vector.broadcast %eq3A_18 : i32 to vector<20x128x128xi32>
    %eq3A_20 = arith.cmpi eq, %iota3A, %eq3A_19 : vector<20x128x128xi32>
    %broadcast_in_dim3A_21 = vector.shape_cast %add3A : vector<20x128xf32> to vector<20x1x128xf32>
    %broadcast_in_dim3A_22 = vector.shape_cast %broadcast_in_dim3A_21 : vector<20x1x128xf32> to vector<20x1x128xf32>
    %broadcast_in_dim3A_23 = vector.broadcast %broadcast_in_dim3A_22 : vector<20x1x128xf32> to vector<20x128x128xf32>
    %select_n3A = arith.select %eq3A_20, %broadcast_in_dim3A_23, %transpose3A : vector<20x128x128xi1>, vector<20x128x128xf32>
    %broadcast_in_dim3A_24 = vector.shape_cast %broadcast_in_dim3A : vector<20x1x128xf32> to vector<20x1x128xf32>
    %broadcast_in_dim3A_25 = vector.broadcast %broadcast_in_dim3A_24 : vector<20x1x128xf32> to vector<20x128x128xf32>
    %select_n3A_26 = arith.select %eq3A_17, %broadcast_in_dim3A_25, %select_n3A : vector<20x128x128xi1>, vector<20x128x128xf32>
    %transpose3A_27 = tpu.transpose %select_n3A_26, [0, 2, 1] : vector<20x128x128xf32> -> vector<20x128x128xf32>
    %reshape3A_28 = vector.shape_cast %transpose3A_27 : vector<20x128x128xf32> to vector<2560x128xf32>
    %slice3A_29 = vector.extract_strided_slice %get3A_4 {offsets = [0, 0], sizes = [2560, 4], strides = [1, 1]} : vector<2560x8xf32> to vector<2560x4xf32>
    %get3A_30 = arith.constant 0 : index
    %get3A_31 = arith.constant 0 : index
    %get3A_32 = vector.load %arg4[%get3A_30, %get3A_31] : memref<4x128xf32, #tpu.memory_space<vmem>>, vector<4x128xf32>
    %dot_general3A = arith.constant dense<0.000000e+00> : vector<2560x128xf32>
    %dot_general3A_33 = tpu.matmul %slice3A_29, %get3A_32, %dot_general3A {dimension_numbers = #tpu.dot_dimension_numbers<[1], [0], [0], [1], [0, 0, 1, 1], [], []>, transpose_lhs_hint = false} : vector<2560x4xf32>, vector<4x128xf32>, vector<2560x128xf32> -> vector<2560x128xf32>
    %get3A_34 = arith.constant 0 : index
    %get3A_35 = arith.constant 0 : index
    %get3A_36 = vector.load %arg5[%get3A_34, %get3A_35] : memref<1x128xf32, #tpu.memory_space<vmem>>, vector<1x128xf32>
    %add3A_37 = vector.broadcast %get3A_36 : vector<1x128xf32> to vector<2560x128xf32>
    %add3A_38 = arith.addf %dot_general3A_33, %add3A_37 : vector<2560x128xf32>
    %max3A = arith.constant 0.000000e+00 : f32
    %max3A_39 = vector.broadcast %max3A : f32 to vector<2560x128xf32>
    %max3A_40 = arith.maximumf %add3A_38, %max3A_39 : vector<2560x128xf32>
    %get3A_41 = arith.constant 0 : index
    %get3A_42 = arith.constant 0 : index
    %get3A_43 = vector.load %arg6[%get3A_41, %get3A_42] : memref<128x128xf32, #tpu.memory_space<vmem>>, vector<128x128xf32>
    %dot_general3A_44 = arith.constant dense<0.000000e+00> : vector<2560x128xf32>
    %dot_general3A_45 = tpu.matmul %max3A_40, %get3A_43, %dot_general3A_44 {dimension_numbers = #tpu.dot_dimension_numbers<[1], [0], [0], [1], [0, 0, 1, 1], [], []>, transpose_lhs_hint = false} : vector<2560x128xf32>, vector<128x128xf32>, vector<2560x128xf32> -> vector<2560x128xf32>
    %get3A_46 = arith.constant 0 : index
    %get3A_47 = arith.constant 0 : index
    %get3A_48 = vector.load %arg7[%get3A_46, %get3A_47] : memref<1x128xf32, #tpu.memory_space<vmem>>, vector<1x128xf32>
    %add3A_49 = vector.broadcast %get3A_48 : vector<1x128xf32> to vector<2560x128xf32>
    %add3A_50 = arith.addf %dot_general3A_45, %add3A_49 : vector<2560x128xf32>
    %max3A_51 = arith.constant 0.000000e+00 : f32
    %max3A_52 = vector.broadcast %max3A_51 : f32 to vector<2560x128xf32>
    %max3A_53 = arith.maximumf %add3A_50, %max3A_52 : vector<2560x128xf32>
    %get3A_54 = arith.constant 0 : index
    %get3A_55 = arith.constant 0 : index
    %get3A_56 = vector.load %arg1[%get3A_54, %get3A_55] : memref<80x128xf32, #tpu.memory_space<vmem>>, vector<80x128xf32>
    %broadcast_in_dim3A_57 = vector.shape_cast %get3A_56 : vector<80x128xf32> to vector<80x1x128xf32>
    %broadcast_in_dim3A_58 = vector.shape_cast %broadcast_in_dim3A_57 : vector<80x1x128xf32> to vector<80x1x128xf32>
    %broadcast_in_dim3A_59 = vector.broadcast %broadcast_in_dim3A_58 : vector<80x1x128xf32> to vector<80x32x128xf32>
    %reshape3A_60 = vector.shape_cast %broadcast_in_dim3A_59 : vector<80x32x128xf32> to vector<2560x128xf32>
    %concatenate3A = tpu.concatenate %reshape3A_60, %reshape3A_28, %max3A_53 in 1 : vector<2560x128xf32>, vector<2560x128xf32>, vector<2560x128xf32> -> vector<2560x384xf32>
    %slice3A_61 = vector.extract_strided_slice %concatenate3A {offsets = [0, 128], sizes = [2560, 256], strides = [1, 1]} : vector<2560x384xf32> to vector<2560x256xf32>
    %get3A_62 = arith.constant 0 : index
    %get3A_63 = arith.constant 0 : index
    %get3A_64 = vector.load %arg8[%get3A_62, %get3A_63] : memref<256x256xf32, #tpu.memory_space<vmem>>, vector<256x256xf32>
    %dot_general3A_65 = arith.constant dense<0.000000e+00> : vector<2560x256xf32>
    %dot_general3A_66 = tpu.matmul %slice3A_61, %get3A_64, %dot_general3A_65 {dimension_numbers = #tpu.dot_dimension_numbers<[1], [0], [0], [1], [0, 0, 1, 1], [], []>, transpose_lhs_hint = false} : vector<2560x256xf32>, vector<256x256xf32>, vector<2560x256xf32> -> vector<2560x256xf32>
    %get3A_67 = arith.constant 0 : index
    %get3A_68 = arith.constant 0 : index
    %get3A_69 = vector.load %arg9[%get3A_67, %get3A_68] : memref<1x256xf32, #tpu.memory_space<vmem>>, vector<1x256xf32>
    %add3A_70 = vector.broadcast %get3A_69 : vector<1x256xf32> to vector<2560x256xf32>
    %add3A_71 = arith.addf %dot_general3A_66, %add3A_70 : vector<2560x256xf32>
    %max3A_72 = arith.constant 0.000000e+00 : f32
    %max3A_73 = vector.broadcast %max3A_72 : f32 to vector<2560x256xf32>
    %max3A_74 = arith.maximumf %add3A_71, %max3A_73 : vector<2560x256xf32>
    %get3A_75 = arith.constant 0 : index
    %get3A_76 = arith.constant 0 : index
    %get3A_77 = vector.load %arg12[%get3A_75, %get3A_76] : memref<256x128xf32, #tpu.memory_space<vmem>>, vector<256x128xf32>
    %dot_general3A_78 = arith.constant dense<0.000000e+00> : vector<2560x128xf32>
    %dot_general3A_79 = tpu.matmul %max3A_74, %get3A_77, %dot_general3A_78 {dimension_numbers = #tpu.dot_dimension_numbers<[1], [0], [0], [1], [0, 0, 1, 1], [], []>, transpose_lhs_hint = false} : vector<2560x256xf32>, vector<256x128xf32>, vector<2560x128xf32> -> vector<2560x128xf32>
    %get3A_80 = arith.constant 0 : index
    %get3A_81 = arith.constant 0 : index
    %get3A_82 = vector.load %arg13[%get3A_80, %get3A_81] : memref<1x128xf32, #tpu.memory_space<vmem>>, vector<1x128xf32>
    %add3A_83 = vector.broadcast %get3A_82 : vector<1x128xf32> to vector<2560x128xf32>
    %add3A_84 = arith.addf %dot_general3A_79, %add3A_83 : vector<2560x128xf32>
    %get3A_85 = arith.constant 0 : index
    %get3A_86 = arith.constant 0 : index
    %get3A_87 = vector.load %arg10[%get3A_85, %get3A_86] : memref<384x8xf32, #tpu.memory_space<vmem>>, vector<384x8xf32>
    %dot_general3A_88 = arith.constant dense<0.000000e+00> : vector<2560x8xf32>
    %dot_general3A_89 = tpu.matmul %concatenate3A, %get3A_87, %dot_general3A_88 {dimension_numbers = #tpu.dot_dimension_numbers<[1], [0], [0], [1], [0, 0, 1, 1], [], []>, transpose_lhs_hint = false} : vector<2560x384xf32>, vector<384x8xf32>, vector<2560x8xf32> -> vector<2560x8xf32>
    %slice3A_90 = vector.extract_strided_slice %dot_general3A_89 {offsets = [0, 0], sizes = [2560, 1], strides = [1, 1]} : vector<2560x8xf32> to vector<2560x1xf32>
    %get3A_91 = arith.constant 0 : index
    %get3A_92 = arith.constant 0 : index
    %get3A_93 = vector.load %arg11[%get3A_91, %get3A_92] : memref<1x1xf32, #tpu.memory_space<vmem>>, vector<1x1xf32>
    %add3A_94 = vector.broadcast %get3A_93 : vector<1x1xf32> to vector<2560x1xf32>
    %add3A_95 = arith.addf %slice3A_90, %add3A_94 : vector<2560x1xf32>
    %broadcast_in_dim3A_96 = vector.shape_cast %add3A_95 : vector<2560x1xf32> to vector<2560x1xf32>
    %broadcast_in_dim3A_97 = vector.broadcast %broadcast_in_dim3A_96 : vector<2560x1xf32> to vector<2560x128xf32>
    %reshape3A_98 = vector.shape_cast %broadcast_in_dim3A_97 : vector<2560x128xf32> to vector<80x32x128xf32>
    %reduce_max3A = arith.constant dense<0xFF800000> : vector<80x128xf32>
    %reduce_max3A_99 = vector.multi_reduction <maximumf>, %reshape3A_98, %reduce_max3A [1] : vector<80x32x128xf32> to vector<80x128xf32>
    %broadcast_in_dim3A_100 = vector.shape_cast %reduce_max3A_99 : vector<80x128xf32> to vector<80x1x128xf32>
    %sub3A_101 = vector.broadcast %broadcast_in_dim3A_100 : vector<80x1x128xf32> to vector<80x32x128xf32>
    %sub3A_102 = arith.subf %reshape3A_98, %sub3A_101 : vector<80x32x128xf32>
    %exp3A = math.exp %sub3A_102 : vector<80x32x128xf32>
    %reduce_sum3A = arith.constant dense<0.000000e+00> : vector<80x128xf32>
    %reduce_sum3A_103 = vector.multi_reduction <add>, %exp3A, %reduce_sum3A [1] : vector<80x32x128xf32> to vector<80x128xf32>
    %broadcast_in_dim3A_104 = vector.shape_cast %reduce_sum3A_103 : vector<80x128xf32> to vector<80x1x128xf32>
    %div3A = vector.broadcast %broadcast_in_dim3A_104 : vector<80x1x128xf32> to vector<80x32x128xf32>
    %div3A_105 = arith.divf %exp3A, %div3A : vector<80x32x128xf32>
    %reshape3A_106 = vector.shape_cast %add3A_84 : vector<2560x128xf32> to vector<80x32x128xf32>
    %mul3A_107 = arith.mulf %div3A_105, %reshape3A_106 : vector<80x32x128xf32>
    %reduce_sum3A_108 = arith.constant dense<0.000000e+00> : vector<80x128xf32>
    %reduce_sum3A_109 = vector.multi_reduction <add>, %mul3A_107, %reduce_sum3A_108 [1] : vector<80x32x128xf32> to vector<80x128xf32>
    %add3A_110 = arith.addf %get3A_56, %reduce_sum3A_109 : vector<80x128xf32>
    %swap3A = arith.constant 0 : index
    %swap3A_111 = arith.constant 0 : index
    %swap3A_112 = vector.load %arg14[%swap3A, %swap3A_111] : memref<80x128xf32, #tpu.memory_space<vmem>>, vector<80x128xf32>
    tpu.vector_store %arg14[%swap3A, %swap3A_111], %add3A_110 {strides = array<i32>} : memref<80x128xf32, #tpu.memory_space<vmem>>, vector<80x128xf32>,
    return
  }
  func.func @transform_0(%arg0: i32) -> (i32, i32) {
    %c0_i32 = arith.constant 0 : i32
    %c0_i32_0 = arith.constant 0 : i32
    return %arg0, %c0_i32 : i32, i32
  }
  func.func @transform_1(%arg0: i32) -> (i32, i32) {
    %c0_i32 = arith.constant 0 : i32
    %c0_i32_0 = arith.constant 0 : i32
    return %arg0, %c0_i32 : i32, i32
  }
  func.func @transform_2(%arg0: i32) -> (i32, i32) {
    %c0_i32 = arith.constant 0 : i32
    %c0_i32_0 = arith.constant 0 : i32
    return %arg0, %c0_i32 : i32, i32
  }
  func.func @transform_3(%arg0: i32) -> (i32, i32) {
    %c0_i32 = arith.constant 0 : i32
    %c0_i32_0 = arith.constant 0 : i32
    %c0_i32_1 = arith.constant 0 : i32
    return %c0_i32, %c0_i32_0 : i32, i32
  }
  func.func @transform_4(%arg0: i32) -> (i32, i32) {
    %c0_i32 = arith.constant 0 : i32
    %c0_i32_0 = arith.constant 0 : i32
    %c0_i32_1 = arith.constant 0 : i32
    return %c0_i32, %c0_i32_0 : i32, i32
  }
  func.func @transform_5(%arg0: i32) -> (i32, i32) {
    %c0_i32 = arith.constant 0 : i32
    %c0_i32_0 = arith.constant 0 : i32
    %c0_i32_1 = arith.constant 0 : i32
    return %c0_i32, %c0_i32_0 : i32, i32
  }
  func.func @transform_6(%arg0: i32) -> (i32, i32) {
    %c0_i32 = arith.constant 0 : i32
    %c0_i32_0 = arith.constant 0 : i32
    %c0_i32_1 = arith.constant 0 : i32
    return %c0_i32, %c0_i32_0 : i32, i32
  }
  func.func @transform_7(%arg0: i32) -> (i32, i32) {
    %c0_i32 = arith.constant 0 : i32
    %c0_i32_0 = arith.constant 0 : i32
    %c0_i32_1 = arith.constant 0 : i32
    return %c0_i32, %c0_i32_0 : i32, i32
  }
  func.func @transform_8(%arg0: i32) -> (i32, i32) {
    %c0_i32 = arith.constant 0 : i32
    %c0_i32_0 = arith.constant 0 : i32
    %c0_i32_1 = arith.constant 0 : i32
    return %c0_i32, %c0_i32_0 : i32, i32
  }
  func.func @transform_9(%arg0: i32) -> (i32, i32) {
    %c0_i32 = arith.constant 0 : i32
    %c0_i32_0 = arith.constant 0 : i32
    %c0_i32_1 = arith.constant 0 : i32
    return %c0_i32, %c0_i32_0 : i32, i32
  }
  func.func @transform_10(%arg0: i32) -> (i32, i32) {
    %c0_i32 = arith.constant 0 : i32
    %c0_i32_0 = arith.constant 0 : i32
    %c0_i32_1 = arith.constant 0 : i32
    return %c0_i32, %c0_i32_0 : i32, i32
  }
  func.func @transform_11(%arg0: i32) -> (i32, i32) {
    %c0_i32 = arith.constant 0 : i32
    %c0_i32_0 = arith.constant 0 : i32
    %c0_i32_1 = arith.constant 0 : i32
    return %c0_i32, %c0_i32_0 : i32, i32
  }
  func.func @transform_12(%arg0: i32) -> (i32, i32) {
    %c0_i32 = arith.constant 0 : i32
    %c0_i32_0 = arith.constant 0 : i32
    %c0_i32_1 = arith.constant 0 : i32
    return %c0_i32, %c0_i32_0 : i32, i32
  }
  func.func @transform_13(%arg0: i32) -> (i32, i32) {
    %c0_i32 = arith.constant 0 : i32
    %c0_i32_0 = arith.constant 0 : i32
    return %arg0, %c0_i32 : i32, i32
  }
}

module attributes {stable_mosaic.version = 14 : i64} {
  func.func @_head_body(%arg0: i32, %arg1: memref<400x128xf32, #tpu.memory_space<vmem>>, %arg2: memref<400x8xf32, #tpu.memory_space<vmem>>, %arg3: memref<128x8xf32, #tpu.memory_space<vmem>>, %arg4: memref<1x8xf32, #tpu.memory_space<vmem>>, %arg5: memref<128x128xf32, #tpu.memory_space<vmem>>, %arg6: memref<1x128xf32, #tpu.memory_space<vmem>>, %arg7: memref<128x8xf32, #tpu.memory_space<vmem>>, %arg8: memref<1x1xf32, #tpu.memory_space<vmem>>, %arg9: memref<400x8xf32, #tpu.memory_space<vmem>>, %arg10: memref<400x1xf32, #tpu.memory_space<vmem>>) attributes {dimension_semantics = [#tpu.dimension_semantics<arbitrary>], iteration_bounds = array<i64: 25>, scalar_prefetch = 0 : i64, scratch_operands = 0 : i64, tpu.core_type = #tpu.core_type<tc>, window_params = [{transform_indices = @transform_0, window_bounds = array<i64: 400, 128>}, {transform_indices = @transform_1, window_bounds = array<i64: 400, 8>}, {pipeline_mode = #tpu.pipeline_mode<synchronous>, transform_indices = @transform_2, window_bounds = array<i64: 128, 8>}, {pipeline_mode = #tpu.pipeline_mode<synchronous>, transform_indices = @transform_3, window_bounds = array<i64: 1, 8>}, {pipeline_mode = #tpu.pipeline_mode<synchronous>, transform_indices = @transform_4, window_bounds = array<i64: 128, 128>}, {pipeline_mode = #tpu.pipeline_mode<synchronous>, transform_indices = @transform_5, window_bounds = array<i64: 1, 128>}, {pipeline_mode = #tpu.pipeline_mode<synchronous>, transform_indices = @transform_6, window_bounds = array<i64: 128, 8>}, {pipeline_mode = #tpu.pipeline_mode<synchronous>, transform_indices = @transform_7, window_bounds = array<i64: 1, 1>}, {transform_indices = @transform_8, window_bounds = array<i64: 400, 8>}, {transform_indices = @transform_9, window_bounds = array<i64: 400, 1>}]} {
    %get3A = arith.constant 0 : index
    %get3A_0 = arith.constant 0 : index
    %get3A_1 = vector.load %arg1[%get3A, %get3A_0] : memref<400x128xf32, #tpu.memory_space<vmem>>, vector<400x128xf32>
    %get3A_2 = arith.constant 0 : index
    %get3A_3 = arith.constant 0 : index
    %get3A_4 = vector.load %arg2[%get3A_2, %get3A_3] : memref<400x8xf32, #tpu.memory_space<vmem>>, vector<400x8xf32>
    %get3A_5 = arith.constant 0 : index
    %get3A_6 = arith.constant 0 : index
    %get3A_7 = vector.load %arg3[%get3A_5, %get3A_6] : memref<128x8xf32, #tpu.memory_space<vmem>>, vector<128x8xf32>
    %dot_general3A = arith.constant dense<0.000000e+00> : vector<400x8xf32>
    %dot_general3A_8 = tpu.matmul %get3A_1, %get3A_7, %dot_general3A {dimension_numbers = #tpu.dot_dimension_numbers<[1], [0], [0], [1], [0, 0, 1, 1], [], []>, transpose_lhs_hint = false} : vector<400x128xf32>, vector<128x8xf32>, vector<400x8xf32> -> vector<400x8xf32>
    %get3A_9 = arith.constant 0 : index
    %get3A_10 = arith.constant 0 : index
    %get3A_11 = vector.load %arg4[%get3A_9, %get3A_10] : memref<1x8xf32, #tpu.memory_space<vmem>>, vector<1x8xf32>
    %add3A = vector.broadcast %get3A_11 : vector<1x8xf32> to vector<400x8xf32>
    %add3A_12 = arith.addf %dot_general3A_8, %add3A : vector<400x8xf32>
    %get3A_13 = arith.constant 0 : index
    %get3A_14 = arith.constant 0 : index
    %get3A_15 = vector.load %arg5[%get3A_13, %get3A_14] : memref<128x128xf32, #tpu.memory_space<vmem>>, vector<128x128xf32>
    %dot_general3A_16 = arith.constant dense<0.000000e+00> : vector<400x128xf32>
    %dot_general3A_17 = tpu.matmul %get3A_1, %get3A_15, %dot_general3A_16 {dimension_numbers = #tpu.dot_dimension_numbers<[1], [0], [0], [1], [0, 0, 1, 1], [], []>, transpose_lhs_hint = false} : vector<400x128xf32>, vector<128x128xf32>, vector<400x128xf32> -> vector<400x128xf32>
    %get3A_18 = arith.constant 0 : index
    %get3A_19 = arith.constant 0 : index
    %get3A_20 = vector.load %arg6[%get3A_18, %get3A_19] : memref<1x128xf32, #tpu.memory_space<vmem>>, vector<1x128xf32>
    %add3A_21 = vector.broadcast %get3A_20 : vector<1x128xf32> to vector<400x128xf32>
    %add3A_22 = arith.addf %dot_general3A_17, %add3A_21 : vector<400x128xf32>
    %max3A = arith.constant 0.000000e+00 : f32
    %max3A_23 = vector.broadcast %max3A : f32 to vector<400x128xf32>
    %max3A_24 = arith.maximumf %add3A_22, %max3A_23 : vector<400x128xf32>
    %get3A_25 = arith.constant 0 : index
    %get3A_26 = arith.constant 0 : index
    %get3A_27 = vector.load %arg7[%get3A_25, %get3A_26] : memref<128x8xf32, #tpu.memory_space<vmem>>, vector<128x8xf32>
    %dot_general3A_28 = arith.constant dense<0.000000e+00> : vector<400x8xf32>
    %dot_general3A_29 = tpu.matmul %max3A_24, %get3A_27, %dot_general3A_28 {dimension_numbers = #tpu.dot_dimension_numbers<[1], [0], [0], [1], [0, 0, 1, 1], [], []>, transpose_lhs_hint = false} : vector<400x128xf32>, vector<128x8xf32>, vector<400x8xf32> -> vector<400x8xf32>
    %slice3A = vector.extract_strided_slice %dot_general3A_29 {offsets = [0, 0], sizes = [400, 1], strides = [1, 1]} : vector<400x8xf32> to vector<400x1xf32>
    %get3A_30 = arith.constant 0 : index
    %get3A_31 = arith.constant 0 : index
    %get3A_32 = vector.load %arg8[%get3A_30, %get3A_31] : memref<1x1xf32, #tpu.memory_space<vmem>>, vector<1x1xf32>
    %add3A_33 = vector.broadcast %get3A_32 : vector<1x1xf32> to vector<400x1xf32>
    %add3A_34 = arith.addf %slice3A, %add3A_33 : vector<400x1xf32>
    %swap3A = arith.constant 0 : index
    %swap3A_35 = arith.constant 0 : index
    %swap3A_36 = vector.load %arg10[%swap3A, %swap3A_35] : memref<400x1xf32, #tpu.memory_space<vmem>>, vector<400x1xf32>
    tpu.vector_store %arg10[%swap3A, %swap3A_35], %add3A_34 {strides = array<i32>} : memref<400x1xf32, #tpu.memory_space<vmem>>, vector<400x1xf32>,
    %slice3A_37 = vector.extract_strided_slice %get3A_4 {offsets = [0, 0], sizes = [400, 1], strides = [1, 1]} : vector<400x8xf32> to vector<400x1xf32>
    %slice3A_38 = vector.extract_strided_slice %get3A_4 {offsets = [0, 1], sizes = [400, 1], strides = [1, 1]} : vector<400x8xf32> to vector<400x1xf32>
    %slice3A_39 = vector.extract_strided_slice %get3A_4 {offsets = [0, 2], sizes = [400, 1], strides = [1, 1]} : vector<400x8xf32> to vector<400x1xf32>
    %slice3A_40 = vector.extract_strided_slice %get3A_4 {offsets = [0, 3], sizes = [400, 1], strides = [1, 1]} : vector<400x8xf32> to vector<400x1xf32>
    %slice3A_41 = vector.extract_strided_slice %get3A_4 {offsets = [0, 4], sizes = [400, 1], strides = [1, 1]} : vector<400x8xf32> to vector<400x1xf32>
    %slice3A_42 = vector.extract_strided_slice %add3A_12 {offsets = [0, 0], sizes = [400, 1], strides = [1, 1]} : vector<400x8xf32> to vector<400x1xf32>
    %slice3A_43 = vector.extract_strided_slice %add3A_12 {offsets = [0, 1], sizes = [400, 1], strides = [1, 1]} : vector<400x8xf32> to vector<400x1xf32>
    %slice3A_44 = vector.extract_strided_slice %add3A_12 {offsets = [0, 2], sizes = [400, 1], strides = [1, 1]} : vector<400x8xf32> to vector<400x1xf32>
    %slice3A_45 = vector.extract_strided_slice %add3A_12 {offsets = [0, 3], sizes = [400, 1], strides = [1, 1]} : vector<400x8xf32> to vector<400x1xf32>
    %slice3A_46 = vector.extract_strided_slice %add3A_12 {offsets = [0, 4], sizes = [400, 1], strides = [1, 1]} : vector<400x8xf32> to vector<400x1xf32>
    %slice3A_47 = vector.extract_strided_slice %add3A_12 {offsets = [0, 5], sizes = [400, 1], strides = [1, 1]} : vector<400x8xf32> to vector<400x1xf32>
    %tanh3A = math.tanh %slice3A_44 : vector<400x1xf32>
    %add3A_48 = arith.constant 1.000000e+00 : f32
    %add3A_49 = vector.broadcast %add3A_48 : f32 to vector<400x1xf32>
    %add3A_50 = arith.addf %add3A_49, %tanh3A : vector<400x1xf32>
    %mul3A = arith.mulf %slice3A_39, %add3A_50 : vector<400x1xf32>
    %max3A_51 = arith.constant 1.000000e-03 : f32
    %max3A_52 = vector.broadcast %max3A_51 : f32 to vector<400x1xf32>
    %max3A_53 = arith.maximumf %mul3A, %max3A_52 : vector<400x1xf32>
    %tanh3A_54 = math.tanh %slice3A_45 : vector<400x1xf32>
    %add3A_55 = arith.constant 1.000000e+00 : f32
    %add3A_56 = vector.broadcast %add3A_55 : f32 to vector<400x1xf32>
    %add3A_57 = arith.addf %add3A_56, %tanh3A_54 : vector<400x1xf32>
    %mul3A_58 = arith.mulf %slice3A_40, %add3A_57 : vector<400x1xf32>
    %max3A_59 = arith.constant 1.000000e-03 : f32
    %max3A_60 = vector.broadcast %max3A_59 : f32 to vector<400x1xf32>
    %max3A_61 = arith.maximumf %mul3A_58, %max3A_60 : vector<400x1xf32>
    %cos3A = math.cos %slice3A_41 : vector<400x1xf32>
    %add3A_62 = arith.addf %cos3A, %slice3A_46 : vector<400x1xf32>
    %sin3A = math.sin %slice3A_41 : vector<400x1xf32>
    %add3A_63 = arith.addf %sin3A, %slice3A_47 : vector<400x1xf32>
    %atan23A = math.atan2 %add3A_63, %add3A_62 : vector<400x1xf32>
    %iota3A = tpu.iota {dimensions = array<i32: 1>} : vector<400x8xi32>
    %eq3A = arith.constant 0 : i32
    %eq3A_64 = vector.broadcast %eq3A : i32 to vector<400x8xi32>
    %eq3A_65 = arith.cmpi eq, %iota3A, %eq3A_64 : vector<400x8xi32>
    %add3A_66 = arith.addf %slice3A_37, %slice3A_42 : vector<400x1xf32>
    %eq3A_67 = arith.constant 1 : i32
    %eq3A_68 = vector.broadcast %eq3A_67 : i32 to vector<400x8xi32>
    %eq3A_69 = arith.cmpi eq, %iota3A, %eq3A_68 : vector<400x8xi32>
    %add3A_70 = arith.addf %slice3A_38, %slice3A_43 : vector<400x1xf32>
    %eq3A_71 = arith.constant 2 : i32
    %eq3A_72 = vector.broadcast %eq3A_71 : i32 to vector<400x8xi32>
    %eq3A_73 = arith.cmpi eq, %iota3A, %eq3A_72 : vector<400x8xi32>
    %eq3A_74 = arith.constant 3 : i32
    %eq3A_75 = vector.broadcast %eq3A_74 : i32 to vector<400x8xi32>
    %eq3A_76 = arith.cmpi eq, %iota3A, %eq3A_75 : vector<400x8xi32>
    %eq3A_77 = arith.constant 4 : i32
    %eq3A_78 = vector.broadcast %eq3A_77 : i32 to vector<400x8xi32>
    %eq3A_79 = arith.cmpi eq, %iota3A, %eq3A_78 : vector<400x8xi32>
    %jit3A = arith.constant 0.000000e+00 : f32
    %broadcast_in_dim3A = vector.shape_cast %atan23A : vector<400x1xf32> to vector<400x1xf32>
    %broadcast_in_dim3A_80 = vector.broadcast %broadcast_in_dim3A : vector<400x1xf32> to vector<400x8xf32>
    %broadcast_in_dim3A_81 = vector.broadcast %jit3A : f32 to vector<400x8xf32>
    %select_n3A = arith.select %eq3A_79, %broadcast_in_dim3A_80, %broadcast_in_dim3A_81 : vector<400x8xi1>, vector<400x8xf32>
    %broadcast_in_dim3A_82 = vector.shape_cast %max3A_61 : vector<400x1xf32> to vector<400x1xf32>
    %broadcast_in_dim3A_83 = vector.broadcast %broadcast_in_dim3A_82 : vector<400x1xf32> to vector<400x8xf32>
    %select_n3A_84 = arith.select %eq3A_76, %broadcast_in_dim3A_83, %select_n3A : vector<400x8xi1>, vector<400x8xf32>
    %broadcast_in_dim3A_85 = vector.shape_cast %max3A_53 : vector<400x1xf32> to vector<400x1xf32>
    %broadcast_in_dim3A_86 = vector.broadcast %broadcast_in_dim3A_85 : vector<400x1xf32> to vector<400x8xf32>
    %select_n3A_87 = arith.select %eq3A_73, %broadcast_in_dim3A_86, %select_n3A_84 : vector<400x8xi1>, vector<400x8xf32>
    %broadcast_in_dim3A_88 = vector.shape_cast %add3A_70 : vector<400x1xf32> to vector<400x1xf32>
    %broadcast_in_dim3A_89 = vector.broadcast %broadcast_in_dim3A_88 : vector<400x1xf32> to vector<400x8xf32>
    %select_n3A_90 = arith.select %eq3A_69, %broadcast_in_dim3A_89, %select_n3A_87 : vector<400x8xi1>, vector<400x8xf32>
    %broadcast_in_dim3A_91 = vector.shape_cast %add3A_66 : vector<400x1xf32> to vector<400x1xf32>
    %broadcast_in_dim3A_92 = vector.broadcast %broadcast_in_dim3A_91 : vector<400x1xf32> to vector<400x8xf32>
    %select_n3A_93 = arith.select %eq3A_65, %broadcast_in_dim3A_92, %select_n3A_90 : vector<400x8xi1>, vector<400x8xf32>
    %swap3A_94 = arith.constant 0 : index
    %swap3A_95 = arith.constant 0 : index
    %swap3A_96 = vector.load %arg9[%swap3A_94, %swap3A_95] : memref<400x8xf32, #tpu.memory_space<vmem>>, vector<400x8xf32>
    tpu.vector_store %arg9[%swap3A_94, %swap3A_95], %select_n3A_93 {strides = array<i32>} : memref<400x8xf32, #tpu.memory_space<vmem>>, vector<400x8xf32>,
    return
  }
  func.func @transform_0(%arg0: i32) -> (i32, i32) {
    %c0_i32 = arith.constant 0 : i32
    %c0_i32_0 = arith.constant 0 : i32
    return %arg0, %c0_i32 : i32, i32
  }
  func.func @transform_1(%arg0: i32) -> (i32, i32) {
    %c0_i32 = arith.constant 0 : i32
    %c0_i32_0 = arith.constant 0 : i32
    return %arg0, %c0_i32 : i32, i32
  }
  func.func @transform_2(%arg0: i32) -> (i32, i32) {
    %c0_i32 = arith.constant 0 : i32
    %c0_i32_0 = arith.constant 0 : i32
    %c0_i32_1 = arith.constant 0 : i32
    return %c0_i32, %c0_i32_0 : i32, i32
  }
  func.func @transform_3(%arg0: i32) -> (i32, i32) {
    %c0_i32 = arith.constant 0 : i32
    %c0_i32_0 = arith.constant 0 : i32
    %c0_i32_1 = arith.constant 0 : i32
    return %c0_i32, %c0_i32_0 : i32, i32
  }
  func.func @transform_4(%arg0: i32) -> (i32, i32) {
    %c0_i32 = arith.constant 0 : i32
    %c0_i32_0 = arith.constant 0 : i32
    %c0_i32_1 = arith.constant 0 : i32
    return %c0_i32, %c0_i32_0 : i32, i32
  }
  func.func @transform_5(%arg0: i32) -> (i32, i32) {
    %c0_i32 = arith.constant 0 : i32
    %c0_i32_0 = arith.constant 0 : i32
    %c0_i32_1 = arith.constant 0 : i32
    return %c0_i32, %c0_i32_0 : i32, i32
  }
  func.func @transform_6(%arg0: i32) -> (i32, i32) {
    %c0_i32 = arith.constant 0 : i32
    %c0_i32_0 = arith.constant 0 : i32
    %c0_i32_1 = arith.constant 0 : i32
    return %c0_i32, %c0_i32_0 : i32, i32
  }
  func.func @transform_7(%arg0: i32) -> (i32, i32) {
    %c0_i32 = arith.constant 0 : i32
    %c0_i32_0 = arith.constant 0 : i32
    %c0_i32_1 = arith.constant 0 : i32
    return %c0_i32, %c0_i32_0 : i32, i32
  }
  func.func @transform_8(%arg0: i32) -> (i32, i32) {
    %c0_i32 = arith.constant 0 : i32
    %c0_i32_0 = arith.constant 0 : i32
    return %arg0, %c0_i32 : i32, i32
  }
  func.func @transform_9(%arg0: i32) -> (i32, i32) {
    %c0_i32 = arith.constant 0 : i32
    %c0_i32_0 = arith.constant 0 : i32
    return %arg0, %c0_i32 : i32, i32
  }
}

</mosaic_0001>

<sc_bundles>
// kernel: kernel.11.cloned.1.call-start
scs
__scs_entry_jumppad:
0x0: {  	(pc) =	sbr.rel $0x88, $3  }
0x1: {  	(tag) =	ssettag $0x0;
	lr =	simm.s32 $0x1  }
0x2: {  	[smem:$0x3F8E] =	sst lr;
	_ =	strace $0xD0000000  }
0x3: {  	_ = 	snop  }
0x4: {  	_ = 	snop  }
0x5: {  	_ = 	snop  }
0x6: {  	_ = 	snop  }
0x7: {  	_ = 	snop  }
__scs_overlays_trampoline_lowered:
0x8: {  	[smem:$0x3F9D] =	sst s0  }
0x9: {  	[smem:$0x3F9E] =	sst s1  }
0xa: {  	[smem:$0x3F9F] =	sst s2  }
0xb: {  	[smem:$0x3FA0] =	sst s3  }
0xc: {  	[smem:$0x3FA1] =	sst s4  }
0xd: {  	[smem:$0x3FA2] =	sst s5  }
0xe: {  	[smem:$0x3FA3] =	sst s6  }
0xf: {  	[smem:$0x3FA4] =	sst s7  }
0x10: {  	[smem:$0x3FA5] =	sst s8  }
0x11: {  	[smem:$0x3FA6] =	sst s9;
	s0 =	simm.s32 @!p0 $0x0  }
0x12: {  	s1 =	sld [smem:$0x3F8C];
	s0 =	simm.s32 @p0 $0x1  }
0x13: {  	[smem:$0x3FA7] =	sst s0;
	s0 =	simm.s32 @!p1 $0x0  }
0x14: {  	s2 =	sld [smem:$0x3F8B];
	s0 =	simm.s32 @p1 $0x1  }
0x15: {  	[smem:$0x3FA8] =	sst s0;
	s0 =	simm.s32 @!p2 $0x0  }
0x16: {  	s3 =	sld [smem:$0x3FDB];
	s0 =	simm.s32 @p2 $0x1  }
0x17: {  	s4 =	simm.s32 $0x1BF5;
	[smem:$0x3FAA] =	sst s0  }
0x18: {  	s0 =	sld [smem:$0x3F8D];
	_ =	swait.ge [sflag:s4], $0x0  }
0x19: {  	s7 =	sld [smem:$0x3F8E]  }
0x1a: {  	s8 =	sadd.s32 $0xFFFFE003, lr  }
0x1b: {  	s9 =	sadd.s32 $0xFFFFFEF7, lr;
	s5 =	simm.s32 $0xFFFFFFFF;
	p2 =	slt.u32 s8, $0xFFFFF086  }
0x1c: {  	p1 =	slt.u32 s9, $0xF7A;
	s5 =	simm.s32 @!p2 $0x0  }
0x1d: {  	s5 =	simm.s32 @p1 $0x1;
	p0 =	seq.s32 s7, s2  }
0x1e: {  	s7 =	smul.u32 @!p0 $0xF7A, s2;
	p2 =	seq.s32 @!p0 s5, $0x0  }
0x1f: {  	s9 =	smul.u32 $0xF7A, s1;
	s8 =	simm.s32 @!p0 $0x1BF5;
	p2 =	por !p2, p0  }
0x20: {  	[sflag:s8] =	ssyncset.s32 @!p0 $0xFFFFF086;
	s6 =	sadd.s32 @!p0 s3, s7;
	s7 =	simm.s32 @!p0 $0x108  }
0x21: {  	s3 =	sadd.s32 s3, s9;
	s6 =	sadd.s32 @!p0 $0x88, s6;
	s7 =	simm.s32 @p2 $0x1082  }
0x22: {  	[simem:s7], [sflag:s8] =	dma.local @!p0 [hbm:s6], $0xF7A  }
0x23: {  	s9 =	sor.u32 $0xD0000000, s2;
	s6 =	simm.s32 $0x108;
	_ =	swait.ge @!p0 [sflag:s8], $0x0  }
0x24: {  	s3 =	sadd.s32 $0x88, s3;
	s6 =	simm.s32 @!p1 $0x1082;
	[sflag:s4] =	ssyncset.s32 $0xFFFFF086  }
0x25: {  	[simem:s6], [sflag:s4] =	dma.local [hbm:s3], $0xF7A  }
0x26: {  	[smem:$0x3F8E] =	sst s1;
	(tag) =	ssettag s2;
	_ =	strace s9  }
0x27: {  	s1 =	sld [smem:$0x3F9E]  }
0x28: {  	s2 =	sld [smem:$0x3F9F]  }
0x29: {  	s4 =	sld [smem:$0x3FA1]  }
0x2a: {  	p0 =	seq.s32 s5, $0x0;
	s5 =	sld [smem:$0x3FA2]  }
0x2b: {  	s6 =	sld [smem:$0x3FA3]  }
0x2c: {  	s7 =	sld [smem:$0x3FA4]  }
0x2d: {  	s3 =	simm.s32 $0x108;
	s8 =	sld [smem:$0x3FA5]  }
0x2e: {  	s3 =	simm.s32 @!p0 $0x1082;
	s9 =	sld [smem:$0x3FA6]  }
0x2f: {  	lr =	sadd.s32 s0, s3;
	s0 =	sld [smem:$0x3F9D]  }
0x30: {  	s3 =	sld [smem:$0x3FA0]  }
0x31: {  	[smem:$0x3FA9] =	sst s10  }
0x32: {  	s10 =	sld [smem:$0x3FA7];
	_ =	sdelay $0x3  }
0x33: {  	p0 =	seq.s32 s10, $0x1;
	s10 =	sld [smem:$0x3FA9];
	_ =	sdelay $0x3  }
0x34: {  	[smem:$0x3FA9] =	sst s10  }
0x35: {  	s10 =	sld [smem:$0x3FA8];
	_ =	sdelay $0x3  }
0x36: {  	p1 =	seq.s32 s10, $0x1;
	s10 =	sld [smem:$0x3FA9];
	_ =	sdelay $0x3  }
0x37: {  	[smem:$0x3FA9] =	sst s10  }
0x38: {  	s10 =	sld [smem:$0x3FAA]  }
0x39: {  	_ = 	snop;
	(pc) =	sbr.ind lr, $3  }
0x3a: {  	_ = 	snop  }
0x3b: {  	_ = 	snop  }
0x3c: {  	p2 =	seq.s32 s10, $0x1;
	s10 =	sld [smem:$0x3FA9]  }
0x3d: {  	_ =	shalt  }
0x3e: {  	_ =	shalt  }
0x3f: {  	_ =	shalt  }
0x40: {  	_ =	shalt  }
0x41: {  	_ =	shalt  }
0x42: {  	_ =	shalt  }
0x43: {  	_ =	shalt  }
0x44: {  	_ =	shalt  }
0x45: {  	_ =	shalt  }
0x46: {  	_ =	shalt  }
0x47: {  	_ =	shalt  }
0x48: {  	_ =	shalt  }
0x49: {  	_ =	shalt  }
0x4a: {  	_ =	shalt  }
0x4b: {  	_ =	shalt  }
0x4c: {  	_ =	shalt  }
0x4d: {  	_ =	shalt  }
0x4e: {  	_ =	shalt  }
0x4f: {  	_ =	shalt  }
0x50: {  	_ =	shalt  }
0x51: {  	_ =	shalt  }
0x52: {  	_ =	shalt  }
0x53: {  	_ =	shalt  }
0x54: {  	_ =	shalt  }
0x55: {  	_ =	shalt  }
0x56: {  	_ =	shalt  }
0x57: {  	_ =	shalt  }
0x58: {  	_ =	shalt  }
0x59: {  	_ =	shalt  }
0x5a: {  	_ =	shalt  }
0x5b: {  	_ =	shalt  }
0x5c: {  	_ =	shalt  }
0x5d: {  	_ =	shalt  }
0x5e: {  	_ =	shalt  }
0x5f: {  	_ =	shalt  }
0x60: {  	_ =	shalt  }
0x61: {  	_ =	shalt  }
0x62: {  	_ =	shalt  }
0x63: {  	_ =	shalt  }
0x64: {  	_ =	shalt  }
0x65: {  	_ =	shalt  }
0x66: {  	_ =	shalt  }
0x67: {  	_ =	shalt  }
0x68: {  	_ =	shalt  }
0x69: {  	_ =	shalt  }
0x6a: {  	_ =	shalt  }
0x6b: {  	_ =	shalt  }
0x6c: {  	_ =	shalt  }
0x6d: {  	_ =	shalt  }
0x6e: {  	_ =	shalt  }
0x6f: {  	_ =	shalt  }
0x70: {  	_ =	shalt  }
0x71: {  	_ =	shalt  }
0x72: {  	_ =	shalt  }
0x73: {  	_ =	shalt  }
0x74: {  	_ =	shalt  }
0x75: {  	_ =	shalt  }
0x76: {  	_ =	shalt  }
0x77: {  	_ =	shalt  }
0x78: {  	_ =	shalt  }
0x79: {  	_ =	shalt  }
0x7a: {  	_ =	shalt  }
0x7b: {  	_ =	shalt  }
0x7c: {  	_ =	shalt  }
0x7d: {  	_ =	shalt  }
0x7e: {  	_ =	shalt  }
0x7f: {  	_ =	shalt  }
0x80: {  	_ =	shalt  }
0x81: {  	_ =	shalt  }
0x82: {  	_ =	shalt  }
0x83: {  	_ =	shalt  }
0x84: {  	_ =	shalt  }
0x85: {  	_ =	shalt  }
0x86: {  	_ =	shalt  }
0x87: {  	_ =	shalt  }
.Lfunc_end0:
.L_simem_size_0:
called_computation_lowered:
.L_overlay_start_0:
0x88: {  	s2 =	sld [smem:$0x3FD9]  }
0x89: {  	s3 =	sld [smem:$0x3FFE];
	_ =	sdelay $0x1  }
0x8a: {  	s1 =	srdreg.scid  }
0x8b: {  	s0 =	sand.u32 $0x1, s1  }
0x8c: {  	s16 =	sshll.u32 s0, $0xA;
	s2 =	sadd.s32 s3, s2  }
0x8d: {  	s2 =	sadd.s32 s2, s16  }
0x8e: {  	[smem:$0x3FB5] =	sst s2  }
0x8f: {  	_ = 	snop  }
0x90: {  	(tm) =	ssettm $0x1  }
0x91: {  	s17 =	sld [smem:$0x3FFB];
	_ =	sdelay $0x3  }
0x92: {  	_ =	strace s17  }
0x93: {  	s2 =	sld [smem:$0x3FFC];
	_ =	sdelay $0x3  }
0x94: {  	_ =	strace s2  }
0x95: {  	s2 =	sld [smem:$0x3FFD];
	_ =	sdelay $0x3  }
0x96: {  	_ =	strace s2  }
0x97: {  	_ =	strace $0x8FFFFFFF  }
0x98: {  	s18 =	sld [smem:$0x3FDB];
	_ =	sdelay $0x1  }
0x99: {  	s19 =	simm.s32 $_scs_section_size  }
0x9a: {  	s4 =	simm.s32 $_size__tile_overlayer_lowered;
	s5 =	simm.s32 $_tile_overlayer_lowered  }
0x9b: {  	s22 =	simm.s32 $0x1BFF;
	s21 =	sshll.u32 s5, $0x1;
	s2 =	sadd.s32 s19, s18  }
0x9c: {  	s6 =	simm.s32 $0x0;
	s20 =	sshll.u32 s4, $0x1;
	s4 =	sadd.s32 s21, s2  }
0x9d: {  	[timem:s6], [sflag:s22] =	dma.local [hbm:s4], s20  }
0x9e: {  	_ =	swait.ge [sflag:s22], s20  }
0x9f: {  	s3 =	ssub.s32 $0x0, s20;
	[sflag:s22] =	ssyncset.done $0x0  }
0xa0: {  	[sflag:s22] =	ssyncadd.s32 s3;
	_ =	sdelay $0x1  }
0xa1: {  	s23 =	simm.s32 $0x1B8B  }
0xa2: {  	_ =	swait.ge [sflag:s23], $0x1  }
0xa3: {  	[sflag:s23] =	ssyncset.done $0x0  }
0xa4: {  	s25 =	simm.s32 $0x1B8E;
	s24 =	sld [smem:$0x3FFE];
	[sflag:s23] =	ssyncadd.s32 $0xFFFFFFFF  }
0xa5: {  	s26 =	simm.s32 $execute0_lowered;
	[smem:$0x3FD2] =	sst s25  }
0xa6: {  	s4 =	sshll.u32 s26, $0x1;
	_ =	strace $0x80000046;
	[dreg:$0x1] =	wrdreg $0xFFFFFFFF  }
0xa7: {  	s28 =	simm.s32 $_size_execute0_lowered;
	s2 =	sadd.s32 s2, s4;
	[dreg:$0x0] =	wrdreg $0x0  }
0xa8: {  	s4 =	sshll.u32 s28, $0x1;
	[dreg:$0x2] =	wrdreg s2  }
0xa9: {  	[dreg:$0x3] =	wrdreg s4  }
0xaa: {  	[dreg:$0x4] =	wrdreg $0xC0  }
0xab: {  	_ =	task [dreg:s6], $0x5FFFF  }
0xac: {  	[dreg:$0x1] =	wrdreg $0xFFFFFFFF  }
0xad: {  	[dreg:$0x0] =	wrdreg $0x60  }
0xae: {  	[dreg:$0x2] =	wrdreg s24  }
0xaf: {  	[dreg:$0x3] =	wrdreg $0x9  }
0xb0: {  	_ =	task.clear_ibuf [dreg:s6], $0x4FFFF;
	_ =	strace $0x90000046  }
0xb1: {  	s29 =	simm.s32 $0x9;
	_ =	strace $0x80000048  }
0xb2: {  	_ =	swait.ge [sflag:s29], $0x1  }
0xb3: {  	[sflag:s29] =	ssyncadd.s32 $0xFFFFFFFF  }
0xb4: {  	_ =	strace $0x90000048  }
0xb5: {  	_ =	sfence  }
0xb6: {  	s30 =	sld [smem:$0x0];
	_ =	sdelay $0x2  }
0xb7: {  	s31 =	sshll.u32 s1, $0xD;
	s1 =	sshrl.u32 s1, $0x2  }
0xb8: {  	s3 =	sand.u32 $0x4000, s31;
	s1 =	sadd.s32 s1, s30  }
0xb9: {  	s0 =	sor.u32 s3, s0;
	s1 =	sshll.u32 s1, $0x11  }
0xba: {  	s0 =	sor.u32 s1, s0  }
0xbb: {  	s0 =	sadd.s32 $0x8F2B, s0  }
0xbc: {  	[sflag:s0] =	ssyncadd.remote.s32 $0x1  }
0xbd: {  	_ =	sfence.sel $0xFFFF  }
0xbe: {  	[dreg:$0x0] =	wrdreg $0xFFFFFFFF;
	(pc) =	sbr.abs _section_cstart, $3  }
0xbf: {  	[dreg:$0x1] =	wrdreg $0xFFFFFFFF  }
0xc0: {  	_ =	task.clear_ibuf [dreg:s6], $0x2FFFF;
	_ =	strace $0x9FFFFFFF  }
0xc1: {  	(tm) =	ssettm $0x7FFFFFFF  }
tec
execute0_lowered:
.L_overlay_start_1:
0x0: {  	(tag) =	ssettag $0x1  }
0x1: {  	s1 =	srdreg.scid  }
0x2: {  	s0 =	stileid.u32;
	s6 =	rddreg [dreg:$0x0]  }
0x3: {  	s2 =	simm.s32 $0x0;
	s11 =	simm.s32 $0x9;
	s12 =	simm.s32 $0x80  }
0x4: {  	s13 =	simm.s32 $0x2780;
	s14 =	simm.s32 $0x6780;
	s15 =	simm.s32 $0x1  }
0x5: {  	s16 =	simm.s32 $0x2;
	s17 =	simm.s32 $0x5;
	s18 =	simm.s32 $0x6  }
0x6: {  	s19 =	simm.s32 $0x0;
	s4 =	sand.u32 $0x1, s1;
	s28 =	sshll.u32 s0, $0x1  }
0x7: {  	s7 =	smul.u32 $0x9C, s0;
	[smem:$0x7FF] =	sst s2;
	p0 =	slt.u32 s0, $0x2  }
0x8: {  	s3 =	sor.u32 s4, s28;
	s8 =	smul.u32 $0x4E, s4;
	_ =	strace $0x80000047  }
0x9: {  	s29 =	ssub.s32 $0x2, s4;
	s4 =	simm.s32 $0x4F;
	s5 =	smul.u32 $0x4E, s3  }
0xa: {  	s9 =	smin.u32 s3, $0x4;
	s3 =	sadd.s32 $0x11000, s6;
	s7 =	sadd.s32 s8, s7  }
0xb: {  	s30 =	sshrl.u32 s29, $0x1;
	s5 =	sadd.s32 s9, s5;
	s7 =	sadd.s32 s9, s7  }
0xc: {  	s4 =	simm.s32 @!p0 $0x4E;
	s5 =	sshll.u32 s5, $0x4;
	s7 =	sshll.u32 s7, $0xB  }
0xd: {  	s31 =	ssub.s32 s29, s30;
	s5 =	sadd.s32 s5, s6;
	s10 =	sadd.s32 s7, s6  }
0xe: {  	s6 =	smax.u32 s31, $0x1;
	s5 =	sadd.s32 $0x7200, s5;
	s7 =	sadd.s32 $0x38200, s10  }
0xf: {  	s8 =	sadd.s32 $0x39A00, s10;
	s9 =	sadd.s32 $0x39200, s10;
	s10 =	sadd.s32 $0x38A00, s10  }
.LBB2_1:
0x10: {  	[tilespmem:s2], [sflag:$0x9] =	stream.linear.gather [hbm4b:s5+s2], $0x2780, $0x38;
	[tilespmem:$0x12780] =	vst v63  }
0x11: {  	_ =	swait.ge [sflag:s11], $0x2780  }
0x12: {  	[sflag:s11] =	ssyncset.done $0x0  }
0x13: {  	s20 =	simm.s32 $0x0;
	[sflag:s11] =	ssyncadd.s32 $0xFFFFD880  }
0x14: {  	[tilespmem:s13], [sflag:$0x1] =	stream.indirect.gather [hbm4b:s3+s12], $0x80, s20, s12, $0xb8;
	[tilespmem:$0x12780] =	vst v63  }
0x15: {  	p1 =	sle.u32 s4, $0x2;
	p0 =	sle.u32 s4, $0x3;
	s31 =	simm.s32 $0x80  }
0x16: {  	[tilespmem:s14], [sflag:$0x2] =	stream.indirect.gather [hbm4b:s3+s12], $0x80, s31, s12, $0xb8;
	[tilespmem:$0x12780] =	vst v63  }
0x17: {  	s21 =	simm.s32 @!p1 $0x100;
	s22 =	simm.s32 @!p1 $0xA780;
	s20 =	simm.s32 @!p1 $0x80  }
0x18: {  	[tilespmem:s22], [sflag:$0x3] =	stream.indirect.gather @!p1 [hbm4b:s3+s20], $0x80, s21, s20, $0xb8;
	[tilespmem:$0x12780] =	vst v63  }
0x19: {  	s23 =	simm.s32 @!p0 $0x180;
	s20 =	simm.s32 @!p0 $0xE780;
	s21 =	simm.s32 @!p0 $0x80  }
0x1a: {  	[tilespmem:s20], [sflag:$0x4] =	stream.indirect.gather @!p0 [hbm4b:s3+s21], $0x80, s23, s21, $0xb8;
	[tilespmem:$0x12780] =	vst v63  }
0x1b: {  	_ =	swait.ge [sflag:s15], $0x4000  }
0x1c: {  	[sflag:s15] =	ssyncset.done $0x0  }
0x1d: {  	[sflag:s15] =	ssyncadd.s32 $0xFFFFC000  }
0x1e: {  	[hbm4b:s7+s2] =	stream.linear.scatter [tilespmem:s13], [sflag:$0x5], $0x4000, $0x38;
	[tilespmem:$0x12780] =	vst v63  }
0x1f: {  	_ =	swait.ge [sflag:s16], $0x4000  }
0x20: {  	[sflag:s16] =	ssyncset.done $0x0  }
0x21: {  	s21 =	simm.s32 @!p1 $0x3;
	[sflag:s16] =	ssyncadd.s32 $0xFFFFC000  }
0x22: {  	[hbm4b:s10+s2] =	stream.linear.scatter [tilespmem:s14], [sflag:$0x6], $0x4000, $0x38;
	[tilespmem:$0x12780] =	vst v63  }
0x23: {  	_ =	swait.ge @!p1 [sflag:s21], $0x4000  }
0x24: {  	[sflag:s21] =	ssyncset.done @!p1 $0x0  }
0x25: {  	s23 =	simm.s32 @!p1 $0x0;
	[sflag:s21] =	ssyncadd.s32 @!p1 $0xFFFFC000;
	s21 =	simm.s32 @!p0 $0x4  }
0x26: {  	[hbm4b:s9+s23] =	stream.linear.scatter @!p1 [tilespmem:s22], [sflag:$0x7], $0x4000, $0x38;
	[tilespmem:$0x12780] =	vst v63  }
0x27: {  	_ =	swait.ge @!p0 [sflag:s21], $0x4000  }
0x28: {  	[sflag:s21] =	ssyncset.done @!p0 $0x0  }
0x29: {  	s22 =	simm.s32 @!p0 $0x0;
	[sflag:s21] =	ssyncadd.s32 @!p0 $0xFFFFC000  }
0x2a: {  	[hbm4b:s8+s22] =	stream.linear.scatter @!p0 [tilespmem:s20], [sflag:$0x8], $0x4000, $0x38;
	[tilespmem:$0x12780] =	vst v63  }
0x2b: {  	_ =	swait.ge [sflag:s17], $0x4000  }
0x2c: {  	[sflag:s17] =	ssyncset.done $0x0  }
0x2d: {  	[sflag:s17] =	ssyncadd.s32 $0xFFFFC000  }
0x2e: {  	_ =	swait.ge [sflag:s18], $0x4000  }
0x2f: {  	[sflag:s18] =	ssyncset.done $0x0  }
0x30: {  	s24 =	simm.s32 $0x7;
	s23 =	simm.s32 @!p1 $0x7;
	[sflag:s18] =	ssyncadd.s32 $0xFFFFC000  }
0x31: {  	s25 =	smov.u32 s7;
	s26 =	simm.s32 @!p0 $0x8;
	_ =	swait.ge @!p1 [sflag:s23], $0x4000  }
0x32: {  	s21 =	sadd.s32 $0x2000, s10;
	s20 =	simm.s32 $0x800;
	[sflag:s23] =	ssyncset.done @!p1 $0x0  }
0x33: {  	s22 =	sadd.s32 $0x2000, s9;
	[sflag:s23] =	ssyncadd.s32 @!p1 $0xFFFFC000;
	s23 =	sadd.s32 $0x2000, s8  }
.LBB2_2:
0x34: {  	_ =	swait.ge @!p0 [sflag:s26], $0x4000  }
0x35: {  	s25 =	sadd.s32 $0x2000, s25;
	s28 =	smov.u32 s20;
	s20 =	sadd.s32 $0x800, s20  }
0x36: {  	s30 =	sadd.s32 $0xFFFFFFFF, s24;
	s29 =	sshra.s32 s28, $0x2;
	[sflag:s26] =	ssyncset.done @!p0 $0x0  }
0x37: {  	p1 =	sge.u32 s30, s4;
	[sflag:s26] =	ssyncadd.s32 @!p0 $0xFFFFC000;
	p0 =	sge.u32 s24, s4  }
0x38: {  	[tilespmem:s13], [sflag:$0x1] =	stream.indirect.gather [hbm4b:s3+s12], $0x80, s29, s12, $0xb8;
	[tilespmem:$0x12780] =	vst v63  }
0x39: {  	s26 =	sshra.s32 @!p1 s28, $0x2;
	s30 =	simm.s32 @!p1 $0x80;
	s31 =	simm.s32 @!p0 $0xE780  }
0x3a: {  	s1 =	simm.s32 @!p1 $0xA780;
	s29 =	sadd.s32 $0x80, s29;
	s26 =	sadd.s32 @!p1 $0x100, s26  }
0x3b: {  	[tilespmem:s14], [sflag:$0x2] =	stream.indirect.gather [hbm4b:s3+s12], $0x80, s29, s12, $0xb8;
	[tilespmem:$0x12780] =	vst v63  }
0x3c: {  	p2 =	sne.s32 s20, $0xA000;
	s28 =	sshra.s32 @!p0 s28, $0x2;
	s29 =	simm.s32 @!p0 $0x80  }
0x3d: {  	[tilespmem:s1], [sflag:$0x3] =	stream.indirect.gather @!p1 [hbm4b:s3+s30], $0x80, s26, s30, $0xb8;
	[tilespmem:$0x12780] =	vst v63  }
0x3e: {  	s26 =	sadd.s32 @!p0 $0x180, s28  }
0x3f: {  	[tilespmem:s31], [sflag:$0x4] =	stream.indirect.gather @!p0 [hbm4b:s3+s29], $0x80, s26, s29, $0xb8;
	[tilespmem:$0x12780] =	vst v63  }
0x40: {  	_ =	swait.ge [sflag:s15], $0x4000  }
0x41: {  	[sflag:s15] =	ssyncset.done $0x0  }
0x42: {  	[sflag:s15] =	ssyncadd.s32 $0xFFFFC000  }
0x43: {  	[hbm4b:s25+s2] =	stream.linear.scatter [tilespmem:s13], [sflag:$0x5], $0x4000, $0x38;
	[tilespmem:$0x12780] =	vst v63  }
0x44: {  	_ =	swait.ge [sflag:s16], $0x4000  }
0x45: {  	[sflag:s16] =	ssyncset.done $0x0  }
0x46: {  	s26 =	simm.s32 @!p1 $0x3;
	[sflag:s16] =	ssyncadd.s32 $0xFFFFC000  }
0x47: {  	[hbm4b:s21+s2] =	stream.linear.scatter [tilespmem:s14], [sflag:$0x6], $0x4000, $0x38;
	[tilespmem:$0x12780] =	vst v63  }
0x48: {  	_ =	swait.ge @!p1 [sflag:s26], $0x4000  }
0x49: {  	s28 =	simm.s32 @!p1 $0x0;
	[sflag:s26] =	ssyncset.done @!p1 $0x0  }
0x4a: {  	[sflag:s26] =	ssyncadd.s32 @!p1 $0xFFFFC000;
	s26 =	simm.s32 @!p0 $0x4  }
0x4b: {  	[hbm4b:s22+s28] =	stream.linear.scatter @!p1 [tilespmem:s1], [sflag:$0x7], $0x4000, $0x38;
	[tilespmem:$0x12780] =	vst v63  }
0x4c: {  	_ =	swait.ge @!p0 [sflag:s26], $0x4000  }
0x4d: {  	s1 =	simm.s32 @!p0 $0x0;
	[sflag:s26] =	ssyncset.done @!p0 $0x0  }
0x4e: {  	[sflag:s26] =	ssyncadd.s32 @!p0 $0xFFFFC000  }
0x4f: {  	[hbm4b:s23+s1] =	stream.linear.scatter @!p0 [tilespmem:s31], [sflag:$0x8], $0x4000, $0x38;
	[tilespmem:$0x12780] =	vst v63  }
0x50: {  	_ =	swait.ge [sflag:s17], $0x4000  }
0x51: {  	[sflag:s17] =	ssyncset.done $0x0  }
0x52: {  	[sflag:s17] =	ssyncadd.s32 $0xFFFFC000  }
0x53: {  	_ =	swait.ge [sflag:s18], $0x4000  }
.Ltmp0:
0x54: {  	s1 =	simm.s32 @!p1 $0x7;
	[sflag:s18] =	ssyncset.done $0x0;
	(pc) =	sbr.rel @p2 .LBB2_2-.Ltmp0, $4  }
0x55: {  	[sflag:s18] =	ssyncadd.s32 $0xFFFFC000  }
0x56: {  	s21 =	sadd.s32 $0x2000, s21;
	_ =	swait.ge @!p1 [sflag:s1], $0x4000  }
0x57: {  	s22 =	sadd.s32 $0x2000, s22;
	s26 =	simm.s32 @!p0 $0x8;
	[sflag:s1] =	ssyncset.done @!p1 $0x0  }
0x58: {  	s24 =	sadd.s32 $0x4, s24;
	s23 =	sadd.s32 $0x2000, s23;
	[sflag:s1] =	ssyncadd.s32 @!p1 $0xFFFFC000  }
0x59: {  	s19 =	sadd.s32 $0x1, s19  }
0x5a: {  	p1 =	sne.s32 s19, s6  }
.Ltmp1:
0x5b: {  	_ = 	snop;
	(pc) =	sbr.rel @p1 .LBB2_1-.Ltmp1, $4  }
0x5c: {  	_ = 	snop  }
0x5d: {  	_ =	swait.ge @!p0 [sflag:s26], $0x4000  }
0x5e: {  	[sflag:s26] =	ssyncset.done @!p0 $0x0  }
0x5f: {  	[sflag:s26] =	ssyncadd.s32 @!p0 $0xFFFFC000  }
0x60: {  	_ =	sfence.sel $0x180000  }
0x61: {  	[bflag:$0x0] =	sbarrier.arrive $0xFFFF  }
0x62: {  	_ =	strace $0x90000047  }
0x63: {  	[bflag:$0x2] =	sbarrier.arrive $0xFFFF  }
0x64: {  	p0 =	sne.s32 s0, $0x0;
	s0 =	rddreg [dreg:$0x1]  }
0x65: {  	s0 =	sadd.s32 @!p0 $0x100000, s0  }
0x66: {  	[sflag:s0] =	ssyncadd.tile.s32 @!p0 $0x1;
	_ =	shalt  }
.Lfunc_end2:
_tile_overlayer_lowered:
.L_overlay_start_2:
0x67: {  	(tag) =	ssettag $0x2  }
0x68: {  	s0 =	rddreg [dreg:$0x0];
	s2 =	stileid.u32  }
0x69: {  	s1 =	rddreg [dreg:$0x1];
	p0 =	sne.s32 s2, $0x0  }
0x6a: {  	s3 =	rddreg [dreg:$0x2];
	[bflag:$0x3] =	sbarrier.arrive $0xFFFF;
	s2 =	simm.s32 @!p0 $0x1C09  }
0x6b: {  	[timem:s3], [sflag:s2] =	dma.local @!p0 [hbm:s0], s1  }
0x6c: {  	s0 =	simm.s32 @!p0 $0x9  }
0x6d: {  	_ =	swait.ge @!p0 [sflag:s0], s1  }
0x6e: {  	s1 =	ssub.s32 @!p0 $0x0, s1;
	[sflag:s0] =	ssyncset.done @!p0 $0x0  }
0x6f: {  	[sflag:s0] =	ssyncadd.s32 @!p0 s1  }
0x70: {  	[bflag:$0x3] =	sbarrier.arrive $0xFFFF  }
0x71: {  	_ =	shalt  }

// kernel: kernel.14.cloned.1.call-start
scs
__scs_entry_jumppad:
0x0: {  	(pc) =	sbr.rel $0x88, $3  }
0x1: {  	(tag) =	ssettag $0x0;
	lr =	simm.s32 $0x1  }
0x2: {  	[smem:$0x3F8E] =	sst lr;
	_ =	strace $0xD0000000  }
0x3: {  	_ = 	snop  }
0x4: {  	_ = 	snop  }
0x5: {  	_ = 	snop  }
0x6: {  	_ = 	snop  }
0x7: {  	_ = 	snop  }
__scs_overlays_trampoline_lowered:
0x8: {  	[smem:$0x3F9D] =	sst s0  }
0x9: {  	[smem:$0x3F9E] =	sst s1  }
0xa: {  	[smem:$0x3F9F] =	sst s2  }
0xb: {  	[smem:$0x3FA0] =	sst s3  }
0xc: {  	[smem:$0x3FA1] =	sst s4  }
0xd: {  	[smem:$0x3FA2] =	sst s5  }
0xe: {  	[smem:$0x3FA3] =	sst s6  }
0xf: {  	[smem:$0x3FA4] =	sst s7  }
0x10: {  	[smem:$0x3FA5] =	sst s8  }
0x11: {  	[smem:$0x3FA6] =	sst s9;
	s0 =	simm.s32 @!p0 $0x0  }
0x12: {  	s1 =	sld [smem:$0x3F8C];
	s0 =	simm.s32 @p0 $0x1  }
0x13: {  	[smem:$0x3FA7] =	sst s0;
	s0 =	simm.s32 @!p1 $0x0  }
0x14: {  	s2 =	sld [smem:$0x3F8B];
	s0 =	simm.s32 @p1 $0x1  }
0x15: {  	[smem:$0x3FA8] =	sst s0;
	s0 =	simm.s32 @!p2 $0x0  }
0x16: {  	s3 =	sld [smem:$0x3FDB];
	s0 =	simm.s32 @p2 $0x1  }
0x17: {  	s4 =	simm.s32 $0x1BF5;
	[smem:$0x3FAA] =	sst s0  }
0x18: {  	s0 =	sld [smem:$0x3F8D];
	_ =	swait.ge [sflag:s4], $0x0  }
0x19: {  	s7 =	sld [smem:$0x3F8E]  }
0x1a: {  	s8 =	sadd.s32 $0xFFFFE003, lr  }
0x1b: {  	s9 =	sadd.s32 $0xFFFFFEF7, lr;
	s5 =	simm.s32 $0xFFFFFFFF;
	p2 =	slt.u32 s8, $0xFFFFF086  }
0x1c: {  	p1 =	slt.u32 s9, $0xF7A;
	s5 =	simm.s32 @!p2 $0x0  }
0x1d: {  	s5 =	simm.s32 @p1 $0x1;
	p0 =	seq.s32 s7, s2  }
0x1e: {  	s7 =	smul.u32 @!p0 $0xF7A, s2;
	p2 =	seq.s32 @!p0 s5, $0x0  }
0x1f: {  	s9 =	smul.u32 $0xF7A, s1;
	s8 =	simm.s32 @!p0 $0x1BF5;
	p2 =	por !p2, p0  }
0x20: {  	[sflag:s8] =	ssyncset.s32 @!p0 $0xFFFFF086;
	s6 =	sadd.s32 @!p0 s3, s7;
	s7 =	simm.s32 @!p0 $0x108  }
0x21: {  	s3 =	sadd.s32 s3, s9;
	s6 =	sadd.s32 @!p0 $0x88, s6;
	s7 =	simm.s32 @p2 $0x1082  }
0x22: {  	[simem:s7], [sflag:s8] =	dma.local @!p0 [hbm:s6], $0xF7A  }
0x23: {  	s9 =	sor.u32 $0xD0000000, s2;
	s6 =	simm.s32 $0x108;
	_ =	swait.ge @!p0 [sflag:s8], $0x0  }
0x24: {  	s3 =	sadd.s32 $0x88, s3;
	s6 =	simm.s32 @!p1 $0x1082;
	[sflag:s4] =	ssyncset.s32 $0xFFFFF086  }
0x25: {  	[simem:s6], [sflag:s4] =	dma.local [hbm:s3], $0xF7A  }
0x26: {  	[smem:$0x3F8E] =	sst s1;
	(tag) =	ssettag s2;
	_ =	strace s9  }
0x27: {  	s1 =	sld [smem:$0x3F9E]  }
0x28: {  	s2 =	sld [smem:$0x3F9F]  }
0x29: {  	s4 =	sld [smem:$0x3FA1]  }
0x2a: {  	p0 =	seq.s32 s5, $0x0;
	s5 =	sld [smem:$0x3FA2]  }
0x2b: {  	s6 =	sld [smem:$0x3FA3]  }
0x2c: {  	s7 =	sld [smem:$0x3FA4]  }
0x2d: {  	s3 =	simm.s32 $0x108;
	s8 =	sld [smem:$0x3FA5]  }
0x2e: {  	s3 =	simm.s32 @!p0 $0x1082;
	s9 =	sld [smem:$0x3FA6]  }
0x2f: {  	lr =	sadd.s32 s0, s3;
	s0 =	sld [smem:$0x3F9D]  }
0x30: {  	s3 =	sld [smem:$0x3FA0]  }
0x31: {  	[smem:$0x3FA9] =	sst s10  }
0x32: {  	s10 =	sld [smem:$0x3FA7];
	_ =	sdelay $0x3  }
0x33: {  	p0 =	seq.s32 s10, $0x1;
	s10 =	sld [smem:$0x3FA9];
	_ =	sdelay $0x3  }
0x34: {  	[smem:$0x3FA9] =	sst s10  }
0x35: {  	s10 =	sld [smem:$0x3FA8];
	_ =	sdelay $0x3  }
0x36: {  	p1 =	seq.s32 s10, $0x1;
	s10 =	sld [smem:$0x3FA9];
	_ =	sdelay $0x3  }
0x37: {  	[smem:$0x3FA9] =	sst s10  }
0x38: {  	s10 =	sld [smem:$0x3FAA]  }
0x39: {  	_ = 	snop;
	(pc) =	sbr.ind lr, $3  }
0x3a: {  	_ = 	snop  }
0x3b: {  	_ = 	snop  }
0x3c: {  	p2 =	seq.s32 s10, $0x1;
	s10 =	sld [smem:$0x3FA9]  }
0x3d: {  	_ =	shalt  }
0x3e: {  	_ =	shalt  }
0x3f: {  	_ =	shalt  }
0x40: {  	_ =	shalt  }
0x41: {  	_ =	shalt  }
0x42: {  	_ =	shalt  }
0x43: {  	_ =	shalt  }
0x44: {  	_ =	shalt  }
0x45: {  	_ =	shalt  }
0x46: {  	_ =	shalt  }
0x47: {  	_ =	shalt  }
0x48: {  	_ =	shalt  }
0x49: {  	_ =	shalt  }
0x4a: {  	_ =	shalt  }
0x4b: {  	_ =	shalt  }
0x4c: {  	_ =	shalt  }
0x4d: {  	_ =	shalt  }
0x4e: {  	_ =	shalt  }
0x4f: {  	_ =	shalt  }
0x50: {  	_ =	shalt  }
0x51: {  	_ =	shalt  }
0x52: {  	_ =	shalt  }
0x53: {  	_ =	shalt  }
0x54: {  	_ =	shalt  }
0x55: {  	_ =	shalt  }
0x56: {  	_ =	shalt  }
0x57: {  	_ =	shalt  }
0x58: {  	_ =	shalt  }
0x59: {  	_ =	shalt  }
0x5a: {  	_ =	shalt  }
0x5b: {  	_ =	shalt  }
0x5c: {  	_ =	shalt  }
0x5d: {  	_ =	shalt  }
0x5e: {  	_ =	shalt  }
0x5f: {  	_ =	shalt  }
0x60: {  	_ =	shalt  }
0x61: {  	_ =	shalt  }
0x62: {  	_ =	shalt  }
0x63: {  	_ =	shalt  }
0x64: {  	_ =	shalt  }
0x65: {  	_ =	shalt  }
0x66: {  	_ =	shalt  }
0x67: {  	_ =	shalt  }
0x68: {  	_ =	shalt  }
0x69: {  	_ =	shalt  }
0x6a: {  	_ =	shalt  }
0x6b: {  	_ =	shalt  }
0x6c: {  	_ =	shalt  }
0x6d: {  	_ =	shalt  }
0x6e: {  	_ =	shalt  }
0x6f: {  	_ =	shalt  }
0x70: {  	_ =	shalt  }
0x71: {  	_ =	shalt  }
0x72: {  	_ =	shalt  }
0x73: {  	_ =	shalt  }
0x74: {  	_ =	shalt  }
0x75: {  	_ =	shalt  }
0x76: {  	_ =	shalt  }
0x77: {  	_ =	shalt  }
0x78: {  	_ =	shalt  }
0x79: {  	_ =	shalt  }
0x7a: {  	_ =	shalt  }
0x7b: {  	_ =	shalt  }
0x7c: {  	_ =	shalt  }
0x7d: {  	_ =	shalt  }
0x7e: {  	_ =	shalt  }
0x7f: {  	_ =	shalt  }
0x80: {  	_ =	shalt  }
0x81: {  	_ =	shalt  }
0x82: {  	_ =	shalt  }
0x83: {  	_ =	shalt  }
0x84: {  	_ =	shalt  }
0x85: {  	_ =	shalt  }
0x86: {  	_ =	shalt  }
0x87: {  	_ =	shalt  }
.Lfunc_end0:
.L_simem_size_0:
called_computation.1_lowered:
.L_overlay_start_0:
0x88: {  	s2 =	sld [smem:$0x3FD9]  }
0x89: {  	s3 =	sld [smem:$0x3FFE];
	_ =	sdelay $0x1  }
0x8a: {  	s1 =	srdreg.scid  }
0x8b: {  	s0 =	sand.u32 $0x1, s1  }
0x8c: {  	s17 =	sshll.u32 s0, $0xA;
	s2 =	sadd.s32 s3, s2  }
0x8d: {  	s2 =	sadd.s32 s2, s17  }
0x8e: {  	[smem:$0x3FB5] =	sst s2  }
0x8f: {  	_ = 	snop  }
0x90: {  	s18 =	sld [smem:$0x3FC9];
	(tm) =	ssettm $0x1  }
0x91: {  	s19 =	sld [smem:$0x3FFB];
	_ =	sdelay $0x3  }
0x92: {  	_ =	strace s19  }
0x93: {  	s2 =	sld [smem:$0x3FFC];
	_ =	sdelay $0x3  }
0x94: {  	_ =	strace s2  }
0x95: {  	s2 =	sld [smem:$0x3FFD];
	_ =	sdelay $0x3  }
0x96: {  	_ =	strace s2  }
0x97: {  	_ =	strace $0x8FFFFFFF  }
0x98: {  	s20 =	sld [smem:$0x3FDB];
	_ =	sdelay $0x1  }
0x99: {  	s4 =	simm.s32 $_scs_section_size  }
0x9a: {  	s5 =	simm.s32 $_size__tile_overlayer_lowered;
	s6 =	simm.s32 $_tile_overlayer_lowered  }
0x9b: {  	s7 =	simm.s32 $0x1BFF;
	s21 =	sshll.u32 s6, $0x1;
	s4 =	sadd.s32 s4, s20  }
0x9c: {  	s22 =	simm.s32 $0x0;
	s5 =	sshll.u32 s5, $0x1;
	s6 =	sadd.s32 s21, s4  }
0x9d: {  	[timem:s22], [sflag:s7] =	dma.local [hbm:s6], s5  }
0x9e: {  	_ =	swait.ge [sflag:s7], s5  }
0x9f: {  	s5 =	ssub.s32 $0x0, s5;
	[sflag:s7] =	ssyncset.done $0x0  }
0xa0: {  	[sflag:s7] =	ssyncadd.s32 s5;
	_ =	sdelay $0x1  }
0xa1: {  	s23 =	simm.s32 $0x1B8B  }
0xa2: {  	_ =	swait.ge [sflag:s23], $0x1  }
0xa3: {  	[sflag:s23] =	ssyncset.done $0x0  }
0xa4: {  	[sflag:s23] =	ssyncadd.s32 $0xFFFFFFFF  }
0xa5: {  	s5 =	sld [smem:$0x0]  }
0xa6: {  	s6 =	sand.u32 $0xFFFFFFFE, s1  }
0xa7: {  	p0 =	sne.s32 s1, s6  }
0xa8: {  	s6 =	sshll.u32 @p0 s6, $0xE  }
0xa9: {  	s6 =	sadd.s32 @p0 $0x11B8D, s6;
	s7 =	sshll.u32 @p0 s5, $0x11  }
0xaa: {  	s6 =	sor.u32 @p0 s7, s6  }
0xab: {  	[sflag:s6] =	ssyncadd.remote.s32 @p0 $0x1;
	_ =	sdelay $0x1  }
0xac: {  	s6 =	simm.s32 @p0 $0x1B8D  }
0xad: {  	_ =	swait.eq @p0 [sflag:s6], $0x1  }
0xae: {  	[sflag:s6] =	ssyncadd.s32 @p0 $0xFFFFFFFF  }
0xaf: {  	s7 =	sshll.u32 @!p0 s1, $0xE  }
0xb0: {  	s7 =	sor.u32 @!p0 $0x4000, s7;
	s6 =	simm.s32 @!p0 $0x1B8D  }
0xb1: {  	s5 =	sshll.u32 @!p0 s5, $0x11;
	s7 =	sadd.s32 @!p0 $0x11B8D, s7;
	_ =	swait.eq @!p0 [sflag:s6], $0x1  }
0xb2: {  	s5 =	sor.u32 @!p0 s5, s7;
	[sflag:s6] =	ssyncadd.s32 @!p0 $0xFFFFFFFF  }
0xb3: {  	s25 =	simm.s32 $0x1B8E;
	s24 =	sld [smem:$0x3FFE];
	[sflag:s5] =	ssyncadd.remote.s32 @!p0 $0x1  }
0xb4: {  	s26 =	simm.s32 $execute0_lowered;
	[smem:$0x3FD2] =	sst s25  }
0xb5: {  	s6 =	sshll.u32 s26, $0x1;
	_ =	strace $0x80000049;
	[dreg:$0x1] =	wrdreg $0xFFFFFFFF  }
0xb6: {  	s28 =	simm.s32 $_size_execute0_lowered;
	s4 =	sadd.s32 s4, s6;
	[dreg:$0x0] =	wrdreg $0x0  }
0xb7: {  	s6 =	sshll.u32 s28, $0x1;
	[dreg:$0x2] =	wrdreg s4  }
0xb8: {  	[dreg:$0x3] =	wrdreg s6  }
0xb9: {  	[dreg:$0x4] =	wrdreg $0xC0  }
0xba: {  	_ =	task [dreg:s22], $0x5FFFF  }
0xbb: {  	[dreg:$0x1] =	wrdreg $0xFFFFFFFF  }
0xbc: {  	[dreg:$0x0] =	wrdreg $0x60  }
0xbd: {  	[dreg:$0x2] =	wrdreg s18  }
0xbe: {  	[dreg:$0x3] =	wrdreg s24  }
0xbf: {  	[dreg:$0x4] =	wrdreg $0xA  }
0xc0: {  	_ =	task.clear_ibuf [dreg:s22], $0x5FFFF;
	_ =	strace $0x90000049  }
0xc1: {  	s29 =	simm.s32 $0xA;
	_ =	strace $0x8000004B  }
0xc2: {  	_ =	swait.ge [sflag:s29], $0x1  }
0xc3: {  	[sflag:s29] =	ssyncadd.s32 $0xFFFFFFFF  }
0xc4: {  	_ =	strace $0x9000004B  }
0xc5: {  	_ =	sfence  }
0xc6: {  	s30 =	sld [smem:$0x0];
	_ =	sdelay $0x2  }
0xc7: {  	s31 =	sshll.u32 s1, $0xD;
	s1 =	sshrl.u32 s1, $0x2  }
0xc8: {  	s4 =	sand.u32 $0x4000, s31;
	s1 =	sadd.s32 s1, s30  }
0xc9: {  	s0 =	sor.u32 s4, s0;
	s1 =	sshll.u32 s1, $0x11  }
0xca: {  	s0 =	sor.u32 s1, s0  }
0xcb: {  	s0 =	sadd.s32 $0x8F2B, s0  }
0xcc: {  	[sflag:s0] =	ssyncadd.remote.s32 $0x1  }
0xcd: {  	_ =	sfence.sel $0xFFFF  }
0xce: {  	[dreg:$0x0] =	wrdreg $0xFFFFFFFF;
	(pc) =	sbr.abs _section_cstart, $3  }
0xcf: {  	[dreg:$0x1] =	wrdreg $0xFFFFFFFF  }
0xd0: {  	_ =	task.clear_ibuf [dreg:s22], $0x2FFFF;
	_ =	strace $0x9FFFFFFF  }
0xd1: {  	(tm) =	ssettm $0x7FFFFFFF  }
tec
execute0_lowered:
.L_overlay_start_1:
0x0: {  	(tag) =	ssettag $0x1  }
0x1: {  	s2 =	rddreg [dreg:$0x0]  }
0x2: {  	s4 =	rddreg [dreg:$0x1];
	s3 =	srdreg.scid  }
0x3: {  	s1 =	stileid.u32;
	s11 =	simm.s32 $0x9;
	s12 =	simm.s32 $0x80  }
0x4: {  	s13 =	simm.s32 $0x2780;
	s14 =	simm.s32 $0x6780;
	s15 =	simm.s32 $0x1  }
0x5: {  	s16 =	simm.s32 $0x2;
	s17 =	simm.s32 $0x5;
	s18 =	simm.s32 $0x6  }
0x6: {  	s5 =	sand.u32 $0x1, s3;
	s6 =	sshll.u32 s1, $0x1;
	s7 =	smul.u32 $0x9C, s1  }
0x7: {  	s3 =	simm.s32 $0x0;
	s6 =	sor.u32 s5, s6;
	s8 =	smul.u32 $0x4E, s5  }
0x8: {  	p0 =	slt.u32 s1, $0x2;
	[smem:$0x7FF] =	sst s3;
	s9 =	smul.u32 $0x4E, s6  }
0x9: {  	s5 =	ssub.s32 $0x2, s5;
	s6 =	smin.u32 s6, $0x4;
	s7 =	sadd.s32 s8, s7  }
0xa: {  	_ =	strace $0x8000004A;
	s29 =	sadd.s32 s6, s9;
	s6 =	sadd.s32 s6, s7  }
0xb: {  	s31 =	sshrl.u32 s5, $0x1;
	s30 =	sshll.u32 s29, $0x4;
	s6 =	sshll.u32 s6, $0xB  }
0xc: {  	s7 =	sadd.s32 s30, s4;
	s10 =	sadd.s32 s6, s4;
	s4 =	simm.s32 $0x4F  }
0xd: {  	s8 =	ssub.s32 s5, s31;
	s5 =	sadd.s32 $0x7200, s7;
	s4 =	simm.s32 @!p0 $0x4E  }
0xe: {  	s19 =	simm.s32 $0x0;
	s6 =	sadd.s32 $0x51A200, s10;
	s7 =	sadd.s32 $0x51BA00, s10  }
0xf: {  	s8 =	smax.u32 s8, $0x1;
	s9 =	sadd.s32 $0x51B200, s10;
	s10 =	sadd.s32 $0x51AA00, s10  }
.LBB2_1:
0x10: {  	[tilespmem:s3], [sflag:$0x9] =	stream.linear.gather [hbm4b:s5+s3], $0x2780, $0x38;
	[tilespmem:$0x12780] =	vst v63  }
0x11: {  	_ =	swait.ge [sflag:s11], $0x2780  }
0x12: {  	[sflag:s11] =	ssyncset.done $0x0  }
0x13: {  	s20 =	simm.s32 $0x0;
	[sflag:s11] =	ssyncadd.s32 $0xFFFFD880  }
0x14: {  	[tilespmem:s13], [sflag:$0x1] =	stream.indirect.gather [hbm4b:s2+s12], $0x80, s20, s12, $0xb8;
	[tilespmem:$0x12780] =	vst v63  }
0x15: {  	p1 =	sle.u32 s4, $0x2;
	p0 =	sle.u32 s4, $0x3;
	s31 =	simm.s32 $0x80  }
0x16: {  	[tilespmem:s14], [sflag:$0x2] =	stream.indirect.gather [hbm4b:s2+s12], $0x80, s31, s12, $0xb8;
	[tilespmem:$0x12780] =	vst v63  }
0x17: {  	s21 =	simm.s32 @!p1 $0x100;
	s22 =	simm.s32 @!p1 $0xA780;
	s20 =	simm.s32 @!p1 $0x80  }
0x18: {  	[tilespmem:s22], [sflag:$0x3] =	stream.indirect.gather @!p1 [hbm4b:s2+s20], $0x80, s21, s20, $0xb8;
	[tilespmem:$0x12780] =	vst v63  }
0x19: {  	s23 =	simm.s32 @!p0 $0x180;
	s20 =	simm.s32 @!p0 $0xE780;
	s21 =	simm.s32 @!p0 $0x80  }
0x1a: {  	[tilespmem:s20], [sflag:$0x4] =	stream.indirect.gather @!p0 [hbm4b:s2+s21], $0x80, s23, s21, $0xb8;
	[tilespmem:$0x12780] =	vst v63  }
0x1b: {  	_ =	swait.ge [sflag:s15], $0x4000  }
0x1c: {  	[sflag:s15] =	ssyncset.done $0x0  }
0x1d: {  	[sflag:s15] =	ssyncadd.s32 $0xFFFFC000  }
0x1e: {  	[hbm4b:s6+s3] =	stream.linear.scatter [tilespmem:s13], [sflag:$0x5], $0x4000, $0x38;
	[tilespmem:$0x12780] =	vst v63  }
0x1f: {  	_ =	swait.ge [sflag:s16], $0x4000  }
0x20: {  	[sflag:s16] =	ssyncset.done $0x0  }
0x21: {  	s21 =	simm.s32 @!p1 $0x3;
	[sflag:s16] =	ssyncadd.s32 $0xFFFFC000  }
0x22: {  	[hbm4b:s10+s3] =	stream.linear.scatter [tilespmem:s14], [sflag:$0x6], $0x4000, $0x38;
	[tilespmem:$0x12780] =	vst v63  }
0x23: {  	_ =	swait.ge @!p1 [sflag:s21], $0x4000  }
0x24: {  	[sflag:s21] =	ssyncset.done @!p1 $0x0  }
0x25: {  	s23 =	simm.s32 @!p1 $0x0;
	[sflag:s21] =	ssyncadd.s32 @!p1 $0xFFFFC000;
	s21 =	simm.s32 @!p0 $0x4  }
0x26: {  	[hbm4b:s9+s23] =	stream.linear.scatter @!p1 [tilespmem:s22], [sflag:$0x7], $0x4000, $0x38;
	[tilespmem:$0x12780] =	vst v63  }
0x27: {  	_ =	swait.ge @!p0 [sflag:s21], $0x4000  }
0x28: {  	[sflag:s21] =	ssyncset.done @!p0 $0x0  }
0x29: {  	s22 =	simm.s32 @!p0 $0x0;
	[sflag:s21] =	ssyncadd.s32 @!p0 $0xFFFFC000  }
0x2a: {  	[hbm4b:s7+s22] =	stream.linear.scatter @!p0 [tilespmem:s20], [sflag:$0x8], $0x4000, $0x38;
	[tilespmem:$0x12780] =	vst v63  }
0x2b: {  	_ =	swait.ge [sflag:s17], $0x4000  }
0x2c: {  	[sflag:s17] =	ssyncset.done $0x0  }
0x2d: {  	[sflag:s17] =	ssyncadd.s32 $0xFFFFC000  }
0x2e: {  	_ =	swait.ge [sflag:s18], $0x4000  }
0x2f: {  	[sflag:s18] =	ssyncset.done $0x0  }
0x30: {  	s24 =	simm.s32 $0x7;
	s23 =	simm.s32 @!p1 $0x7;
	[sflag:s18] =	ssyncadd.s32 $0xFFFFC000  }
0x31: {  	s25 =	smov.u32 s6;
	s26 =	simm.s32 @!p0 $0x8;
	_ =	swait.ge @!p1 [sflag:s23], $0x4000  }
0x32: {  	s21 =	sadd.s32 $0x2000, s10;
	s20 =	simm.s32 $0x800;
	[sflag:s23] =	ssyncset.done @!p1 $0x0  }
0x33: {  	s22 =	sadd.s32 $0x2000, s9;
	[sflag:s23] =	ssyncadd.s32 @!p1 $0xFFFFC000;
	s23 =	sadd.s32 $0x2000, s7  }
.LBB2_2:
0x34: {  	_ =	swait.ge @!p0 [sflag:s26], $0x4000  }
0x35: {  	s25 =	sadd.s32 $0x2000, s25;
	s28 =	smov.u32 s20;
	s20 =	sadd.s32 $0x800, s20  }
0x36: {  	s30 =	sadd.s32 $0xFFFFFFFF, s24;
	s29 =	sshra.s32 s28, $0x2;
	[sflag:s26] =	ssyncset.done @!p0 $0x0  }
0x37: {  	p1 =	sge.u32 s30, s4;
	[sflag:s26] =	ssyncadd.s32 @!p0 $0xFFFFC000;
	p0 =	sge.u32 s24, s4  }
0x38: {  	[tilespmem:s13], [sflag:$0x1] =	stream.indirect.gather [hbm4b:s2+s12], $0x80, s29, s12, $0xb8;
	[tilespmem:$0x12780] =	vst v63  }
0x39: {  	s26 =	sshra.s32 @!p1 s28, $0x2;
	s30 =	simm.s32 @!p1 $0x80;
	s31 =	simm.s32 @!p0 $0xE780  }
0x3a: {  	s0 =	simm.s32 @!p1 $0xA780;
	s29 =	sadd.s32 $0x80, s29;
	s26 =	sadd.s32 @!p1 $0x100, s26  }
0x3b: {  	[tilespmem:s14], [sflag:$0x2] =	stream.indirect.gather [hbm4b:s2+s12], $0x80, s29, s12, $0xb8;
	[tilespmem:$0x12780] =	vst v63  }
0x3c: {  	p2 =	sne.s32 s20, $0xA000;
	s28 =	sshra.s32 @!p0 s28, $0x2;
	s29 =	simm.s32 @!p0 $0x80  }
0x3d: {  	[tilespmem:s0], [sflag:$0x3] =	stream.indirect.gather @!p1 [hbm4b:s2+s30], $0x80, s26, s30, $0xb8;
	[tilespmem:$0x12780] =	vst v63  }
0x3e: {  	s26 =	sadd.s32 @!p0 $0x180, s28  }
0x3f: {  	[tilespmem:s31], [sflag:$0x4] =	stream.indirect.gather @!p0 [hbm4b:s2+s29], $0x80, s26, s29, $0xb8;
	[tilespmem:$0x12780] =	vst v63  }
0x40: {  	_ =	swait.ge [sflag:s15], $0x4000  }
0x41: {  	[sflag:s15] =	ssyncset.done $0x0  }
0x42: {  	[sflag:s15] =	ssyncadd.s32 $0xFFFFC000  }
0x43: {  	[hbm4b:s25+s3] =	stream.linear.scatter [tilespmem:s13], [sflag:$0x5], $0x4000, $0x38;
	[tilespmem:$0x12780] =	vst v63  }
0x44: {  	_ =	swait.ge [sflag:s16], $0x4000  }
0x45: {  	[sflag:s16] =	ssyncset.done $0x0  }
0x46: {  	s26 =	simm.s32 @!p1 $0x3;
	[sflag:s16] =	ssyncadd.s32 $0xFFFFC000  }
0x47: {  	[hbm4b:s21+s3] =	stream.linear.scatter [tilespmem:s14], [sflag:$0x6], $0x4000, $0x38;
	[tilespmem:$0x12780] =	vst v63  }
0x48: {  	_ =	swait.ge @!p1 [sflag:s26], $0x4000  }
0x49: {  	s28 =	simm.s32 @!p1 $0x0;
	[sflag:s26] =	ssyncset.done @!p1 $0x0  }
0x4a: {  	[sflag:s26] =	ssyncadd.s32 @!p1 $0xFFFFC000;
	s26 =	simm.s32 @!p0 $0x4  }
0x4b: {  	[hbm4b:s22+s28] =	stream.linear.scatter @!p1 [tilespmem:s0], [sflag:$0x7], $0x4000, $0x38;
	[tilespmem:$0x12780] =	vst v63  }
0x4c: {  	_ =	swait.ge @!p0 [sflag:s26], $0x4000  }
0x4d: {  	s0 =	simm.s32 @!p0 $0x0;
	[sflag:s26] =	ssyncset.done @!p0 $0x0  }
0x4e: {  	[sflag:s26] =	ssyncadd.s32 @!p0 $0xFFFFC000  }
0x4f: {  	[hbm4b:s23+s0] =	stream.linear.scatter @!p0 [tilespmem:s31], [sflag:$0x8], $0x4000, $0x38;
	[tilespmem:$0x12780] =	vst v63  }
0x50: {  	_ =	swait.ge [sflag:s17], $0x4000  }
0x51: {  	[sflag:s17] =	ssyncset.done $0x0  }
0x52: {  	[sflag:s17] =	ssyncadd.s32 $0xFFFFC000  }
0x53: {  	_ =	swait.ge [sflag:s18], $0x4000  }
.Ltmp0:
0x54: {  	s0 =	simm.s32 @!p1 $0x7;
	[sflag:s18] =	ssyncset.done $0x0;
	(pc) =	sbr.rel @p2 .LBB2_2-.Ltmp0, $4  }
0x55: {  	[sflag:s18] =	ssyncadd.s32 $0xFFFFC000  }
0x56: {  	s21 =	sadd.s32 $0x2000, s21;
	_ =	swait.ge @!p1 [sflag:s0], $0x4000  }
0x57: {  	s22 =	sadd.s32 $0x2000, s22;
	s26 =	simm.s32 @!p0 $0x8;
	[sflag:s0] =	ssyncset.done @!p1 $0x0  }
0x58: {  	s24 =	sadd.s32 $0x4, s24;
	s23 =	sadd.s32 $0x2000, s23;
	[sflag:s0] =	ssyncadd.s32 @!p1 $0xFFFFC000  }
0x59: {  	s19 =	sadd.s32 $0x1, s19  }
0x5a: {  	p1 =	sne.s32 s19, s8  }
.Ltmp1:
0x5b: {  	_ = 	snop;
	(pc) =	sbr.rel @p1 .LBB2_1-.Ltmp1, $4  }
0x5c: {  	_ = 	snop  }
0x5d: {  	_ =	swait.ge @!p0 [sflag:s26], $0x4000  }
0x5e: {  	[sflag:s26] =	ssyncset.done @!p0 $0x0  }
0x5f: {  	[sflag:s26] =	ssyncadd.s32 @!p0 $0xFFFFC000  }
0x60: {  	_ =	sfence.sel $0x180000  }
0x61: {  	[bflag:$0x0] =	sbarrier.arrive $0xFFFF  }
0x62: {  	_ =	strace $0x9000004A  }
0x63: {  	[bflag:$0x2] =	sbarrier.arrive $0xFFFF  }
0x64: {  	p0 =	sne.s32 s1, $0x0;
	s0 =	rddreg [dreg:$0x2]  }
0x65: {  	s0 =	sadd.s32 @!p0 $0x100000, s0  }
0x66: {  	[sflag:s0] =	ssyncadd.tile.s32 @!p0 $0x1;
	_ =	shalt  }
.Lfunc_end2:
_tile_overlayer_lowered:
.L_overlay_start_2:
0x67: {  	(tag) =	ssettag $0x2  }
0x68: {  	s0 =	rddreg [dreg:$0x0];
	s2 =	stileid.u32  }
0x69: {  	s1 =	rddreg [dreg:$0x1];
	p0 =	sne.s32 s2, $0x0  }
0x6a: {  	s3 =	rddreg [dreg:$0x2];
	[bflag:$0x3] =	sbarrier.arrive $0xFFFF;
	s2 =	simm.s32 @!p0 $0x1C09  }
0x6b: {  	[timem:s3], [sflag:s2] =	dma.local @!p0 [hbm:s0], s1  }
0x6c: {  	s0 =	simm.s32 @!p0 $0x9  }
0x6d: {  	_ =	swait.ge @!p0 [sflag:s0], s1  }
0x6e: {  	s1 =	ssub.s32 @!p0 $0x0, s1;
	[sflag:s0] =	ssyncset.done @!p0 $0x0  }
0x6f: {  	[sflag:s0] =	ssyncadd.s32 @!p0 s1  }
0x70: {  	[bflag:$0x3] =	sbarrier.arrive $0xFFFF  }
0x71: {  	_ =	shalt  }

// kernel: kernel.17.cloned.1.call-start
scs
__scs_entry_jumppad:
0x0: {  	(pc) =	sbr.rel $0x88, $3  }
0x1: {  	(tag) =	ssettag $0x0;
	lr =	simm.s32 $0x1  }
0x2: {  	[smem:$0x3F8E] =	sst lr;
	_ =	strace $0xD0000000  }
0x3: {  	_ = 	snop  }
0x4: {  	_ = 	snop  }
0x5: {  	_ = 	snop  }
0x6: {  	_ = 	snop  }
0x7: {  	_ = 	snop  }
__scs_overlays_trampoline_lowered:
0x8: {  	[smem:$0x3F9D] =	sst s0  }
0x9: {  	[smem:$0x3F9E] =	sst s1  }
0xa: {  	[smem:$0x3F9F] =	sst s2  }
0xb: {  	[smem:$0x3FA0] =	sst s3  }
0xc: {  	[smem:$0x3FA1] =	sst s4  }
0xd: {  	[smem:$0x3FA2] =	sst s5  }
0xe: {  	[smem:$0x3FA3] =	sst s6  }
0xf: {  	[smem:$0x3FA4] =	sst s7  }
0x10: {  	[smem:$0x3FA5] =	sst s8  }
0x11: {  	[smem:$0x3FA6] =	sst s9;
	s0 =	simm.s32 @!p0 $0x0  }
0x12: {  	s1 =	sld [smem:$0x3F8C];
	s0 =	simm.s32 @p0 $0x1  }
0x13: {  	[smem:$0x3FA7] =	sst s0;
	s0 =	simm.s32 @!p1 $0x0  }
0x14: {  	s2 =	sld [smem:$0x3F8B];
	s0 =	simm.s32 @p1 $0x1  }
0x15: {  	[smem:$0x3FA8] =	sst s0;
	s0 =	simm.s32 @!p2 $0x0  }
0x16: {  	s3 =	sld [smem:$0x3FDB];
	s0 =	simm.s32 @p2 $0x1  }
0x17: {  	s4 =	simm.s32 $0x1BF5;
	[smem:$0x3FAA] =	sst s0  }
0x18: {  	s0 =	sld [smem:$0x3F8D];
	_ =	swait.ge [sflag:s4], $0x0  }
0x19: {  	s7 =	sld [smem:$0x3F8E]  }
0x1a: {  	s8 =	sadd.s32 $0xFFFFE003, lr  }
0x1b: {  	s9 =	sadd.s32 $0xFFFFFEF7, lr;
	s5 =	simm.s32 $0xFFFFFFFF;
	p2 =	slt.u32 s8, $0xFFFFF086  }
0x1c: {  	p1 =	slt.u32 s9, $0xF7A;
	s5 =	simm.s32 @!p2 $0x0  }
0x1d: {  	s5 =	simm.s32 @p1 $0x1;
	p0 =	seq.s32 s7, s2  }
0x1e: {  	s7 =	smul.u32 @!p0 $0xF7A, s2;
	p2 =	seq.s32 @!p0 s5, $0x0  }
0x1f: {  	s9 =	smul.u32 $0xF7A, s1;
	s8 =	simm.s32 @!p0 $0x1BF5;
	p2 =	por !p2, p0  }
0x20: {  	[sflag:s8] =	ssyncset.s32 @!p0 $0xFFFFF086;
	s6 =	sadd.s32 @!p0 s3, s7;
	s7 =	simm.s32 @!p0 $0x108  }
0x21: {  	s3 =	sadd.s32 s3, s9;
	s6 =	sadd.s32 @!p0 $0x88, s6;
	s7 =	simm.s32 @p2 $0x1082  }
0x22: {  	[simem:s7], [sflag:s8] =	dma.local @!p0 [hbm:s6], $0xF7A  }
0x23: {  	s9 =	sor.u32 $0xD0000000, s2;
	s6 =	simm.s32 $0x108;
	_ =	swait.ge @!p0 [sflag:s8], $0x0  }
0x24: {  	s3 =	sadd.s32 $0x88, s3;
	s6 =	simm.s32 @!p1 $0x1082;
	[sflag:s4] =	ssyncset.s32 $0xFFFFF086  }
0x25: {  	[simem:s6], [sflag:s4] =	dma.local [hbm:s3], $0xF7A  }
0x26: {  	[smem:$0x3F8E] =	sst s1;
	(tag) =	ssettag s2;
	_ =	strace s9  }
0x27: {  	s1 =	sld [smem:$0x3F9E]  }
0x28: {  	s2 =	sld [smem:$0x3F9F]  }
0x29: {  	s4 =	sld [smem:$0x3FA1]  }
0x2a: {  	p0 =	seq.s32 s5, $0x0;
	s5 =	sld [smem:$0x3FA2]  }
0x2b: {  	s6 =	sld [smem:$0x3FA3]  }
0x2c: {  	s7 =	sld [smem:$0x3FA4]  }
0x2d: {  	s3 =	simm.s32 $0x108;
	s8 =	sld [smem:$0x3FA5]  }
0x2e: {  	s3 =	simm.s32 @!p0 $0x1082;
	s9 =	sld [smem:$0x3FA6]  }
0x2f: {  	lr =	sadd.s32 s0, s3;
	s0 =	sld [smem:$0x3F9D]  }
0x30: {  	s3 =	sld [smem:$0x3FA0]  }
0x31: {  	[smem:$0x3FA9] =	sst s10  }
0x32: {  	s10 =	sld [smem:$0x3FA7];
	_ =	sdelay $0x3  }
0x33: {  	p0 =	seq.s32 s10, $0x1;
	s10 =	sld [smem:$0x3FA9];
	_ =	sdelay $0x3  }
0x34: {  	[smem:$0x3FA9] =	sst s10  }
0x35: {  	s10 =	sld [smem:$0x3FA8];
	_ =	sdelay $0x3  }
0x36: {  	p1 =	seq.s32 s10, $0x1;
	s10 =	sld [smem:$0x3FA9];
	_ =	sdelay $0x3  }
0x37: {  	[smem:$0x3FA9] =	sst s10  }
0x38: {  	s10 =	sld [smem:$0x3FAA]  }
0x39: {  	_ = 	snop;
	(pc) =	sbr.ind lr, $3  }
0x3a: {  	_ = 	snop  }
0x3b: {  	_ = 	snop  }
0x3c: {  	p2 =	seq.s32 s10, $0x1;
	s10 =	sld [smem:$0x3FA9]  }
0x3d: {  	_ =	shalt  }
0x3e: {  	_ =	shalt  }
0x3f: {  	_ =	shalt  }
0x40: {  	_ =	shalt  }
0x41: {  	_ =	shalt  }
0x42: {  	_ =	shalt  }
0x43: {  	_ =	shalt  }
0x44: {  	_ =	shalt  }
0x45: {  	_ =	shalt  }
0x46: {  	_ =	shalt  }
0x47: {  	_ =	shalt  }
0x48: {  	_ =	shalt  }
0x49: {  	_ =	shalt  }
0x4a: {  	_ =	shalt  }
0x4b: {  	_ =	shalt  }
0x4c: {  	_ =	shalt  }
0x4d: {  	_ =	shalt  }
0x4e: {  	_ =	shalt  }
0x4f: {  	_ =	shalt  }
0x50: {  	_ =	shalt  }
0x51: {  	_ =	shalt  }
0x52: {  	_ =	shalt  }
0x53: {  	_ =	shalt  }
0x54: {  	_ =	shalt  }
0x55: {  	_ =	shalt  }
0x56: {  	_ =	shalt  }
0x57: {  	_ =	shalt  }
0x58: {  	_ =	shalt  }
0x59: {  	_ =	shalt  }
0x5a: {  	_ =	shalt  }
0x5b: {  	_ =	shalt  }
0x5c: {  	_ =	shalt  }
0x5d: {  	_ =	shalt  }
0x5e: {  	_ =	shalt  }
0x5f: {  	_ =	shalt  }
0x60: {  	_ =	shalt  }
0x61: {  	_ =	shalt  }
0x62: {  	_ =	shalt  }
0x63: {  	_ =	shalt  }
0x64: {  	_ =	shalt  }
0x65: {  	_ =	shalt  }
0x66: {  	_ =	shalt  }
0x67: {  	_ =	shalt  }
0x68: {  	_ =	shalt  }
0x69: {  	_ =	shalt  }
0x6a: {  	_ =	shalt  }
0x6b: {  	_ =	shalt  }
0x6c: {  	_ =	shalt  }
0x6d: {  	_ =	shalt  }
0x6e: {  	_ =	shalt  }
0x6f: {  	_ =	shalt  }
0x70: {  	_ =	shalt  }
0x71: {  	_ =	shalt  }
0x72: {  	_ =	shalt  }
0x73: {  	_ =	shalt  }
0x74: {  	_ =	shalt  }
0x75: {  	_ =	shalt  }
0x76: {  	_ =	shalt  }
0x77: {  	_ =	shalt  }
0x78: {  	_ =	shalt  }
0x79: {  	_ =	shalt  }
0x7a: {  	_ =	shalt  }
0x7b: {  	_ =	shalt  }
0x7c: {  	_ =	shalt  }
0x7d: {  	_ =	shalt  }
0x7e: {  	_ =	shalt  }
0x7f: {  	_ =	shalt  }
0x80: {  	_ =	shalt  }
0x81: {  	_ =	shalt  }
0x82: {  	_ =	shalt  }
0x83: {  	_ =	shalt  }
0x84: {  	_ =	shalt  }
0x85: {  	_ =	shalt  }
0x86: {  	_ =	shalt  }
0x87: {  	_ =	shalt  }
.Lfunc_end0:
.L_simem_size_0:
called_computation.2_lowered:
.L_overlay_start_0:
0x88: {  	s2 =	sld [smem:$0x3FD9]  }
0x89: {  	s3 =	sld [smem:$0x3FFE];
	_ =	sdelay $0x1  }
0x8a: {  	s1 =	srdreg.scid  }
0x8b: {  	s0 =	sand.u32 $0x1, s1  }
0x8c: {  	s14 =	sshll.u32 s0, $0xA;
	s2 =	sadd.s32 s3, s2  }
0x8d: {  	s2 =	sadd.s32 s2, s14  }
0x8e: {  	[smem:$0x3FB5] =	sst s2  }
0x8f: {  	_ = 	snop  }
0x90: {  	s2 =	sld [smem:$0x3FD0];
	_ =	sdelay $0x2  }
0x91: {  	s15 =	simm.s32 $0xB;
	s4 =	simm.s32 $0x10  }
0x92: {  	[smem:s4], [sflag:s15] =	dma.local [hbm:s2], $0x1  }
0x93: {  	_ =	swait.eq [sflag:s15], $0x1  }
0x94: {  	[sflag:s15] =	ssyncset.done $0x0  }
0x95: {  	[sflag:s15] =	ssyncadd.s32 $0xFFFFFFFF  }
0x96: {  	s16 =	sld [smem:$0x12];
	(tm) =	ssettm $0x1  }
0x97: {  	s17 =	sld [smem:$0x3FFB];
	_ =	sdelay $0x3  }
0x98: {  	_ =	strace s17  }
0x99: {  	s3 =	sld [smem:$0x3FFC];
	_ =	sdelay $0x3  }
0x9a: {  	_ =	strace s3  }
0x9b: {  	s3 =	sld [smem:$0x3FFD];
	_ =	sdelay $0x3  }
0x9c: {  	_ =	strace s3  }
0x9d: {  	_ =	strace $0x8FFFFFFF  }
0x9e: {  	s18 =	sld [smem:$0x3FDB];
	_ =	sdelay $0x1  }
0x9f: {  	s19 =	simm.s32 $_scs_section_size  }
0xa0: {  	s5 =	simm.s32 $_size__tile_overlayer_lowered;
	s6 =	simm.s32 $_tile_overlayer_lowered  }
0xa1: {  	s22 =	simm.s32 $0x1BFF;
	s21 =	sshll.u32 s6, $0x1;
	s3 =	sadd.s32 s19, s18  }
0xa2: {  	s7 =	simm.s32 $0x0;
	s20 =	sshll.u32 s5, $0x1;
	s5 =	sadd.s32 s21, s3  }
0xa3: {  	[timem:s7], [sflag:s22] =	dma.local [hbm:s5], s20  }
0xa4: {  	_ =	swait.ge [sflag:s22], s20  }
0xa5: {  	s4 =	ssub.s32 $0x0, s20;
	[sflag:s22] =	ssyncset.done $0x0  }
0xa6: {  	[sflag:s22] =	ssyncadd.s32 s4;
	_ =	sdelay $0x1  }
0xa7: {  	s23 =	simm.s32 $0x1B8B  }
0xa8: {  	_ =	swait.ge [sflag:s23], $0x1  }
0xa9: {  	[sflag:s23] =	ssyncset.done $0x0  }
0xaa: {  	s25 =	simm.s32 $0x1B8E;
	s24 =	sld [smem:$0x3FFE];
	[sflag:s23] =	ssyncadd.s32 $0xFFFFFFFF  }
0xab: {  	s26 =	simm.s32 $execute0_lowered;
	[smem:$0x3FD2] =	sst s25  }
0xac: {  	s5 =	sshll.u32 s26, $0x1;
	_ =	strace $0x8000004C;
	[dreg:$0x1] =	wrdreg $0xFFFFFFFF  }
0xad: {  	s28 =	simm.s32 $_size_execute0_lowered;
	s3 =	sadd.s32 s3, s5;
	[dreg:$0x0] =	wrdreg $0x0  }
0xae: {  	s5 =	sshll.u32 s28, $0x1;
	[dreg:$0x2] =	wrdreg s3  }
0xaf: {  	[dreg:$0x3] =	wrdreg s5  }
0xb0: {  	[dreg:$0x4] =	wrdreg $0xC0  }
0xb1: {  	_ =	task [dreg:s7], $0x5FFFF  }
0xb2: {  	[dreg:$0x1] =	wrdreg $0xFFFFFFFF  }
0xb3: {  	[dreg:$0x0] =	wrdreg $0x60  }
0xb4: {  	[dreg:$0x2] =	wrdreg s16  }
0xb5: {  	[dreg:$0x3] =	wrdreg s24  }
0xb6: {  	[dreg:$0x4] =	wrdreg $0x9  }
0xb7: {  	_ =	task.clear_ibuf [dreg:s7], $0x5FFFF;
	_ =	strace $0x9000004C  }
0xb8: {  	s29 =	simm.s32 $0x9;
	_ =	strace $0x8000004E  }
0xb9: {  	_ =	swait.ge [sflag:s29], $0x1  }
0xba: {  	[sflag:s29] =	ssyncadd.s32 $0xFFFFFFFF  }
0xbb: {  	_ =	strace $0x9000004E  }
0xbc: {  	_ =	sfence  }
0xbd: {  	s30 =	sld [smem:$0x0];
	_ =	sdelay $0x2  }
0xbe: {  	s31 =	sshll.u32 s1, $0xD;
	s1 =	sshrl.u32 s1, $0x2  }
0xbf: {  	s3 =	sand.u32 $0x4000, s31;
	s1 =	sadd.s32 s1, s30  }
0xc0: {  	s0 =	sor.u32 s3, s0;
	s1 =	sshll.u32 s1, $0x11  }
0xc1: {  	s0 =	sor.u32 s1, s0  }
0xc2: {  	s0 =	sadd.s32 $0x8F2B, s0  }
0xc3: {  	[sflag:s0] =	ssyncadd.remote.s32 $0x1  }
0xc4: {  	_ =	sfence.sel $0xFFFF  }
0xc5: {  	[dreg:$0x0] =	wrdreg $0xFFFFFFFF;
	(pc) =	sbr.abs _section_cstart, $3  }
0xc6: {  	[dreg:$0x1] =	wrdreg $0xFFFFFFFF  }
0xc7: {  	_ =	task.clear_ibuf [dreg:s7], $0x2FFFF;
	_ =	strace $0x9FFFFFFF  }
0xc8: {  	(tm) =	ssettm $0x7FFFFFFF  }
0xc9: {  	_ =	shalt  }
tec
execute0_lowered:
.L_overlay_start_1:
0x0: {  	(tag) =	ssettag $0x1  }
0x1: {  	s1 =	srdreg.scid  }
0x2: {  	s0 =	stileid.u32;
	s2 =	rddreg [dreg:$0x0]  }
0x3: {  	s8 =	rddreg [dreg:$0x1];
	s3 =	simm.s32 $0x0;
	s11 =	simm.s32 $0x9  }
0x4: {  	s12 =	simm.s32 $0x80;
	s13 =	simm.s32 $0x2780;
	s14 =	simm.s32 $0x6780  }
0x5: {  	s15 =	simm.s32 $0x1;
	s16 =	simm.s32 $0x2;
	s17 =	simm.s32 $0x5  }
0x6: {  	s18 =	simm.s32 $0x6;
	s19 =	simm.s32 $0x0;
	s4 =	sand.u32 $0x1, s1  }
0x7: {  	s29 =	sshll.u32 s0, $0x1;
	s7 =	smul.u32 $0x9C, s0;
	[smem:$0x7FF] =	sst s3  }
0x8: {  	p0 =	slt.u32 s0, $0x2;
	s5 =	sor.u32 s4, s29;
	s9 =	smul.u32 $0x4E, s4  }
0x9: {  	_ =	strace $0x8000004D;
	s30 =	ssub.s32 $0x2, s4;
	s6 =	smul.u32 $0x4E, s5  }
0xa: {  	s4 =	simm.s32 $0x4F;
	s5 =	smin.u32 s5, $0x4;
	s7 =	sadd.s32 s9, s7  }
0xb: {  	s31 =	sshrl.u32 s30, $0x1;
	s6 =	sadd.s32 s5, s6;
	s5 =	sadd.s32 s5, s7  }
0xc: {  	s4 =	simm.s32 @!p0 $0x4E;
	s6 =	sshll.u32 s6, $0x4;
	s5 =	sshll.u32 s5, $0xB  }
0xd: {  	s7 =	ssub.s32 s30, s31;
	s6 =	sadd.s32 s6, s8;
	s10 =	sadd.s32 s5, s8  }
0xe: {  	s5 =	sadd.s32 $0x7200, s6;
	s6 =	smax.u32 s7, $0x1;
	s7 =	sadd.s32 $0x11000, s10  }
0xf: {  	s8 =	sadd.s32 $0x12800, s10;
	s9 =	sadd.s32 $0x12000, s10;
	s10 =	sadd.s32 $0x11800, s10  }
.LBB2_1:
0x10: {  	[tilespmem:s3], [sflag:$0x9] =	stream.linear.gather [hbm4b:s5+s3], $0x2780, $0x38;
	[tilespmem:$0x12780] =	vst v63  }
0x11: {  	_ =	swait.ge [sflag:s11], $0x2780  }
0x12: {  	[sflag:s11] =	ssyncset.done $0x0  }
0x13: {  	s20 =	simm.s32 $0x0;
	[sflag:s11] =	ssyncadd.s32 $0xFFFFD880  }
0x14: {  	[tilespmem:s13], [sflag:$0x1] =	stream.indirect.gather [hbm4b:s2+s12], $0x80, s20, s12, $0xb8;
	[tilespmem:$0x12780] =	vst v63  }
0x15: {  	p1 =	sle.u32 s4, $0x2;
	p0 =	sle.u32 s4, $0x3;
	s31 =	simm.s32 $0x80  }
0x16: {  	[tilespmem:s14], [sflag:$0x2] =	stream.indirect.gather [hbm4b:s2+s12], $0x80, s31, s12, $0xb8;
	[tilespmem:$0x12780] =	vst v63  }
0x17: {  	s21 =	simm.s32 @!p1 $0x100;
	s22 =	simm.s32 @!p1 $0xA780;
	s20 =	simm.s32 @!p1 $0x80  }
0x18: {  	[tilespmem:s22], [sflag:$0x3] =	stream.indirect.gather @!p1 [hbm4b:s2+s20], $0x80, s21, s20, $0xb8;
	[tilespmem:$0x12780] =	vst v63  }
0x19: {  	s23 =	simm.s32 @!p0 $0x180;
	s20 =	simm.s32 @!p0 $0xE780;
	s21 =	simm.s32 @!p0 $0x80  }
0x1a: {  	[tilespmem:s20], [sflag:$0x4] =	stream.indirect.gather @!p0 [hbm4b:s2+s21], $0x80, s23, s21, $0xb8;
	[tilespmem:$0x12780] =	vst v63  }
0x1b: {  	_ =	swait.ge [sflag:s15], $0x4000  }
0x1c: {  	[sflag:s15] =	ssyncset.done $0x0  }
0x1d: {  	[sflag:s15] =	ssyncadd.s32 $0xFFFFC000  }
0x1e: {  	[hbm4b:s7+s3] =	stream.linear.scatter [tilespmem:s13], [sflag:$0x5], $0x4000, $0x38;
	[tilespmem:$0x12780] =	vst v63  }
0x1f: {  	_ =	swait.ge [sflag:s16], $0x4000  }
0x20: {  	[sflag:s16] =	ssyncset.done $0x0  }
0x21: {  	s21 =	simm.s32 @!p1 $0x3;
	[sflag:s16] =	ssyncadd.s32 $0xFFFFC000  }
0x22: {  	[hbm4b:s10+s3] =	stream.linear.scatter [tilespmem:s14], [sflag:$0x6], $0x4000, $0x38;
	[tilespmem:$0x12780] =	vst v63  }
0x23: {  	_ =	swait.ge @!p1 [sflag:s21], $0x4000  }
0x24: {  	[sflag:s21] =	ssyncset.done @!p1 $0x0  }
0x25: {  	s23 =	simm.s32 @!p1 $0x0;
	[sflag:s21] =	ssyncadd.s32 @!p1 $0xFFFFC000;
	s21 =	simm.s32 @!p0 $0x4  }
0x26: {  	[hbm4b:s9+s23] =	stream.linear.scatter @!p1 [tilespmem:s22], [sflag:$0x7], $0x4000, $0x38;
	[tilespmem:$0x12780] =	vst v63  }
0x27: {  	_ =	swait.ge @!p0 [sflag:s21], $0x4000  }
0x28: {  	[sflag:s21] =	ssyncset.done @!p0 $0x0  }
0x29: {  	s22 =	simm.s32 @!p0 $0x0;
	[sflag:s21] =	ssyncadd.s32 @!p0 $0xFFFFC000  }
0x2a: {  	[hbm4b:s8+s22] =	stream.linear.scatter @!p0 [tilespmem:s20], [sflag:$0x8], $0x4000, $0x38;
	[tilespmem:$0x12780] =	vst v63  }
0x2b: {  	_ =	swait.ge [sflag:s17], $0x4000  }
0x2c: {  	[sflag:s17] =	ssyncset.done $0x0  }
0x2d: {  	[sflag:s17] =	ssyncadd.s32 $0xFFFFC000  }
0x2e: {  	_ =	swait.ge [sflag:s18], $0x4000  }
0x2f: {  	[sflag:s18] =	ssyncset.done $0x0  }
0x30: {  	s24 =	simm.s32 $0x7;
	s23 =	simm.s32 @!p1 $0x7;
	[sflag:s18] =	ssyncadd.s32 $0xFFFFC000  }
0x31: {  	s25 =	smov.u32 s7;
	s26 =	simm.s32 @!p0 $0x8;
	_ =	swait.ge @!p1 [sflag:s23], $0x4000  }
0x32: {  	s21 =	sadd.s32 $0x2000, s10;
	s20 =	simm.s32 $0x800;
	[sflag:s23] =	ssyncset.done @!p1 $0x0  }
0x33: {  	s22 =	sadd.s32 $0x2000, s9;
	[sflag:s23] =	ssyncadd.s32 @!p1 $0xFFFFC000;
	s23 =	sadd.s32 $0x2000, s8  }
.LBB2_2:
0x34: {  	_ =	swait.ge @!p0 [sflag:s26], $0x4000  }
0x35: {  	s25 =	sadd.s32 $0x2000, s25;
	s28 =	smov.u32 s20;
	s20 =	sadd.s32 $0x800, s20  }
0x36: {  	s30 =	sadd.s32 $0xFFFFFFFF, s24;
	s29 =	sshra.s32 s28, $0x2;
	[sflag:s26] =	ssyncset.done @!p0 $0x0  }
0x37: {  	p1 =	sge.u32 s30, s4;
	[sflag:s26] =	ssyncadd.s32 @!p0 $0xFFFFC000;
	p0 =	sge.u32 s24, s4  }
0x38: {  	[tilespmem:s13], [sflag:$0x1] =	stream.indirect.gather [hbm4b:s2+s12], $0x80, s29, s12, $0xb8;
	[tilespmem:$0x12780] =	vst v63  }
0x39: {  	s26 =	sshra.s32 @!p1 s28, $0x2;
	s30 =	simm.s32 @!p1 $0x80;
	s31 =	simm.s32 @!p0 $0xE780  }
0x3a: {  	s1 =	simm.s32 @!p1 $0xA780;
	s29 =	sadd.s32 $0x80, s29;
	s26 =	sadd.s32 @!p1 $0x100, s26  }
0x3b: {  	[tilespmem:s14], [sflag:$0x2] =	stream.indirect.gather [hbm4b:s2+s12], $0x80, s29, s12, $0xb8;
	[tilespmem:$0x12780] =	vst v63  }
0x3c: {  	p2 =	sne.s32 s20, $0xA000;
	s28 =	sshra.s32 @!p0 s28, $0x2;
	s29 =	simm.s32 @!p0 $0x80  }
0x3d: {  	[tilespmem:s1], [sflag:$0x3] =	stream.indirect.gather @!p1 [hbm4b:s2+s30], $0x80, s26, s30, $0xb8;
	[tilespmem:$0x12780] =	vst v63  }
0x3e: {  	s26 =	sadd.s32 @!p0 $0x180, s28  }
0x3f: {  	[tilespmem:s31], [sflag:$0x4] =	stream.indirect.gather @!p0 [hbm4b:s2+s29], $0x80, s26, s29, $0xb8;
	[tilespmem:$0x12780] =	vst v63  }
0x40: {  	_ =	swait.ge [sflag:s15], $0x4000  }
0x41: {  	[sflag:s15] =	ssyncset.done $0x0  }
0x42: {  	[sflag:s15] =	ssyncadd.s32 $0xFFFFC000  }
0x43: {  	[hbm4b:s25+s3] =	stream.linear.scatter [tilespmem:s13], [sflag:$0x5], $0x4000, $0x38;
	[tilespmem:$0x12780] =	vst v63  }
0x44: {  	_ =	swait.ge [sflag:s16], $0x4000  }
0x45: {  	[sflag:s16] =	ssyncset.done $0x0  }
0x46: {  	s26 =	simm.s32 @!p1 $0x3;
	[sflag:s16] =	ssyncadd.s32 $0xFFFFC000  }
0x47: {  	[hbm4b:s21+s3] =	stream.linear.scatter [tilespmem:s14], [sflag:$0x6], $0x4000, $0x38;
	[tilespmem:$0x12780] =	vst v63  }
0x48: {  	_ =	swait.ge @!p1 [sflag:s26], $0x4000  }
0x49: {  	s28 =	simm.s32 @!p1 $0x0;
	[sflag:s26] =	ssyncset.done @!p1 $0x0  }
0x4a: {  	[sflag:s26] =	ssyncadd.s32 @!p1 $0xFFFFC000;
	s26 =	simm.s32 @!p0 $0x4  }
0x4b: {  	[hbm4b:s22+s28] =	stream.linear.scatter @!p1 [tilespmem:s1], [sflag:$0x7], $0x4000, $0x38;
	[tilespmem:$0x12780] =	vst v63  }
0x4c: {  	_ =	swait.ge @!p0 [sflag:s26], $0x4000  }
0x4d: {  	s1 =	simm.s32 @!p0 $0x0;
	[sflag:s26] =	ssyncset.done @!p0 $0x0  }
0x4e: {  	[sflag:s26] =	ssyncadd.s32 @!p0 $0xFFFFC000  }
0x4f: {  	[hbm4b:s23+s1] =	stream.linear.scatter @!p0 [tilespmem:s31], [sflag:$0x8], $0x4000, $0x38;
	[tilespmem:$0x12780] =	vst v63  }
0x50: {  	_ =	swait.ge [sflag:s17], $0x4000  }
0x51: {  	[sflag:s17] =	ssyncset.done $0x0  }
0x52: {  	[sflag:s17] =	ssyncadd.s32 $0xFFFFC000  }
0x53: {  	_ =	swait.ge [sflag:s18], $0x4000  }
.Ltmp0:
0x54: {  	s1 =	simm.s32 @!p1 $0x7;
	[sflag:s18] =	ssyncset.done $0x0;
	(pc) =	sbr.rel @p2 .LBB2_2-.Ltmp0, $4  }
0x55: {  	[sflag:s18] =	ssyncadd.s32 $0xFFFFC000  }
0x56: {  	s21 =	sadd.s32 $0x2000, s21;
	_ =	swait.ge @!p1 [sflag:s1], $0x4000  }
0x57: {  	s22 =	sadd.s32 $0x2000, s22;
	s26 =	simm.s32 @!p0 $0x8;
	[sflag:s1] =	ssyncset.done @!p1 $0x0  }
0x58: {  	s24 =	sadd.s32 $0x4, s24;
	s23 =	sadd.s32 $0x2000, s23;
	[sflag:s1] =	ssyncadd.s32 @!p1 $0xFFFFC000  }
0x59: {  	s19 =	sadd.s32 $0x1, s19  }
0x5a: {  	p1 =	sne.s32 s19, s6  }
.Ltmp1:
0x5b: {  	_ = 	snop;
	(pc) =	sbr.rel @p1 .LBB2_1-.Ltmp1, $4  }
0x5c: {  	_ = 	snop  }
0x5d: {  	_ =	swait.ge @!p0 [sflag:s26], $0x4000  }
0x5e: {  	[sflag:s26] =	ssyncset.done @!p0 $0x0  }
0x5f: {  	[sflag:s26] =	ssyncadd.s32 @!p0 $0xFFFFC000  }
0x60: {  	_ =	sfence.sel $0x180000  }
0x61: {  	[bflag:$0x0] =	sbarrier.arrive $0xFFFF  }
0x62: {  	_ =	strace $0x9000004D  }
0x63: {  	[bflag:$0x2] =	sbarrier.arrive $0xFFFF  }
0x64: {  	p0 =	sne.s32 s0, $0x0;
	s0 =	rddreg [dreg:$0x2]  }
0x65: {  	s0 =	sadd.s32 @!p0 $0x100000, s0  }
0x66: {  	[sflag:s0] =	ssyncadd.tile.s32 @!p0 $0x1;
	_ =	shalt  }
.Lfunc_end2:
_tile_overlayer_lowered:
.L_overlay_start_2:
0x67: {  	(tag) =	ssettag $0x2  }
0x68: {  	s0 =	rddreg [dreg:$0x0];
	s2 =	stileid.u32  }
0x69: {  	s1 =	rddreg [dreg:$0x1];
	p0 =	sne.s32 s2, $0x0  }
0x6a: {  	s3 =	rddreg [dreg:$0x2];
	[bflag:$0x3] =	sbarrier.arrive $0xFFFF;
	s2 =	simm.s32 @!p0 $0x1C09  }
0x6b: {  	[timem:s3], [sflag:s2] =	dma.local @!p0 [hbm:s0], s1  }
0x6c: {  	s0 =	simm.s32 @!p0 $0x9  }
0x6d: {  	_ =	swait.ge @!p0 [sflag:s0], s1  }
0x6e: {  	s1 =	ssub.s32 @!p0 $0x0, s1;
	[sflag:s0] =	ssyncset.done @!p0 $0x0  }
0x6f: {  	[sflag:s0] =	ssyncadd.s32 @!p0 s1  }
0x70: {  	[bflag:$0x3] =	sbarrier.arrive $0xFFFF  }
0x71: {  	_ =	shalt  }

// kernel: kernel.20.cloned.1.call-start
scs
__scs_entry_jumppad:
0x0: {  	(pc) =	sbr.rel $0x88, $3  }
0x1: {  	(tag) =	ssettag $0x0;
	lr =	simm.s32 $0x1  }
0x2: {  	[smem:$0x3F8E] =	sst lr;
	_ =	strace $0xD0000000  }
0x3: {  	_ = 	snop  }
0x4: {  	_ = 	snop  }
0x5: {  	_ = 	snop  }
0x6: {  	_ = 	snop  }
0x7: {  	_ = 	snop  }
__scs_overlays_trampoline_lowered:
0x8: {  	[smem:$0x3F9D] =	sst s0  }
0x9: {  	[smem:$0x3F9E] =	sst s1  }
0xa: {  	[smem:$0x3F9F] =	sst s2  }
0xb: {  	[smem:$0x3FA0] =	sst s3  }
0xc: {  	[smem:$0x3FA1] =	sst s4  }
0xd: {  	[smem:$0x3FA2] =	sst s5  }
0xe: {  	[smem:$0x3FA3] =	sst s6  }
0xf: {  	[smem:$0x3FA4] =	sst s7  }
0x10: {  	[smem:$0x3FA5] =	sst s8  }
0x11: {  	[smem:$0x3FA6] =	sst s9;
	s0 =	simm.s32 @!p0 $0x0  }
0x12: {  	s1 =	sld [smem:$0x3F8C];
	s0 =	simm.s32 @p0 $0x1  }
0x13: {  	[smem:$0x3FA7] =	sst s0;
	s0 =	simm.s32 @!p1 $0x0  }
0x14: {  	s2 =	sld [smem:$0x3F8B];
	s0 =	simm.s32 @p1 $0x1  }
0x15: {  	[smem:$0x3FA8] =	sst s0;
	s0 =	simm.s32 @!p2 $0x0  }
0x16: {  	s3 =	sld [smem:$0x3FDB];
	s0 =	simm.s32 @p2 $0x1  }
0x17: {  	s4 =	simm.s32 $0x1BF5;
	[smem:$0x3FAA] =	sst s0  }
0x18: {  	s0 =	sld [smem:$0x3F8D];
	_ =	swait.ge [sflag:s4], $0x0  }
0x19: {  	s7 =	sld [smem:$0x3F8E]  }
0x1a: {  	s8 =	sadd.s32 $0xFFFFE003, lr  }
0x1b: {  	s9 =	sadd.s32 $0xFFFFFEF7, lr;
	s5 =	simm.s32 $0xFFFFFFFF;
	p2 =	slt.u32 s8, $0xFFFFF086  }
0x1c: {  	p1 =	slt.u32 s9, $0xF7A;
	s5 =	simm.s32 @!p2 $0x0  }
0x1d: {  	s5 =	simm.s32 @p1 $0x1;
	p0 =	seq.s32 s7, s2  }
0x1e: {  	s7 =	smul.u32 @!p0 $0xF7A, s2;
	p2 =	seq.s32 @!p0 s5, $0x0  }
0x1f: {  	s9 =	smul.u32 $0xF7A, s1;
	s8 =	simm.s32 @!p0 $0x1BF5;
	p2 =	por !p2, p0  }
0x20: {  	[sflag:s8] =	ssyncset.s32 @!p0 $0xFFFFF086;
	s6 =	sadd.s32 @!p0 s3, s7;
	s7 =	simm.s32 @!p0 $0x108  }
0x21: {  	s3 =	sadd.s32 s3, s9;
	s6 =	sadd.s32 @!p0 $0x88, s6;
	s7 =	simm.s32 @p2 $0x1082  }
0x22: {  	[simem:s7], [sflag:s8] =	dma.local @!p0 [hbm:s6], $0xF7A  }
0x23: {  	s9 =	sor.u32 $0xD0000000, s2;
	s6 =	simm.s32 $0x108;
	_ =	swait.ge @!p0 [sflag:s8], $0x0  }
0x24: {  	s3 =	sadd.s32 $0x88, s3;
	s6 =	simm.s32 @!p1 $0x1082;
	[sflag:s4] =	ssyncset.s32 $0xFFFFF086  }
0x25: {  	[simem:s6], [sflag:s4] =	dma.local [hbm:s3], $0xF7A  }
0x26: {  	[smem:$0x3F8E] =	sst s1;
	(tag) =	ssettag s2;
	_ =	strace s9  }
0x27: {  	s1 =	sld [smem:$0x3F9E]  }
0x28: {  	s2 =	sld [smem:$0x3F9F]  }
0x29: {  	s4 =	sld [smem:$0x3FA1]  }
0x2a: {  	p0 =	seq.s32 s5, $0x0;
	s5 =	sld [smem:$0x3FA2]  }
0x2b: {  	s6 =	sld [smem:$0x3FA3]  }
0x2c: {  	s7 =	sld [smem:$0x3FA4]  }
0x2d: {  	s3 =	simm.s32 $0x108;
	s8 =	sld [smem:$0x3FA5]  }
0x2e: {  	s3 =	simm.s32 @!p0 $0x1082;
	s9 =	sld [smem:$0x3FA6]  }
0x2f: {  	lr =	sadd.s32 s0, s3;
	s0 =	sld [smem:$0x3F9D]  }
0x30: {  	s3 =	sld [smem:$0x3FA0]  }
0x31: {  	[smem:$0x3FA9] =	sst s10  }
0x32: {  	s10 =	sld [smem:$0x3FA7];
	_ =	sdelay $0x3  }
0x33: {  	p0 =	seq.s32 s10, $0x1;
	s10 =	sld [smem:$0x3FA9];
	_ =	sdelay $0x3  }
0x34: {  	[smem:$0x3FA9] =	sst s10  }
0x35: {  	s10 =	sld [smem:$0x3FA8];
	_ =	sdelay $0x3  }
0x36: {  	p1 =	seq.s32 s10, $0x1;
	s10 =	sld [smem:$0x3FA9];
	_ =	sdelay $0x3  }
0x37: {  	[smem:$0x3FA9] =	sst s10  }
0x38: {  	s10 =	sld [smem:$0x3FAA]  }
0x39: {  	_ = 	snop;
	(pc) =	sbr.ind lr, $3  }
0x3a: {  	_ = 	snop  }
0x3b: {  	_ = 	snop  }
0x3c: {  	p2 =	seq.s32 s10, $0x1;
	s10 =	sld [smem:$0x3FA9]  }
0x3d: {  	_ =	shalt  }
0x3e: {  	_ =	shalt  }
0x3f: {  	_ =	shalt  }
0x40: {  	_ =	shalt  }
0x41: {  	_ =	shalt  }
0x42: {  	_ =	shalt  }
0x43: {  	_ =	shalt  }
0x44: {  	_ =	shalt  }
0x45: {  	_ =	shalt  }
0x46: {  	_ =	shalt  }
0x47: {  	_ =	shalt  }
0x48: {  	_ =	shalt  }
0x49: {  	_ =	shalt  }
0x4a: {  	_ =	shalt  }
0x4b: {  	_ =	shalt  }
0x4c: {  	_ =	shalt  }
0x4d: {  	_ =	shalt  }
0x4e: {  	_ =	shalt  }
0x4f: {  	_ =	shalt  }
0x50: {  	_ =	shalt  }
0x51: {  	_ =	shalt  }
0x52: {  	_ =	shalt  }
0x53: {  	_ =	shalt  }
0x54: {  	_ =	shalt  }
0x55: {  	_ =	shalt  }
0x56: {  	_ =	shalt  }
0x57: {  	_ =	shalt  }
0x58: {  	_ =	shalt  }
0x59: {  	_ =	shalt  }
0x5a: {  	_ =	shalt  }
0x5b: {  	_ =	shalt  }
0x5c: {  	_ =	shalt  }
0x5d: {  	_ =	shalt  }
0x5e: {  	_ =	shalt  }
0x5f: {  	_ =	shalt  }
0x60: {  	_ =	shalt  }
0x61: {  	_ =	shalt  }
0x62: {  	_ =	shalt  }
0x63: {  	_ =	shalt  }
0x64: {  	_ =	shalt  }
0x65: {  	_ =	shalt  }
0x66: {  	_ =	shalt  }
0x67: {  	_ =	shalt  }
0x68: {  	_ =	shalt  }
0x69: {  	_ =	shalt  }
0x6a: {  	_ =	shalt  }
0x6b: {  	_ =	shalt  }
0x6c: {  	_ =	shalt  }
0x6d: {  	_ =	shalt  }
0x6e: {  	_ =	shalt  }
0x6f: {  	_ =	shalt  }
0x70: {  	_ =	shalt  }
0x71: {  	_ =	shalt  }
0x72: {  	_ =	shalt  }
0x73: {  	_ =	shalt  }
0x74: {  	_ =	shalt  }
0x75: {  	_ =	shalt  }
0x76: {  	_ =	shalt  }
0x77: {  	_ =	shalt  }
0x78: {  	_ =	shalt  }
0x79: {  	_ =	shalt  }
0x7a: {  	_ =	shalt  }
0x7b: {  	_ =	shalt  }
0x7c: {  	_ =	shalt  }
0x7d: {  	_ =	shalt  }
0x7e: {  	_ =	shalt  }
0x7f: {  	_ =	shalt  }
0x80: {  	_ =	shalt  }
0x81: {  	_ =	shalt  }
0x82: {  	_ =	shalt  }
0x83: {  	_ =	shalt  }
0x84: {  	_ =	shalt  }
0x85: {  	_ =	shalt  }
0x86: {  	_ =	shalt  }
0x87: {  	_ =	shalt  }
.Lfunc_end0:
.L_simem_size_0:
called_computation.3_lowered:
.L_overlay_start_0:
0x88: {  	s2 =	sld [smem:$0x3FD9]  }
0x89: {  	s3 =	sld [smem:$0x3FFE];
	_ =	sdelay $0x1  }
0x8a: {  	s1 =	srdreg.scid  }
0x8b: {  	s0 =	sand.u32 $0x1, s1  }
0x8c: {  	s14 =	sshll.u32 s0, $0xA;
	s2 =	sadd.s32 s3, s2  }
0x8d: {  	s2 =	sadd.s32 s2, s14  }
0x8e: {  	[smem:$0x3FB5] =	sst s2  }
0x8f: {  	_ = 	snop  }
0x90: {  	s2 =	sld [smem:$0x3FD0];
	_ =	sdelay $0x2  }
0x91: {  	s15 =	simm.s32 $0xB;
	s4 =	simm.s32 $0x10  }
0x92: {  	[smem:s4], [sflag:s15] =	dma.local [hbm:s2], $0x1  }
0x93: {  	_ =	swait.eq [sflag:s15], $0x1  }
0x94: {  	[sflag:s15] =	ssyncset.done $0x0  }
0x95: {  	[sflag:s15] =	ssyncadd.s32 $0xFFFFFFFF  }
0x96: {  	s16 =	sld [smem:$0x12];
	(tm) =	ssettm $0x1  }
0x97: {  	s17 =	sld [smem:$0x3FFB];
	_ =	sdelay $0x3  }
0x98: {  	_ =	strace s17  }
0x99: {  	s3 =	sld [smem:$0x3FFC];
	_ =	sdelay $0x3  }
0x9a: {  	_ =	strace s3  }
0x9b: {  	s3 =	sld [smem:$0x3FFD];
	_ =	sdelay $0x3  }
0x9c: {  	_ =	strace s3  }
0x9d: {  	_ =	strace $0x8FFFFFFF  }
0x9e: {  	s18 =	sld [smem:$0x3FDB];
	_ =	sdelay $0x1  }
0x9f: {  	s19 =	simm.s32 $_scs_section_size  }
0xa0: {  	s5 =	simm.s32 $_size__tile_overlayer_lowered;
	s6 =	simm.s32 $_tile_overlayer_lowered  }
0xa1: {  	s22 =	simm.s32 $0x1BFF;
	s21 =	sshll.u32 s6, $0x1;
	s3 =	sadd.s32 s19, s18  }
0xa2: {  	s7 =	simm.s32 $0x0;
	s20 =	sshll.u32 s5, $0x1;
	s5 =	sadd.s32 s21, s3  }
0xa3: {  	[timem:s7], [sflag:s22] =	dma.local [hbm:s5], s20  }
0xa4: {  	_ =	swait.ge [sflag:s22], s20  }
0xa5: {  	s4 =	ssub.s32 $0x0, s20;
	[sflag:s22] =	ssyncset.done $0x0  }
0xa6: {  	[sflag:s22] =	ssyncadd.s32 s4;
	_ =	sdelay $0x1  }
0xa7: {  	s23 =	simm.s32 $0x1B8B  }
0xa8: {  	_ =	swait.ge [sflag:s23], $0x1  }
0xa9: {  	[sflag:s23] =	ssyncset.done $0x0  }
0xaa: {  	s25 =	simm.s32 $0x1B8E;
	s24 =	sld [smem:$0x3FFE];
	[sflag:s23] =	ssyncadd.s32 $0xFFFFFFFF  }
0xab: {  	s26 =	simm.s32 $execute0_lowered;
	[smem:$0x3FD2] =	sst s25  }
0xac: {  	s5 =	sshll.u32 s26, $0x1;
	_ =	strace $0x8000004F;
	[dreg:$0x1] =	wrdreg $0xFFFFFFFF  }
0xad: {  	s28 =	simm.s32 $_size_execute0_lowered;
	s3 =	sadd.s32 s3, s5;
	[dreg:$0x0] =	wrdreg $0x0  }
0xae: {  	s5 =	sshll.u32 s28, $0x1;
	[dreg:$0x2] =	wrdreg s3  }
0xaf: {  	[dreg:$0x3] =	wrdreg s5  }
0xb0: {  	[dreg:$0x4] =	wrdreg $0xC0  }
0xb1: {  	_ =	task [dreg:s7], $0x5FFFF  }
0xb2: {  	[dreg:$0x1] =	wrdreg $0xFFFFFFFF  }
0xb3: {  	[dreg:$0x0] =	wrdreg $0x60  }
0xb4: {  	[dreg:$0x2] =	wrdreg s16  }
0xb5: {  	[dreg:$0x3] =	wrdreg s24  }
0xb6: {  	[dreg:$0x4] =	wrdreg $0x9  }
0xb7: {  	_ =	task.clear_ibuf [dreg:s7], $0x5FFFF;
	_ =	strace $0x9000004F  }
0xb8: {  	s29 =	simm.s32 $0x9;
	_ =	strace $0x80000051  }
0xb9: {  	_ =	swait.ge [sflag:s29], $0x1  }
0xba: {  	[sflag:s29] =	ssyncadd.s32 $0xFFFFFFFF  }
0xbb: {  	_ =	strace $0x90000051  }
0xbc: {  	_ =	sfence  }
0xbd: {  	s30 =	sld [smem:$0x0];
	_ =	sdelay $0x2  }
0xbe: {  	s31 =	sshll.u32 s1, $0xD;
	s1 =	sshrl.u32 s1, $0x2  }
0xbf: {  	s3 =	sand.u32 $0x4000, s31;
	s1 =	sadd.s32 s1, s30  }
0xc0: {  	s0 =	sor.u32 s3, s0;
	s1 =	sshll.u32 s1, $0x11  }
0xc1: {  	s0 =	sor.u32 s1, s0  }
0xc2: {  	s0 =	sadd.s32 $0x8F2B, s0  }
0xc3: {  	[sflag:s0] =	ssyncadd.remote.s32 $0x1  }
0xc4: {  	_ =	sfence.sel $0xFFFF  }
0xc5: {  	[dreg:$0x0] =	wrdreg $0xFFFFFFFF;
	(pc) =	sbr.abs _section_cstart, $3  }
0xc6: {  	[dreg:$0x1] =	wrdreg $0xFFFFFFFF  }
0xc7: {  	_ =	task.clear_ibuf [dreg:s7], $0x2FFFF;
	_ =	strace $0x9FFFFFFF  }
0xc8: {  	(tm) =	ssettm $0x7FFFFFFF  }
0xc9: {  	_ =	shalt  }
tec
execute0_lowered:
.L_overlay_start_1:
0x0: {  	(tag) =	ssettag $0x1  }
0x1: {  	s1 =	srdreg.scid  }
0x2: {  	s0 =	stileid.u32;
	s2 =	rddreg [dreg:$0x0]  }
0x3: {  	s8 =	rddreg [dreg:$0x1];
	s3 =	simm.s32 $0x0;
	s11 =	simm.s32 $0x9  }
0x4: {  	s12 =	simm.s32 $0x80;
	s13 =	simm.s32 $0x2780;
	s14 =	simm.s32 $0x6780  }
0x5: {  	s15 =	simm.s32 $0x1;
	s16 =	simm.s32 $0x2;
	s17 =	simm.s32 $0x5  }
0x6: {  	s18 =	simm.s32 $0x6;
	s19 =	simm.s32 $0x0;
	s4 =	sand.u32 $0x1, s1  }
0x7: {  	s29 =	sshll.u32 s0, $0x1;
	s7 =	smul.u32 $0x9C, s0;
	[smem:$0x7FF] =	sst s3  }
0x8: {  	p0 =	slt.u32 s0, $0x2;
	s5 =	sor.u32 s4, s29;
	s9 =	smul.u32 $0x4E, s4  }
0x9: {  	_ =	strace $0x80000050;
	s30 =	ssub.s32 $0x2, s4;
	s6 =	smul.u32 $0x4E, s5  }
0xa: {  	s4 =	simm.s32 $0x4F;
	s5 =	smin.u32 s5, $0x4;
	s7 =	sadd.s32 s9, s7  }
0xb: {  	s31 =	sshrl.u32 s30, $0x1;
	s6 =	sadd.s32 s5, s6;
	s5 =	sadd.s32 s5, s7  }
0xc: {  	s4 =	simm.s32 @!p0 $0x4E;
	s6 =	sshll.u32 s6, $0x4;
	s5 =	sshll.u32 s5, $0xB  }
0xd: {  	s7 =	ssub.s32 s30, s31;
	s6 =	sadd.s32 s6, s8;
	s10 =	sadd.s32 s5, s8  }
0xe: {  	s5 =	sadd.s32 $0x7200, s6;
	s6 =	smax.u32 s7, $0x1;
	s7 =	sadd.s32 $0x11000, s10  }
0xf: {  	s8 =	sadd.s32 $0x12800, s10;
	s9 =	sadd.s32 $0x12000, s10;
	s10 =	sadd.s32 $0x11800, s10  }
.LBB2_1:
0x10: {  	[tilespmem:s3], [sflag:$0x9] =	stream.linear.gather [hbm4b:s5+s3], $0x2780, $0x38;
	[tilespmem:$0x12780] =	vst v63  }
0x11: {  	_ =	swait.ge [sflag:s11], $0x2780  }
0x12: {  	[sflag:s11] =	ssyncset.done $0x0  }
0x13: {  	s20 =	simm.s32 $0x0;
	[sflag:s11] =	ssyncadd.s32 $0xFFFFD880  }
0x14: {  	[tilespmem:s13], [sflag:$0x1] =	stream.indirect.gather [hbm4b:s2+s12], $0x80, s20, s12, $0xb8;
	[tilespmem:$0x12780] =	vst v63  }
0x15: {  	p1 =	sle.u32 s4, $0x2;
	p0 =	sle.u32 s4, $0x3;
	s31 =	simm.s32 $0x80  }
0x16: {  	[tilespmem:s14], [sflag:$0x2] =	stream.indirect.gather [hbm4b:s2+s12], $0x80, s31, s12, $0xb8;
	[tilespmem:$0x12780] =	vst v63  }
0x17: {  	s21 =	simm.s32 @!p1 $0x100;
	s22 =	simm.s32 @!p1 $0xA780;
	s20 =	simm.s32 @!p1 $0x80  }
0x18: {  	[tilespmem:s22], [sflag:$0x3] =	stream.indirect.gather @!p1 [hbm4b:s2+s20], $0x80, s21, s20, $0xb8;
	[tilespmem:$0x12780] =	vst v63  }
0x19: {  	s23 =	simm.s32 @!p0 $0x180;
	s20 =	simm.s32 @!p0 $0xE780;
	s21 =	simm.s32 @!p0 $0x80  }
0x1a: {  	[tilespmem:s20], [sflag:$0x4] =	stream.indirect.gather @!p0 [hbm4b:s2+s21], $0x80, s23, s21, $0xb8;
	[tilespmem:$0x12780] =	vst v63  }
0x1b: {  	_ =	swait.ge [sflag:s15], $0x4000  }
0x1c: {  	[sflag:s15] =	ssyncset.done $0x0  }
0x1d: {  	[sflag:s15] =	ssyncadd.s32 $0xFFFFC000  }
0x1e: {  	[hbm4b:s7+s3] =	stream.linear.scatter [tilespmem:s13], [sflag:$0x5], $0x4000, $0x38;
	[tilespmem:$0x12780] =	vst v63  }
0x1f: {  	_ =	swait.ge [sflag:s16], $0x4000  }
0x20: {  	[sflag:s16] =	ssyncset.done $0x0  }
0x21: {  	s21 =	simm.s32 @!p1 $0x3;
	[sflag:s16] =	ssyncadd.s32 $0xFFFFC000  }
0x22: {  	[hbm4b:s10+s3] =	stream.linear.scatter [tilespmem:s14], [sflag:$0x6], $0x4000, $0x38;
	[tilespmem:$0x12780] =	vst v63  }
0x23: {  	_ =	swait.ge @!p1 [sflag:s21], $0x4000  }
0x24: {  	[sflag:s21] =	ssyncset.done @!p1 $0x0  }
0x25: {  	s23 =	simm.s32 @!p1 $0x0;
	[sflag:s21] =	ssyncadd.s32 @!p1 $0xFFFFC000;
	s21 =	simm.s32 @!p0 $0x4  }
0x26: {  	[hbm4b:s9+s23] =	stream.linear.scatter @!p1 [tilespmem:s22], [sflag:$0x7], $0x4000, $0x38;
	[tilespmem:$0x12780] =	vst v63  }
0x27: {  	_ =	swait.ge @!p0 [sflag:s21], $0x4000  }
0x28: {  	[sflag:s21] =	ssyncset.done @!p0 $0x0  }
0x29: {  	s22 =	simm.s32 @!p0 $0x0;
	[sflag:s21] =	ssyncadd.s32 @!p0 $0xFFFFC000  }
0x2a: {  	[hbm4b:s8+s22] =	stream.linear.scatter @!p0 [tilespmem:s20], [sflag:$0x8], $0x4000, $0x38;
	[tilespmem:$0x12780] =	vst v63  }
0x2b: {  	_ =	swait.ge [sflag:s17], $0x4000  }
0x2c: {  	[sflag:s17] =	ssyncset.done $0x0  }
0x2d: {  	[sflag:s17] =	ssyncadd.s32 $0xFFFFC000  }
0x2e: {  	_ =	swait.ge [sflag:s18], $0x4000  }
0x2f: {  	[sflag:s18] =	ssyncset.done $0x0  }
0x30: {  	s24 =	simm.s32 $0x7;
	s23 =	simm.s32 @!p1 $0x7;
	[sflag:s18] =	ssyncadd.s32 $0xFFFFC000  }
0x31: {  	s25 =	smov.u32 s7;
	s26 =	simm.s32 @!p0 $0x8;
	_ =	swait.ge @!p1 [sflag:s23], $0x4000  }
0x32: {  	s21 =	sadd.s32 $0x2000, s10;
	s20 =	simm.s32 $0x800;
	[sflag:s23] =	ssyncset.done @!p1 $0x0  }
0x33: {  	s22 =	sadd.s32 $0x2000, s9;
	[sflag:s23] =	ssyncadd.s32 @!p1 $0xFFFFC000;
	s23 =	sadd.s32 $0x2000, s8  }
.LBB2_2:
0x34: {  	_ =	swait.ge @!p0 [sflag:s26], $0x4000  }
0x35: {  	s25 =	sadd.s32 $0x2000, s25;
	s28 =	smov.u32 s20;
	s20 =	sadd.s32 $0x800, s20  }
0x36: {  	s30 =	sadd.s32 $0xFFFFFFFF, s24;
	s29 =	sshra.s32 s28, $0x2;
	[sflag:s26] =	ssyncset.done @!p0 $0x0  }
0x37: {  	p1 =	sge.u32 s30, s4;
	[sflag:s26] =	ssyncadd.s32 @!p0 $0xFFFFC000;
	p0 =	sge.u32 s24, s4  }
0x38: {  	[tilespmem:s13], [sflag:$0x1] =	stream.indirect.gather [hbm4b:s2+s12], $0x80, s29, s12, $0xb8;
	[tilespmem:$0x12780] =	vst v63  }
0x39: {  	s26 =	sshra.s32 @!p1 s28, $0x2;
	s30 =	simm.s32 @!p1 $0x80;
	s31 =	simm.s32 @!p0 $0xE780  }
0x3a: {  	s1 =	simm.s32 @!p1 $0xA780;
	s29 =	sadd.s32 $0x80, s29;
	s26 =	sadd.s32 @!p1 $0x100, s26  }
0x3b: {  	[tilespmem:s14], [sflag:$0x2] =	stream.indirect.gather [hbm4b:s2+s12], $0x80, s29, s12, $0xb8;
	[tilespmem:$0x12780] =	vst v63  }
0x3c: {  	p2 =	sne.s32 s20, $0xA000;
	s28 =	sshra.s32 @!p0 s28, $0x2;
	s29 =	simm.s32 @!p0 $0x80  }
0x3d: {  	[tilespmem:s1], [sflag:$0x3] =	stream.indirect.gather @!p1 [hbm4b:s2+s30], $0x80, s26, s30, $0xb8;
	[tilespmem:$0x12780] =	vst v63  }
0x3e: {  	s26 =	sadd.s32 @!p0 $0x180, s28  }
0x3f: {  	[tilespmem:s31], [sflag:$0x4] =	stream.indirect.gather @!p0 [hbm4b:s2+s29], $0x80, s26, s29, $0xb8;
	[tilespmem:$0x12780] =	vst v63  }
0x40: {  	_ =	swait.ge [sflag:s15], $0x4000  }
0x41: {  	[sflag:s15] =	ssyncset.done $0x0  }
0x42: {  	[sflag:s15] =	ssyncadd.s32 $0xFFFFC000  }
0x43: {  	[hbm4b:s25+s3] =	stream.linear.scatter [tilespmem:s13], [sflag:$0x5], $0x4000, $0x38;
	[tilespmem:$0x12780] =	vst v63  }
0x44: {  	_ =	swait.ge [sflag:s16], $0x4000  }
0x45: {  	[sflag:s16] =	ssyncset.done $0x0  }
0x46: {  	s26 =	simm.s32 @!p1 $0x3;
	[sflag:s16] =	ssyncadd.s32 $0xFFFFC000  }
0x47: {  	[hbm4b:s21+s3] =	stream.linear.scatter [tilespmem:s14], [sflag:$0x6], $0x4000, $0x38;
	[tilespmem:$0x12780] =	vst v63  }
0x48: {  	_ =	swait.ge @!p1 [sflag:s26], $0x4000  }
0x49: {  	s28 =	simm.s32 @!p1 $0x0;
	[sflag:s26] =	ssyncset.done @!p1 $0x0  }
0x4a: {  	[sflag:s26] =	ssyncadd.s32 @!p1 $0xFFFFC000;
	s26 =	simm.s32 @!p0 $0x4  }
0x4b: {  	[hbm4b:s22+s28] =	stream.linear.scatter @!p1 [tilespmem:s1], [sflag:$0x7], $0x4000, $0x38;
	[tilespmem:$0x12780] =	vst v63  }
0x4c: {  	_ =	swait.ge @!p0 [sflag:s26], $0x4000  }
0x4d: {  	s1 =	simm.s32 @!p0 $0x0;
	[sflag:s26] =	ssyncset.done @!p0 $0x0  }
0x4e: {  	[sflag:s26] =	ssyncadd.s32 @!p0 $0xFFFFC000  }
0x4f: {  	[hbm4b:s23+s1] =	stream.linear.scatter @!p0 [tilespmem:s31], [sflag:$0x8], $0x4000, $0x38;
	[tilespmem:$0x12780] =	vst v63  }
0x50: {  	_ =	swait.ge [sflag:s17], $0x4000  }
0x51: {  	[sflag:s17] =	ssyncset.done $0x0  }
0x52: {  	[sflag:s17] =	ssyncadd.s32 $0xFFFFC000  }
0x53: {  	_ =	swait.ge [sflag:s18], $0x4000  }
.Ltmp0:
0x54: {  	s1 =	simm.s32 @!p1 $0x7;
	[sflag:s18] =	ssyncset.done $0x0;
	(pc) =	sbr.rel @p2 .LBB2_2-.Ltmp0, $4  }
0x55: {  	[sflag:s18] =	ssyncadd.s32 $0xFFFFC000  }
0x56: {  	s21 =	sadd.s32 $0x2000, s21;
	_ =	swait.ge @!p1 [sflag:s1], $0x4000  }
0x57: {  	s22 =	sadd.s32 $0x2000, s22;
	s26 =	simm.s32 @!p0 $0x8;
	[sflag:s1] =	ssyncset.done @!p1 $0x0  }
0x58: {  	s24 =	sadd.s32 $0x4, s24;
	s23 =	sadd.s32 $0x2000, s23;
	[sflag:s1] =	ssyncadd.s32 @!p1 $0xFFFFC000  }
0x59: {  	s19 =	sadd.s32 $0x1, s19  }
0x5a: {  	p1 =	sne.s32 s19, s6  }
.Ltmp1:
0x5b: {  	_ = 	snop;
	(pc) =	sbr.rel @p1 .LBB2_1-.Ltmp1, $4  }
0x5c: {  	_ = 	snop  }
0x5d: {  	_ =	swait.ge @!p0 [sflag:s26], $0x4000  }
0x5e: {  	[sflag:s26] =	ssyncset.done @!p0 $0x0  }
0x5f: {  	[sflag:s26] =	ssyncadd.s32 @!p0 $0xFFFFC000  }
0x60: {  	_ =	sfence.sel $0x180000  }
0x61: {  	[bflag:$0x0] =	sbarrier.arrive $0xFFFF  }
0x62: {  	_ =	strace $0x90000050  }
0x63: {  	[bflag:$0x2] =	sbarrier.arrive $0xFFFF  }
0x64: {  	p0 =	sne.s32 s0, $0x0;
	s0 =	rddreg [dreg:$0x2]  }
0x65: {  	s0 =	sadd.s32 @!p0 $0x100000, s0  }
0x66: {  	[sflag:s0] =	ssyncadd.tile.s32 @!p0 $0x1;
	_ =	shalt  }
.Lfunc_end2:
_tile_overlayer_lowered:
.L_overlay_start_2:
0x67: {  	(tag) =	ssettag $0x2  }
0x68: {  	s0 =	rddreg [dreg:$0x0];
	s2 =	stileid.u32  }
0x69: {  	s1 =	rddreg [dreg:$0x1];
	p0 =	sne.s32 s2, $0x0  }
0x6a: {  	s3 =	rddreg [dreg:$0x2];
	[bflag:$0x3] =	sbarrier.arrive $0xFFFF;
	s2 =	simm.s32 @!p0 $0x1C09  }
0x6b: {  	[timem:s3], [sflag:s2] =	dma.local @!p0 [hbm:s0], s1  }
0x6c: {  	s0 =	simm.s32 @!p0 $0x9  }
0x6d: {  	_ =	swait.ge @!p0 [sflag:s0], s1  }
0x6e: {  	s1 =	ssub.s32 @!p0 $0x0, s1;
	[sflag:s0] =	ssyncset.done @!p0 $0x0  }
0x6f: {  	[sflag:s0] =	ssyncadd.s32 @!p0 s1  }
0x70: {  	[bflag:$0x3] =	sbarrier.arrive $0xFFFF  }
0x71: {  	_ =	shalt  }

</sc_bundles>
